<compile_context>
chip_gen: v7x
topology: tpu7x:2x2x1
jax: 0.10.2.dev20260603
libtpu: 0.0.44.dev20260713+nightly
codegen_flags: <defaults>
</compile_context>

<pallas_src>
import dataclasses
import functools

import jax
import jax.numpy as jnp
from jax import lax
from jax.experimental import pallas as pl
from jax.experimental.pallas import tpu as pltpu
from jax.experimental.pallas import tpu_sc as plsc

EPS = 1e-5
NC = 2
NS = 16
NW = NC * NS

_SC_CP = pltpu.CompilerParams()
if "needs_layout_passes" in pltpu.CompilerParams.__dataclass_fields__:
    _SC_CP = dataclasses.replace(_SC_CP, needs_layout_passes=False)

CK = 128
BN = 2000


def _pick_block(n, cands):
    for c in cands:
        if n % c == 0:
            return c
    return 1



def _ln(y, g, b):
    m = jnp.mean(y, axis=-1, keepdims=True)
    v = jnp.mean((y - m) * (y - m), axis=-1, keepdims=True)
    return (y - m) * lax.rsqrt(v + EPS) * g + b


def _tw_body(attr, wp1, bp1, gp, bpj, wp2t, bp2, out):
    t = jnp.dot(attr[...], wp1[...], preferred_element_type=jnp.float32)
    t = _ln(t + bp1[...], gp[...], bpj[...])
    t = jnp.maximum(t, 0.0)
    out[...] = jnp.sum(t * wp2t[...], axis=-1, keepdims=True) + bp2[...]


def _edge_weights(attr, Wp1, bp1, g_proj, b_proj, Wp2, bp2):
    e, k = attr.shape
    h = Wp1.shape[1]
    be = _pick_block(e, [2560, 2500, 2048, 2000, 1600, 1280, 1250, 1000,
                         800, 640, 500, 400, 320, 256, 200, 160, 128, 100,
                         80, 64, 50, 40, 32, 25, 20, 16, 10, 8, 5, 4, 2])
    full = lambda shape: pl.BlockSpec(shape, lambda i: (0,) * len(shape))
    return pl.pallas_call(
        _tw_body,
        grid=(e // be,),
        in_specs=[pl.BlockSpec((be, k), lambda i: (i, 0)),
                  full((k, h)), full((1, h)), full((1, h)), full((1, h)),
                  full((1, h)), full((1, 1))],
        out_specs=pl.BlockSpec((be, 1), lambda i: (i, 0)),
        out_shape=jax.ShapeDtypeStruct((e, 1), jnp.float32),
    )(attr, Wp1, bp1.reshape(1, h), g_proj.reshape(1, h),
      b_proj.reshape(1, h), Wp2.reshape(1, h), bp2.reshape(1, 1))


def _prep_body(degp, x, w, u_out, dinv_out):
    deg = jnp.sum(degp[0], axis=0) + 1.0
    dinv = jnp.where(deg > 1e-12, lax.rsqrt(deg), 0.0)
    h = jnp.dot(x[...], w[...], preferred_element_type=jnp.float32)
    u_out[...] = h * dinv[:, None]
    dinv_out[...] = dinv[:, None]


def _bold_prep(degp, x, W):
    n, d = x.shape
    bn = BN
    return pl.pallas_call(
        _prep_body,
        grid=(n // bn,),
        in_specs=[pl.BlockSpec((1, NW, bn), lambda i: (i, 0, 0)),
                  pl.BlockSpec((bn, d), lambda i: (i, 0)),
                  pl.BlockSpec((d, d), lambda i: (0, 0))],
        out_specs=[pl.BlockSpec((bn, d), lambda i: (i, 0)),
                   pl.BlockSpec((bn, 1), lambda i: (i, 0))],
        out_shape=[jax.ShapeDtypeStruct((n, d), jnp.float32),
                   jax.ShapeDtypeStruct((n, 1), jnp.float32)],
    )(degp, x, W)


def _mid_body(p, u, dinv, bb, x, gs, bs, degpt, wt,
              sf1_out, ut_out, dinvt_out):
    agg = (p[0] + p[1] + u[...]) * dinv[...] + bb[...]
    sf1 = jnp.maximum(_ln(agg + x[...], gs[...], bs[...]), 0.0)
    degt = jnp.sum(degpt[0], axis=0) + 1.0
    dinvt = jnp.where(degt > 1e-12, lax.rsqrt(degt), 0.0)
    ht = jnp.dot(sf1, wt[...], preferred_element_type=jnp.float32)
    sf1_out[...] = sf1
    ut_out[...] = ht * dinvt[:, None]
    dinvt_out[...] = dinvt[:, None]


def _bold_finish_temp_prep(p, u, dinv, b_bold, x, g_s, b_s, degpt, W_temp):
    n, d = x.shape
    bn = BN
    full = lambda shape: pl.BlockSpec(shape, lambda i: (0,) * len(shape))
    return pl.pallas_call(
        _mid_body,
        grid=(n // bn,),
        in_specs=[pl.BlockSpec((2, bn, d), lambda i: (0, i, 0)),
                  pl.BlockSpec((bn, d), lambda i: (i, 0)),
                  pl.BlockSpec((bn, 1), lambda i: (i, 0)),
                  full((1, d)),
                  pl.BlockSpec((bn, d), lambda i: (i, 0)),
                  full((1, d)), full((1, d)),
                  pl.BlockSpec((1, NW, bn), lambda i: (i, 0, 0)),
                  full((d, d))],
        out_specs=[pl.BlockSpec((bn, d), lambda i: (i, 0)),
                   pl.BlockSpec((bn, d), lambda i: (i, 0)),
                   pl.BlockSpec((bn, 1), lambda i: (i, 0))],
        out_shape=[jax.ShapeDtypeStruct((n, d), jnp.float32),
                   jax.ShapeDtypeStruct((n, d), jnp.float32),
                   jax.ShapeDtypeStruct((n, 1), jnp.float32)],
    )(p, u, dinv, b_bold.reshape(1, d), x, g_s.reshape(1, d),
      b_s.reshape(1, d), degpt, W_temp)


def _final_body(p, u, dinv, bt, sf1, gt, btt, x, gs, bs, out):
    agg = (p[0] + p[1] + u[...]) * dinv[...] + bt[...]
    sf2 = jnp.maximum(_ln(agg + sf1[...], gt[...], btt[...]), 0.0)
    out[...] = _ln(sf2 + x[...], gs[...], bs[...])


def _final(p, u, dinv, b_temp, sf1, g_t, b_t, x, g_s, b_s):
    n, d = x.shape
    bn = BN
    full = lambda shape: pl.BlockSpec(shape, lambda i: (0,) * len(shape))
    return pl.pallas_call(
        _final_body,
        grid=(n // bn,),
        in_specs=[pl.BlockSpec((2, bn, d), lambda i: (0, i, 0)),
                  pl.BlockSpec((bn, d), lambda i: (i, 0)),
                  pl.BlockSpec((bn, 1), lambda i: (i, 0)),
                  full((1, d)),
                  pl.BlockSpec((bn, d), lambda i: (i, 0)),
                  full((1, d)), full((1, d)),
                  pl.BlockSpec((bn, d), lambda i: (i, 0)),
                  full((1, d)), full((1, d))],
        out_specs=pl.BlockSpec((bn, d), lambda i: (i, 0)),
        out_shape=jax.ShapeDtypeStruct((n, d), jnp.float32),
    )(p, u, dinv, b_temp.reshape(1, d), sf1, g_t.reshape(1, d),
      b_t.reshape(1, d), x, g_s.reshape(1, d), b_s.reshape(1, d))



def _sc_degree_call(dst_pad, s_pad, n, npad):
    ep = dst_pad.shape[0]
    per = ep // NW
    mesh = plsc.VectorSubcoreMesh(core_axis_name="c", subcore_axis_name="s")

    @functools.partial(
        pl.kernel,
        out_type=jax.ShapeDtypeStruct((NW * n,), jnp.float32),
        mesh=mesh,
        compiler_params=_SC_CP,
        scratch_types=[pltpu.VMEM((npad,), jnp.float32),
                       pltpu.VMEM((per,), jnp.int32),
                       pltpu.VMEM((per,), jnp.float32)],
    )
    def k(dst_hbm, s_hbm, out_hbm, deg_v, idx_v, val_v):
        wid = lax.axis_index("c") * NS + lax.axis_index("s")
        zero16 = jnp.zeros((16,), jnp.float32)

        @pl.loop(0, npad, step=16)
        def _(i):
            deg_v[pl.ds(i, 16)] = zero16

        base = wid * per
        pltpu.sync_copy(dst_hbm.at[pl.ds(base, per)], idx_v)
        pltpu.sync_copy(s_hbm.at[pl.ds(base, per)], val_v)

        @pl.loop(0, per, step=16)
        def _(g):
            plsc.addupdate_scatter(deg_v, [idx_v[pl.ds(g, 16)]],
                                   val_v[pl.ds(g, 16)])

        for i in range(n // BN):
            pltpu.sync_copy(deg_v.at[pl.ds(i * BN, BN)],
                            out_hbm.at[pl.ds((i * NW + wid) * BN, BN)])

    return k(dst_pad, s_pad)


def _sc_agg_call(u_tbl, src3, dst3, s_pad, n, npad):
    d = u_tbl.shape[1]
    ch = src3.shape[1]
    per = ch * CK
    rpt = npad // NS
    mesh = plsc.VectorSubcoreMesh(core_axis_name="c", subcore_axis_name="s")

    @functools.partial(
        pl.kernel,
        out_type=jax.ShapeDtypeStruct((NC * npad, d), jnp.float32),
        mesh=mesh,
        compiler_params=_SC_CP,
        scratch_types=[pltpu.VMEM_SHARED((npad, d), jnp.float32),
                       pltpu.VMEM((CK, d), jnp.float32),
                       pltpu.VMEM((ch, CK), jnp.int32),
                       pltpu.VMEM((ch, CK), jnp.int32),
                       pltpu.VMEM((per,), jnp.float32),
                       pltpu.SemaphoreType.DMA],
    )
    def k(u_hbm, src_hbm, dst_hbm, s_hbm, out_hbm,
          acc_sh, rows_v, si_v, di_v, sv_v, sem):
        cid = lax.axis_index("c")
        sid = lax.axis_index("s")
        wid = cid * NS + sid
        zero16 = jnp.zeros((16,), jnp.float32)

        @pl.loop(0, CK)
        def _(r):
            for j in range(d // 16):
                rows_v[r, pl.ds(16 * j, 16)] = zero16

        row0 = sid * rpt
        nfull = rpt // CK
        for q in range(nfull):
            pltpu.sync_copy(rows_v, acc_sh.at[pl.ds(row0 + q * CK, CK)])
        rem = rpt - nfull * CK
        if rem:
            pltpu.sync_copy(rows_v.at[pl.ds(0, rem)],
                            acc_sh.at[pl.ds(row0 + nfull * CK, rem)])
        plsc.subcore_barrier()

        pltpu.sync_copy(src_hbm.at[wid], si_v)
        pltpu.sync_copy(dst_hbm.at[wid], di_v)
        pltpu.sync_copy(s_hbm.at[pl.ds(wid * per, per)], sv_v)

        @pl.loop(0, ch)
        def _(c):
            pltpu.async_copy(u_hbm.at[si_v.at[c]], rows_v, sem).wait()

            @pl.loop(0, CK)
            def _(e):
                w16 = plsc.load_gather(
                    sv_v, [jnp.full((16,), c * CK + e, jnp.int32)])
                for j in range(d // 16):
                    sl = (e, pl.ds(16 * j, 16))
                    rows_v[sl] = rows_v[sl] * w16

            pltpu.sync_copy(rows_v, acc_sh.at[di_v.at[c]], add=True)

        plsc.subcore_barrier()
        pltpu.sync_copy(acc_sh.at[pl.ds(row0, rpt)],
                        out_hbm.at[pl.ds(cid * npad + row0, rpt)])

    return k(u_tbl, src3, dst3, s_pad).reshape(NC, npad, d)



def kernel(x_struct, x_gene, bold_edge_index, bold_edge_attr,
           temporal_edge_index, temporal_edge_attr, W_bold, b_bold,
           W_temp, b_temp, Wp1, bp1, g_proj, b_proj, Wp2, bp2,
           g_struct, b_struct, g_temporal, b_temporal):
    n, d = x_struct.shape
    e = bold_edge_index.shape[1]
    blk = NW * CK
    ep = ((e + blk - 1) // blk) * blk
    ch = ep // NW // CK
    npad = -(-n // (NS * 8)) * (NS * 8)

    pad = lambda a: jnp.pad(a, (0, ep - e))
    as3 = lambda a: pad(a.astype(jnp.int32)).reshape(NW, ch, CK)
    spread = (n + (jnp.arange(ep - e, dtype=jnp.int32)
                   % max(npad - n, 1))) if npad > n else \
        jnp.zeros((ep - e,), jnp.int32)
    dpad = lambda a: jnp.concatenate(
        [a.astype(jnp.int32), spread]).reshape(NW, ch, CK)

    src_b3 = as3(bold_edge_index[0])
    dst_b3 = dpad(bold_edge_index[1])
    w_b = pad(bold_edge_attr[:, 0])
    src_t3 = as3(temporal_edge_index[0])
    dst_t3 = dpad(temporal_edge_index[1])

    tw = _edge_weights(temporal_edge_attr, Wp1, bp1, g_proj, b_proj,
                       Wp2, bp2)
    tw_pad = pad(tw[:, 0])

    degp_b = _sc_degree_call(dst_b3.reshape(-1), w_b, n, npad).reshape(
        n // BN, NW, BN)
    degp_t = _sc_degree_call(dst_t3.reshape(-1), tw_pad, n, npad).reshape(
        n // BN, NW, BN)

    u_b, dinv_b = _bold_prep(degp_b, x_struct, W_bold)

    p_b = _sc_agg_call(u_b, src_b3, dst_b3, w_b, n, npad)

    sf1, u_t, dinv_t = _bold_finish_temp_prep(
        p_b, u_b, dinv_b, b_bold, x_struct, g_struct, b_struct,
        degp_t, W_temp)

    p_t = _sc_agg_call(u_t, src_t3, dst_t3, tw_pad, n, npad)

    return _final(p_t, u_t, dinv_t, b_temp, sf1, g_temporal, b_temporal,
                  x_struct, g_struct, b_struct)

# --- scband reference (transcript-rebuilt; emitter-appended) ---
"""Pipeline reference for scband-stblock-35897336660384 (READ-ONLY COPY).

The authoritative reference and input builder live on the scoring server;
editing this copy changes nothing except your own understanding.
"""

import jax, jax.numpy as jnp
import numpy as np

N = 10000
D = 128
H = 128
E = 320000
EPS = 1e-5


def _layer_norm(x, g, b):
    m = jnp.mean(x, axis=-1, keepdims=True)
    v = jnp.var(x, axis=-1, keepdims=True)
    return (x - m) / jnp.sqrt(v + EPS) * g + b


def _gcn(x, edge_index, edge_weight, W, b):
    # GCNConv with self-loops and symmetric normalization (PyG semantics)
    n = x.shape[0]
    loop = jnp.arange(n, dtype=edge_index.dtype)
    src = jnp.concatenate([edge_index[0], loop])
    dst = jnp.concatenate([edge_index[1], loop])
    w = jnp.concatenate([edge_weight, jnp.ones((n,), dtype=x.dtype)])
    deg = jax.ops.segment_sum(w, dst, num_segments=n)
    dinv = jnp.where(deg > 1e-12, 1.0 / jnp.sqrt(jnp.maximum(deg, 1e-12)), 0.0)
    norm = dinv[src] * w * dinv[dst]
    h = x @ W
    out = jax.ops.segment_sum(norm[:, None] * h[src], dst, num_segments=n)
    return out + b


def setup_inputs(seed: int = 0):
    key = jax.random.key(seed)
    ks = jax.random.split(key, 16)
    inp = {}
    inp['x_struct'] = jax.random.normal(ks[0], (N, D), jnp.float32)
    inp['x_gene'] = jax.random.normal(ks[1], (1000, D), jnp.float32)
    inp['bold_edge_index'] = jax.random.randint(ks[2], (2, E), 0, N)
    inp['bold_edge_attr'] = jax.random.uniform(ks[3], (E, 1), jnp.float32)
    inp['temporal_edge_index'] = jax.random.randint(ks[4], (2, E), 0, N)
    inp['temporal_edge_attr'] = jax.random.normal(ks[5], (E, 107), jnp.float32) * 0.1
    s = 1.0 / np.sqrt(D)
    inp['W_bold'] = jax.random.normal(ks[6], (D, H), jnp.float32) * s
    inp['b_bold'] = jnp.zeros((H,), jnp.float32)
    inp['W_temp'] = jax.random.normal(ks[7], (H, H), jnp.float32) * s
    inp['b_temp'] = jnp.zeros((H,), jnp.float32)
    inp['Wp1'] = jax.random.normal(ks[8], (107, H), jnp.float32) * (1.0 / np.sqrt(107))
    inp['bp1'] = jnp.zeros((H,), jnp.float32)
    inp['g_proj'] = jnp.ones((H,), jnp.float32)
    inp['b_proj'] = jnp.zeros((H,), jnp.float32)
    inp['Wp2'] = jax.random.normal(ks[9], (H, 1), jnp.float32) * s
    inp['bp2'] = jnp.full((1,), 0.5, jnp.float32)
    inp['g_struct'] = jnp.ones((H,), jnp.float32)
    inp['b_struct'] = jnp.zeros((H,), jnp.float32)
    inp['g_temporal'] = jnp.ones((H,), jnp.float32)
    inp['b_temporal'] = jnp.zeros((H,), jnp.float32)
    return inp


def reference(x_struct, x_gene, bold_edge_index, bold_edge_attr, temporal_edge_index, temporal_edge_attr, W_bold, b_bold, W_temp, b_temp, Wp1, bp1, g_proj, b_proj, Wp2, bp2, g_struct, b_struct, g_temporal, b_temporal):
    # use_gene_nodes=False path: only _process_spatial_temporal runs
    sf = x_struct
    original = sf
    # BOLD branch
    ew = bold_edge_attr[:, 0]
    bold_out = _gcn(sf, bold_edge_index, ew, W_bold, b_bold)
    sf = jax.nn.relu(_layer_norm(bold_out + sf, g_struct, b_struct))
    # temporal branch: edge_attr has 107 dims -> temporal_edge_proj -> scalar weight per edge (temporal_dim=1)
    h = temporal_edge_attr @ Wp1 + bp1
    h = jax.nn.relu(_layer_norm(h, g_proj, b_proj))
    tw = (h @ Wp2 + bp2)[:, 0]
    temporal_out = _gcn(sf, temporal_edge_index, tw, W_temp, b_temp)
    sf = jax.nn.relu(_layer_norm(temporal_out + sf, g_temporal, b_temporal))
    out = _layer_norm(sf + original, g_struct, b_struct)
    # module returns (struct_features, None, struct_features); emit the struct features
    return out

if __name__ == "__main__":
    import jax
    _d = setup_inputs()
    print(jax.jit(kernel)(*tuple(_d.values())))

</pallas_src>

<mosaic_0001>
#map = affine_map<(d0, d1) -> (0)>
module attributes {stable_mosaic.version = 14 : i64} {
  func.func @k(%arg0: i32, %arg1: i32, %arg2: memref<323584xi32, #tpu.memory_space<hbm>>, %arg3: memref<323584xf32, #tpu.memory_space<hbm>>, %arg4: memref<320000xf32, #tpu.memory_space<hbm>>, %arg5: memref<10112xf32, #tpu.memory_space<vmem>>, %arg6: memref<10112xi32, #tpu.memory_space<vmem>>, %arg7: memref<10112xf32, #tpu.memory_space<vmem>>) attributes {dimension_semantics = [#tpu.dimension_semantics<core_parallel>, #tpu.dimension_semantics<subcore_parallel>], iteration_bounds = array<i64: 2, 16>, scalar_prefetch = 0 : i64, scratch_operands = 3 : i64, tpu.core_type = #tpu.core_type<sc_vector_subcore>, window_params = [{transform_indices = #map}, {transform_indices = #map}, {transform_indices = #map}]} {
    %mul3A = arith.constant 16 : i32
    %mul3A_0 = arith.muli %arg0, %mul3A : i32
    %add3A = arith.addi %mul3A_0, %arg1 : i32
    %broadcast_in_dim3A = arith.constant 0.000000e+00 : f32
    %broadcast_in_dim3A_1 = vector.broadcast %broadcast_in_dim3A : f32 to vector<16xf32>
    %scan3A = arith.constant 0 : i32
    %scan3A_2 = arith.constant 632 : i32
    %scan3A_3 = arith.addi %scan3A, %scan3A_2 : i32
    %scan3A_4 = arith.constant 1 : i32
    scf.for %scan3A_33 = %scan3A to %scan3A_3 step %scan3A_4  : i32 {
      %mul3A_34 = arith.constant 16 : i32
      %mul3A_35 = arith.muli %scan3A_33, %mul3A_34 : i32
      %add3A_36 = arith.constant 0 : i32
      %add3A_37 = arith.addi %add3A_36, %mul3A_35 : i32
      %swap3A = arith.index_cast %add3A_37 : i32 to index
      %swap3A_38 = tpu.vector_load %arg5[%swap3A] {strides = array<i32>} : memref<10112xf32, #tpu.memory_space<vmem>>, vector<16xf32>,
      tpu.vector_store %arg5[%swap3A], %broadcast_in_dim3A_1 {strides = array<i32>} : memref<10112xf32, #tpu.memory_space<vmem>>, vector<16xf32>,
    }
    %scan3A_5 = arith.constant 632 : i32
    %mul3A_6 = arith.constant 10112 : i32
    %mul3A_7 = arith.muli %add3A, %mul3A_6 : i32
    "tpu.region"() ({
      %run_scoped3A = tpu.sem_alloc : memref<!tpu.dma_semaphore, #tpu.memory_space<semaphore_mem>>
      %dma_start3A = tpu.memref_slice %arg2[%mul3A_7] : memref<323584xi32, #tpu.memory_space<hbm>> -> memref<10112xi32, #tpu.memory_space<hbm>>
      %dma_start3A_33 = tpu.memref_slice %arg2[%mul3A_7] : memref<323584xi32, #tpu.memory_space<hbm>> -> memref<10112xi32, #tpu.memory_space<hbm>>
      tpu.enqueue_dma source(%dma_start3A_33 : memref<10112xi32, #tpu.memory_space<hbm>>) target(%arg6 : memref<10112xi32, #tpu.memory_space<vmem>>) target_semaphore(%run_scoped3A : memref<!tpu.dma_semaphore, #tpu.memory_space<semaphore_mem>>)
      %dma_wait3A = tpu.memref_slice %arg2[%mul3A_7] : memref<323584xi32, #tpu.memory_space<hbm>> -> memref<10112xi32, #tpu.memory_space<hbm>>
      %dma_wait3A_34 = tpu.memref_slice %arg2[%mul3A_7] : memref<323584xi32, #tpu.memory_space<hbm>> -> memref<10112xi32, #tpu.memory_space<hbm>>
      tpu.wait_dma2 semaphore(%run_scoped3A : memref<!tpu.dma_semaphore, #tpu.memory_space<semaphore_mem>>) src(%dma_wait3A_34 : memref<10112xi32, #tpu.memory_space<hbm>>) dst(%arg6 : memref<10112xi32, #tpu.memory_space<vmem>>)
      tpu.yield
    }) : () -> ()
    "tpu.region"() ({
      %run_scoped3A = tpu.sem_alloc : memref<!tpu.dma_semaphore, #tpu.memory_space<semaphore_mem>>
      %dma_start3A = tpu.memref_slice %arg3[%mul3A_7] : memref<323584xf32, #tpu.memory_space<hbm>> -> memref<10112xf32, #tpu.memory_space<hbm>>
      %dma_start3A_33 = tpu.memref_slice %arg3[%mul3A_7] : memref<323584xf32, #tpu.memory_space<hbm>> -> memref<10112xf32, #tpu.memory_space<hbm>>
      tpu.enqueue_dma source(%dma_start3A_33 : memref<10112xf32, #tpu.memory_space<hbm>>) target(%arg7 : memref<10112xf32, #tpu.memory_space<vmem>>) target_semaphore(%run_scoped3A : memref<!tpu.dma_semaphore, #tpu.memory_space<semaphore_mem>>)
      %dma_wait3A = tpu.memref_slice %arg3[%mul3A_7] : memref<323584xf32, #tpu.memory_space<hbm>> -> memref<10112xf32, #tpu.memory_space<hbm>>
      %dma_wait3A_34 = tpu.memref_slice %arg3[%mul3A_7] : memref<323584xf32, #tpu.memory_space<hbm>> -> memref<10112xf32, #tpu.memory_space<hbm>>
      tpu.wait_dma2 semaphore(%run_scoped3A : memref<!tpu.dma_semaphore, #tpu.memory_space<semaphore_mem>>) src(%dma_wait3A_34 : memref<10112xf32, #tpu.memory_space<hbm>>) dst(%arg7 : memref<10112xf32, #tpu.memory_space<vmem>>)
      tpu.yield
    }) : () -> ()
    %scan3A_8 = arith.constant 0 : i32
    %scan3A_9 = arith.constant 632 : i32
    %scan3A_10 = arith.addi %scan3A_8, %scan3A_9 : i32
    %scan3A_11 = arith.constant 1 : i32
    scf.for %scan3A_33 = %scan3A_8 to %scan3A_10 step %scan3A_11  : i32 {
      %mul3A_34 = arith.constant 16 : i32
      %mul3A_35 = arith.muli %scan3A_33, %mul3A_34 : i32
      %add3A_36 = arith.constant 0 : i32
      %add3A_37 = arith.addi %add3A_36, %mul3A_35 : i32
      %get3A = arith.index_cast %add3A_37 : i32 to index
      %get3A_38 = tpu.vector_load %arg6[%get3A] {strides = array<i32>} : memref<10112xi32, #tpu.memory_space<vmem>>, vector<16xi32>,
      %get3A_39 = arith.index_cast %add3A_37 : i32 to index
      %get3A_40 = tpu.vector_load %arg7[%get3A_39] {strides = array<i32>} : memref<10112xf32, #tpu.memory_space<vmem>>, vector<16xf32>,
      tpu.vector_store_idx %arg5[%get3A_38], %get3A_40 {add = true} : memref<10112xf32, #tpu.memory_space<vmem>>[vector<16xi32>], vector<16xf32>,
    }
    %scan3A_12 = arith.constant 632 : i32
    %add3A_13 = arith.constant 0 : i32
    %add3A_14 = arith.addi %add3A_13, %add3A : i32
    %mul3A_15 = arith.constant 2000 : i32
    %mul3A_16 = arith.muli %add3A_14, %mul3A_15 : i32
    "tpu.region"() ({
      %run_scoped3A = tpu.sem_alloc : memref<!tpu.dma_semaphore, #tpu.memory_space<semaphore_mem>>
      %dma_start3A = arith.constant 0 : i32
      %dma_start3A_33 = tpu.memref_slice %arg5[%dma_start3A] : memref<10112xf32, #tpu.memory_space<vmem>> -> memref<2000xf32, #tpu.memory_space<vmem>>
      %dma_start3A_34 = tpu.memref_slice %arg4[%mul3A_16] : memref<320000xf32, #tpu.memory_space<hbm>> -> memref<2000xf32, #tpu.memory_space<hbm>>
      %dma_start3A_35 = tpu.memref_slice %arg4[%mul3A_16] : memref<320000xf32, #tpu.memory_space<hbm>> -> memref<2000xf32, #tpu.memory_space<hbm>>
      %dma_start3A_36 = arith.constant 0 : i32
      %dma_start3A_37 = tpu.memref_slice %arg5[%dma_start3A_36] : memref<10112xf32, #tpu.memory_space<vmem>> -> memref<2000xf32, #tpu.memory_space<vmem>>
      tpu.enqueue_dma source(%dma_start3A_37 : memref<2000xf32, #tpu.memory_space<vmem>>) target(%dma_start3A_35 : memref<2000xf32, #tpu.memory_space<hbm>>) target_semaphore(%run_scoped3A : memref<!tpu.dma_semaphore, #tpu.memory_space<semaphore_mem>>)
      %dma_wait3A = arith.constant 0 : i32
      %dma_wait3A_38 = tpu.memref_slice %arg5[%dma_wait3A] : memref<10112xf32, #tpu.memory_space<vmem>> -> memref<2000xf32, #tpu.memory_space<vmem>>
      %dma_wait3A_39 = tpu.memref_slice %arg4[%mul3A_16] : memref<320000xf32, #tpu.memory_space<hbm>> -> memref<2000xf32, #tpu.memory_space<hbm>>
      %dma_wait3A_40 = tpu.memref_slice %arg4[%mul3A_16] : memref<320000xf32, #tpu.memory_space<hbm>> -> memref<2000xf32, #tpu.memory_space<hbm>>
      %dma_wait3A_41 = arith.constant 0 : i32
      %dma_wait3A_42 = tpu.memref_slice %arg5[%dma_wait3A_41] : memref<10112xf32, #tpu.memory_space<vmem>> -> memref<2000xf32, #tpu.memory_space<vmem>>
      tpu.wait_dma2 semaphore(%run_scoped3A : memref<!tpu.dma_semaphore, #tpu.memory_space<semaphore_mem>>) src(%dma_wait3A_42 : memref<2000xf32, #tpu.memory_space<vmem>>) dst(%dma_wait3A_40 : memref<2000xf32, #tpu.memory_space<hbm>>)
      tpu.yield
    }) : () -> ()
    %add3A_17 = arith.constant 32 : i32
    %add3A_18 = arith.addi %add3A_17, %add3A : i32
    %mul3A_19 = arith.constant 2000 : i32
    %mul3A_20 = arith.muli %add3A_18, %mul3A_19 : i32
    "tpu.region"() ({
      %run_scoped3A = tpu.sem_alloc : memref<!tpu.dma_semaphore, #tpu.memory_space<semaphore_mem>>
      %dma_start3A = arith.constant 2000 : i32
      %dma_start3A_33 = tpu.memref_slice %arg5[%dma_start3A] : memref<10112xf32, #tpu.memory_space<vmem>> -> memref<2000xf32, #tpu.memory_space<vmem>>
      %dma_start3A_34 = tpu.memref_slice %arg4[%mul3A_20] : memref<320000xf32, #tpu.memory_space<hbm>> -> memref<2000xf32, #tpu.memory_space<hbm>>
      %dma_start3A_35 = tpu.memref_slice %arg4[%mul3A_20] : memref<320000xf32, #tpu.memory_space<hbm>> -> memref<2000xf32, #tpu.memory_space<hbm>>
      %dma_start3A_36 = arith.constant 2000 : i32
      %dma_start3A_37 = tpu.memref_slice %arg5[%dma_start3A_36] : memref<10112xf32, #tpu.memory_space<vmem>> -> memref<2000xf32, #tpu.memory_space<vmem>>
      tpu.enqueue_dma source(%dma_start3A_37 : memref<2000xf32, #tpu.memory_space<vmem>>) target(%dma_start3A_35 : memref<2000xf32, #tpu.memory_space<hbm>>) target_semaphore(%run_scoped3A : memref<!tpu.dma_semaphore, #tpu.memory_space<semaphore_mem>>)
      %dma_wait3A = arith.constant 2000 : i32
      %dma_wait3A_38 = tpu.memref_slice %arg5[%dma_wait3A] : memref<10112xf32, #tpu.memory_space<vmem>> -> memref<2000xf32, #tpu.memory_space<vmem>>
      %dma_wait3A_39 = tpu.memref_slice %arg4[%mul3A_20] : memref<320000xf32, #tpu.memory_space<hbm>> -> memref<2000xf32, #tpu.memory_space<hbm>>
      %dma_wait3A_40 = tpu.memref_slice %arg4[%mul3A_20] : memref<320000xf32, #tpu.memory_space<hbm>> -> memref<2000xf32, #tpu.memory_space<hbm>>
      %dma_wait3A_41 = arith.constant 2000 : i32
      %dma_wait3A_42 = tpu.memref_slice %arg5[%dma_wait3A_41] : memref<10112xf32, #tpu.memory_space<vmem>> -> memref<2000xf32, #tpu.memory_space<vmem>>
      tpu.wait_dma2 semaphore(%run_scoped3A : memref<!tpu.dma_semaphore, #tpu.memory_space<semaphore_mem>>) src(%dma_wait3A_42 : memref<2000xf32, #tpu.memory_space<vmem>>) dst(%dma_wait3A_40 : memref<2000xf32, #tpu.memory_space<hbm>>)
      tpu.yield
    }) : () -> ()
    %add3A_21 = arith.constant 64 : i32
    %add3A_22 = arith.addi %add3A_21, %add3A : i32
    %mul3A_23 = arith.constant 2000 : i32
    %mul3A_24 = arith.muli %add3A_22, %mul3A_23 : i32
    "tpu.region"() ({
      %run_scoped3A = tpu.sem_alloc : memref<!tpu.dma_semaphore, #tpu.memory_space<semaphore_mem>>
      %dma_start3A = arith.constant 4000 : i32
      %dma_start3A_33 = tpu.memref_slice %arg5[%dma_start3A] : memref<10112xf32, #tpu.memory_space<vmem>> -> memref<2000xf32, #tpu.memory_space<vmem>>
      %dma_start3A_34 = tpu.memref_slice %arg4[%mul3A_24] : memref<320000xf32, #tpu.memory_space<hbm>> -> memref<2000xf32, #tpu.memory_space<hbm>>
      %dma_start3A_35 = tpu.memref_slice %arg4[%mul3A_24] : memref<320000xf32, #tpu.memory_space<hbm>> -> memref<2000xf32, #tpu.memory_space<hbm>>
      %dma_start3A_36 = arith.constant 4000 : i32
      %dma_start3A_37 = tpu.memref_slice %arg5[%dma_start3A_36] : memref<10112xf32, #tpu.memory_space<vmem>> -> memref<2000xf32, #tpu.memory_space<vmem>>
      tpu.enqueue_dma source(%dma_start3A_37 : memref<2000xf32, #tpu.memory_space<vmem>>) target(%dma_start3A_35 : memref<2000xf32, #tpu.memory_space<hbm>>) target_semaphore(%run_scoped3A : memref<!tpu.dma_semaphore, #tpu.memory_space<semaphore_mem>>)
      %dma_wait3A = arith.constant 4000 : i32
      %dma_wait3A_38 = tpu.memref_slice %arg5[%dma_wait3A] : memref<10112xf32, #tpu.memory_space<vmem>> -> memref<2000xf32, #tpu.memory_space<vmem>>
      %dma_wait3A_39 = tpu.memref_slice %arg4[%mul3A_24] : memref<320000xf32, #tpu.memory_space<hbm>> -> memref<2000xf32, #tpu.memory_space<hbm>>
      %dma_wait3A_40 = tpu.memref_slice %arg4[%mul3A_24] : memref<320000xf32, #tpu.memory_space<hbm>> -> memref<2000xf32, #tpu.memory_space<hbm>>
      %dma_wait3A_41 = arith.constant 4000 : i32
      %dma_wait3A_42 = tpu.memref_slice %arg5[%dma_wait3A_41] : memref<10112xf32, #tpu.memory_space<vmem>> -> memref<2000xf32, #tpu.memory_space<vmem>>
      tpu.wait_dma2 semaphore(%run_scoped3A : memref<!tpu.dma_semaphore, #tpu.memory_space<semaphore_mem>>) src(%dma_wait3A_42 : memref<2000xf32, #tpu.memory_space<vmem>>) dst(%dma_wait3A_40 : memref<2000xf32, #tpu.memory_space<hbm>>)
      tpu.yield
    }) : () -> ()
    %add3A_25 = arith.constant 96 : i32
    %add3A_26 = arith.addi %add3A_25, %add3A : i32
    %mul3A_27 = arith.constant 2000 : i32
    %mul3A_28 = arith.muli %add3A_26, %mul3A_27 : i32
    "tpu.region"() ({
      %run_scoped3A = tpu.sem_alloc : memref<!tpu.dma_semaphore, #tpu.memory_space<semaphore_mem>>
      %dma_start3A = arith.constant 6000 : i32
      %dma_start3A_33 = tpu.memref_slice %arg5[%dma_start3A] : memref<10112xf32, #tpu.memory_space<vmem>> -> memref<2000xf32, #tpu.memory_space<vmem>>
      %dma_start3A_34 = tpu.memref_slice %arg4[%mul3A_28] : memref<320000xf32, #tpu.memory_space<hbm>> -> memref<2000xf32, #tpu.memory_space<hbm>>
      %dma_start3A_35 = tpu.memref_slice %arg4[%mul3A_28] : memref<320000xf32, #tpu.memory_space<hbm>> -> memref<2000xf32, #tpu.memory_space<hbm>>
      %dma_start3A_36 = arith.constant 6000 : i32
      %dma_start3A_37 = tpu.memref_slice %arg5[%dma_start3A_36] : memref<10112xf32, #tpu.memory_space<vmem>> -> memref<2000xf32, #tpu.memory_space<vmem>>
      tpu.enqueue_dma source(%dma_start3A_37 : memref<2000xf32, #tpu.memory_space<vmem>>) target(%dma_start3A_35 : memref<2000xf32, #tpu.memory_space<hbm>>) target_semaphore(%run_scoped3A : memref<!tpu.dma_semaphore, #tpu.memory_space<semaphore_mem>>)
      %dma_wait3A = arith.constant 6000 : i32
      %dma_wait3A_38 = tpu.memref_slice %arg5[%dma_wait3A] : memref<10112xf32, #tpu.memory_space<vmem>> -> memref<2000xf32, #tpu.memory_space<vmem>>
      %dma_wait3A_39 = tpu.memref_slice %arg4[%mul3A_28] : memref<320000xf32, #tpu.memory_space<hbm>> -> memref<2000xf32, #tpu.memory_space<hbm>>
      %dma_wait3A_40 = tpu.memref_slice %arg4[%mul3A_28] : memref<320000xf32, #tpu.memory_space<hbm>> -> memref<2000xf32, #tpu.memory_space<hbm>>
      %dma_wait3A_41 = arith.constant 6000 : i32
      %dma_wait3A_42 = tpu.memref_slice %arg5[%dma_wait3A_41] : memref<10112xf32, #tpu.memory_space<vmem>> -> memref<2000xf32, #tpu.memory_space<vmem>>
      tpu.wait_dma2 semaphore(%run_scoped3A : memref<!tpu.dma_semaphore, #tpu.memory_space<semaphore_mem>>) src(%dma_wait3A_42 : memref<2000xf32, #tpu.memory_space<vmem>>) dst(%dma_wait3A_40 : memref<2000xf32, #tpu.memory_space<hbm>>)
      tpu.yield
    }) : () -> ()
    %add3A_29 = arith.constant 128 : i32
    %add3A_30 = arith.addi %add3A_29, %add3A : i32
    %mul3A_31 = arith.constant 2000 : i32
    %mul3A_32 = arith.muli %add3A_30, %mul3A_31 : i32
    "tpu.region"() ({
      %run_scoped3A = tpu.sem_alloc : memref<!tpu.dma_semaphore, #tpu.memory_space<semaphore_mem>>
      %dma_start3A = arith.constant 8000 : i32
      %dma_start3A_33 = tpu.memref_slice %arg5[%dma_start3A] : memref<10112xf32, #tpu.memory_space<vmem>> -> memref<2000xf32, #tpu.memory_space<vmem>>
      %dma_start3A_34 = tpu.memref_slice %arg4[%mul3A_32] : memref<320000xf32, #tpu.memory_space<hbm>> -> memref<2000xf32, #tpu.memory_space<hbm>>
      %dma_start3A_35 = tpu.memref_slice %arg4[%mul3A_32] : memref<320000xf32, #tpu.memory_space<hbm>> -> memref<2000xf32, #tpu.memory_space<hbm>>
      %dma_start3A_36 = arith.constant 8000 : i32
      %dma_start3A_37 = tpu.memref_slice %arg5[%dma_start3A_36] : memref<10112xf32, #tpu.memory_space<vmem>> -> memref<2000xf32, #tpu.memory_space<vmem>>
      tpu.enqueue_dma source(%dma_start3A_37 : memref<2000xf32, #tpu.memory_space<vmem>>) target(%dma_start3A_35 : memref<2000xf32, #tpu.memory_space<hbm>>) target_semaphore(%run_scoped3A : memref<!tpu.dma_semaphore, #tpu.memory_space<semaphore_mem>>)
      %dma_wait3A = arith.constant 8000 : i32
      %dma_wait3A_38 = tpu.memref_slice %arg5[%dma_wait3A] : memref<10112xf32, #tpu.memory_space<vmem>> -> memref<2000xf32, #tpu.memory_space<vmem>>
      %dma_wait3A_39 = tpu.memref_slice %arg4[%mul3A_32] : memref<320000xf32, #tpu.memory_space<hbm>> -> memref<2000xf32, #tpu.memory_space<hbm>>
      %dma_wait3A_40 = tpu.memref_slice %arg4[%mul3A_32] : memref<320000xf32, #tpu.memory_space<hbm>> -> memref<2000xf32, #tpu.memory_space<hbm>>
      %dma_wait3A_41 = arith.constant 8000 : i32
      %dma_wait3A_42 = tpu.memref_slice %arg5[%dma_wait3A_41] : memref<10112xf32, #tpu.memory_space<vmem>> -> memref<2000xf32, #tpu.memory_space<vmem>>
      tpu.wait_dma2 semaphore(%run_scoped3A : memref<!tpu.dma_semaphore, #tpu.memory_space<semaphore_mem>>) src(%dma_wait3A_42 : memref<2000xf32, #tpu.memory_space<vmem>>) dst(%dma_wait3A_40 : memref<2000xf32, #tpu.memory_space<hbm>>)
      tpu.yield
    }) : () -> ()
    return
  }
}

#map = affine_map<(d0, d1) -> (0, 0)>
#map1 = affine_map<(d0, d1) -> (0, 0, 0)>
#map2 = affine_map<(d0, d1) -> (0)>
module attributes {stable_mosaic.version = 14 : i64} {
  func.func @k(%arg0: i32, %arg1: i32, %arg2: memref<10000x128xf32, #tpu.memory_space<hbm>>, %arg3: memref<32x79x128xi32, #tpu.memory_space<hbm>>, %arg4: memref<32x79x128xi32, #tpu.memory_space<hbm>>, %arg5: memref<323584xf32, #tpu.memory_space<hbm>>, %arg6: memref<20224x128xf32, #tpu.memory_space<hbm>>, %arg7: memref<10112x128xf32, #tpu.memory_space<vmem_shared>>, %arg8: memref<128x128xf32, #tpu.memory_space<vmem>>, %arg9: memref<79x128xi32, #tpu.memory_space<vmem>>, %arg10: memref<79x128xi32, #tpu.memory_space<vmem>>, %arg11: memref<10112xf32, #tpu.memory_space<vmem>>, %arg12: memref<!tpu.dma_semaphore, #tpu.memory_space<semaphore_mem>>) attributes {dimension_semantics = [#tpu.dimension_semantics<core_parallel>, #tpu.dimension_semantics<subcore_parallel>], iteration_bounds = array<i64: 2, 16>, scalar_prefetch = 0 : i64, scratch_operands = 6 : i64, tpu.core_type = #tpu.core_type<sc_vector_subcore>, window_params = [{transform_indices = #map}, {transform_indices = #map1}, {transform_indices = #map1}, {transform_indices = #map2}, {transform_indices = #map}]} {
    %mul3A = arith.constant 16 : i32
    %mul3A_0 = arith.muli %arg0, %mul3A : i32
    %add3A = arith.addi %mul3A_0, %arg1 : i32
    %broadcast_in_dim3A = arith.constant 0.000000e+00 : f32
    %broadcast_in_dim3A_1 = vector.broadcast %broadcast_in_dim3A : f32 to vector<16xf32>
    %scan3A = arith.constant 0 : i32
    %scan3A_2 = arith.constant 128 : i32
    %scan3A_3 = arith.addi %scan3A, %scan3A_2 : i32
    %scan3A_4 = arith.constant 1 : i32
    scf.for %scan3A_29 = %scan3A to %scan3A_3 step %scan3A_4  : i32 {
      %mul3A_30 = arith.constant 1 : i32
      %mul3A_31 = arith.muli %scan3A_29, %mul3A_30 : i32
      %add3A_32 = arith.constant 0 : i32
      %add3A_33 = arith.addi %add3A_32, %mul3A_31 : i32
      %swap3A = arith.index_cast %add3A_33 : i32 to index
      %swap3A_34 = arith.constant 0 : index
      %swap3A_35 = tpu.vector_load %arg8[%swap3A, %swap3A_34] {strides = array<i32>} : memref<128x128xf32, #tpu.memory_space<vmem>>, vector<16xf32>,
      tpu.vector_store %arg8[%swap3A, %swap3A_34], %broadcast_in_dim3A_1 {strides = array<i32>} : memref<128x128xf32, #tpu.memory_space<vmem>>, vector<16xf32>,
      %swap3A_36 = arith.index_cast %add3A_33 : i32 to index
      %swap3A_37 = arith.constant 16 : index
      %swap3A_38 = tpu.vector_load %arg8[%swap3A_36, %swap3A_37] {strides = array<i32>} : memref<128x128xf32, #tpu.memory_space<vmem>>, vector<16xf32>,
      tpu.vector_store %arg8[%swap3A_36, %swap3A_37], %broadcast_in_dim3A_1 {strides = array<i32>} : memref<128x128xf32, #tpu.memory_space<vmem>>, vector<16xf32>,
      %swap3A_39 = arith.index_cast %add3A_33 : i32 to index
      %swap3A_40 = arith.constant 32 : index
      %swap3A_41 = tpu.vector_load %arg8[%swap3A_39, %swap3A_40] {strides = array<i32>} : memref<128x128xf32, #tpu.memory_space<vmem>>, vector<16xf32>,
      tpu.vector_store %arg8[%swap3A_39, %swap3A_40], %broadcast_in_dim3A_1 {strides = array<i32>} : memref<128x128xf32, #tpu.memory_space<vmem>>, vector<16xf32>,
      %swap3A_42 = arith.index_cast %add3A_33 : i32 to index
      %swap3A_43 = arith.constant 48 : index
      %swap3A_44 = tpu.vector_load %arg8[%swap3A_42, %swap3A_43] {strides = array<i32>} : memref<128x128xf32, #tpu.memory_space<vmem>>, vector<16xf32>,
      tpu.vector_store %arg8[%swap3A_42, %swap3A_43], %broadcast_in_dim3A_1 {strides = array<i32>} : memref<128x128xf32, #tpu.memory_space<vmem>>, vector<16xf32>,
      %swap3A_45 = arith.index_cast %add3A_33 : i32 to index
      %swap3A_46 = arith.constant 64 : index
      %swap3A_47 = tpu.vector_load %arg8[%swap3A_45, %swap3A_46] {strides = array<i32>} : memref<128x128xf32, #tpu.memory_space<vmem>>, vector<16xf32>,
      tpu.vector_store %arg8[%swap3A_45, %swap3A_46], %broadcast_in_dim3A_1 {strides = array<i32>} : memref<128x128xf32, #tpu.memory_space<vmem>>, vector<16xf32>,
      %swap3A_48 = arith.index_cast %add3A_33 : i32 to index
      %swap3A_49 = arith.constant 80 : index
      %swap3A_50 = tpu.vector_load %arg8[%swap3A_48, %swap3A_49] {strides = array<i32>} : memref<128x128xf32, #tpu.memory_space<vmem>>, vector<16xf32>,
      tpu.vector_store %arg8[%swap3A_48, %swap3A_49], %broadcast_in_dim3A_1 {strides = array<i32>} : memref<128x128xf32, #tpu.memory_space<vmem>>, vector<16xf32>,
      %swap3A_51 = arith.index_cast %add3A_33 : i32 to index
      %swap3A_52 = arith.constant 96 : index
      %swap3A_53 = tpu.vector_load %arg8[%swap3A_51, %swap3A_52] {strides = array<i32>} : memref<128x128xf32, #tpu.memory_space<vmem>>, vector<16xf32>,
      tpu.vector_store %arg8[%swap3A_51, %swap3A_52], %broadcast_in_dim3A_1 {strides = array<i32>} : memref<128x128xf32, #tpu.memory_space<vmem>>, vector<16xf32>,
      %swap3A_54 = arith.index_cast %add3A_33 : i32 to index
      %swap3A_55 = arith.constant 112 : index
      %swap3A_56 = tpu.vector_load %arg8[%swap3A_54, %swap3A_55] {strides = array<i32>} : memref<128x128xf32, #tpu.memory_space<vmem>>, vector<16xf32>,
      tpu.vector_store %arg8[%swap3A_54, %swap3A_55], %broadcast_in_dim3A_1 {strides = array<i32>} : memref<128x128xf32, #tpu.memory_space<vmem>>, vector<16xf32>,
    }
    %scan3A_5 = arith.constant 128 : i32
    %mul3A_6 = arith.constant 632 : i32
    %mul3A_7 = arith.muli %arg1, %mul3A_6 : i32
    %add3A_8 = arith.constant 0 : i32
    %add3A_9 = arith.addi %mul3A_7, %add3A_8 : i32
    "tpu.region"() ({
      %run_scoped3A = tpu.sem_alloc : memref<!tpu.dma_semaphore, #tpu.memory_space<semaphore_mem>>
      %dma_start3A = arith.constant 0 : i32
      %dma_start3A_29 = tpu.memref_slice %arg7[%add3A_9, %dma_start3A] : memref<10112x128xf32, #tpu.memory_space<vmem_shared>> -> memref<128x128xf32, #tpu.memory_space<vmem_shared>>
      %dma_start3A_30 = arith.constant 0 : i32
      %dma_start3A_31 = tpu.memref_slice %arg7[%add3A_9, %dma_start3A_30] : memref<10112x128xf32, #tpu.memory_space<vmem_shared>> -> memref<128x128xf32, #tpu.memory_space<vmem_shared>>
      tpu.enqueue_dma source(%arg8 : memref<128x128xf32, #tpu.memory_space<vmem>>) target(%dma_start3A_31 : memref<128x128xf32, #tpu.memory_space<vmem_shared>>) target_semaphore(%run_scoped3A : memref<!tpu.dma_semaphore, #tpu.memory_space<semaphore_mem>>)
      %dma_wait3A = arith.constant 0 : i32
      %dma_wait3A_32 = tpu.memref_slice %arg7[%add3A_9, %dma_wait3A] : memref<10112x128xf32, #tpu.memory_space<vmem_shared>> -> memref<128x128xf32, #tpu.memory_space<vmem_shared>>
      %dma_wait3A_33 = arith.constant 0 : i32
      %dma_wait3A_34 = tpu.memref_slice %arg7[%add3A_9, %dma_wait3A_33] : memref<10112x128xf32, #tpu.memory_space<vmem_shared>> -> memref<128x128xf32, #tpu.memory_space<vmem_shared>>
      tpu.wait_dma2 semaphore(%run_scoped3A : memref<!tpu.dma_semaphore, #tpu.memory_space<semaphore_mem>>) src(%arg8 : memref<128x128xf32, #tpu.memory_space<vmem>>) dst(%dma_wait3A_34 : memref<128x128xf32, #tpu.memory_space<vmem_shared>>)
      tpu.yield
    }) : () -> ()
    %add3A_10 = arith.constant 128 : i32
    %add3A_11 = arith.addi %mul3A_7, %add3A_10 : i32
    "tpu.region"() ({
      %run_scoped3A = tpu.sem_alloc : memref<!tpu.dma_semaphore, #tpu.memory_space<semaphore_mem>>
      %dma_start3A = arith.constant 0 : i32
      %dma_start3A_29 = tpu.memref_slice %arg7[%add3A_11, %dma_start3A] : memref<10112x128xf32, #tpu.memory_space<vmem_shared>> -> memref<128x128xf32, #tpu.memory_space<vmem_shared>>
      %dma_start3A_30 = arith.constant 0 : i32
      %dma_start3A_31 = tpu.memref_slice %arg7[%add3A_11, %dma_start3A_30] : memref<10112x128xf32, #tpu.memory_space<vmem_shared>> -> memref<128x128xf32, #tpu.memory_space<vmem_shared>>
      tpu.enqueue_dma source(%arg8 : memref<128x128xf32, #tpu.memory_space<vmem>>) target(%dma_start3A_31 : memref<128x128xf32, #tpu.memory_space<vmem_shared>>) target_semaphore(%run_scoped3A : memref<!tpu.dma_semaphore, #tpu.memory_space<semaphore_mem>>)
      %dma_wait3A = arith.constant 0 : i32
      %dma_wait3A_32 = tpu.memref_slice %arg7[%add3A_11, %dma_wait3A] : memref<10112x128xf32, #tpu.memory_space<vmem_shared>> -> memref<128x128xf32, #tpu.memory_space<vmem_shared>>
      %dma_wait3A_33 = arith.constant 0 : i32
      %dma_wait3A_34 = tpu.memref_slice %arg7[%add3A_11, %dma_wait3A_33] : memref<10112x128xf32, #tpu.memory_space<vmem_shared>> -> memref<128x128xf32, #tpu.memory_space<vmem_shared>>
      tpu.wait_dma2 semaphore(%run_scoped3A : memref<!tpu.dma_semaphore, #tpu.memory_space<semaphore_mem>>) src(%arg8 : memref<128x128xf32, #tpu.memory_space<vmem>>) dst(%dma_wait3A_34 : memref<128x128xf32, #tpu.memory_space<vmem_shared>>)
      tpu.yield
    }) : () -> ()
    %add3A_12 = arith.constant 256 : i32
    %add3A_13 = arith.addi %mul3A_7, %add3A_12 : i32
    "tpu.region"() ({
      %run_scoped3A = tpu.sem_alloc : memref<!tpu.dma_semaphore, #tpu.memory_space<semaphore_mem>>
      %dma_start3A = arith.constant 0 : i32
      %dma_start3A_29 = tpu.memref_slice %arg7[%add3A_13, %dma_start3A] : memref<10112x128xf32, #tpu.memory_space<vmem_shared>> -> memref<128x128xf32, #tpu.memory_space<vmem_shared>>
      %dma_start3A_30 = arith.constant 0 : i32
      %dma_start3A_31 = tpu.memref_slice %arg7[%add3A_13, %dma_start3A_30] : memref<10112x128xf32, #tpu.memory_space<vmem_shared>> -> memref<128x128xf32, #tpu.memory_space<vmem_shared>>
      tpu.enqueue_dma source(%arg8 : memref<128x128xf32, #tpu.memory_space<vmem>>) target(%dma_start3A_31 : memref<128x128xf32, #tpu.memory_space<vmem_shared>>) target_semaphore(%run_scoped3A : memref<!tpu.dma_semaphore, #tpu.memory_space<semaphore_mem>>)
      %dma_wait3A = arith.constant 0 : i32
      %dma_wait3A_32 = tpu.memref_slice %arg7[%add3A_13, %dma_wait3A] : memref<10112x128xf32, #tpu.memory_space<vmem_shared>> -> memref<128x128xf32, #tpu.memory_space<vmem_shared>>
      %dma_wait3A_33 = arith.constant 0 : i32
      %dma_wait3A_34 = tpu.memref_slice %arg7[%add3A_13, %dma_wait3A_33] : memref<10112x128xf32, #tpu.memory_space<vmem_shared>> -> memref<128x128xf32, #tpu.memory_space<vmem_shared>>
      tpu.wait_dma2 semaphore(%run_scoped3A : memref<!tpu.dma_semaphore, #tpu.memory_space<semaphore_mem>>) src(%arg8 : memref<128x128xf32, #tpu.memory_space<vmem>>) dst(%dma_wait3A_34 : memref<128x128xf32, #tpu.memory_space<vmem_shared>>)
      tpu.yield
    }) : () -> ()
    %add3A_14 = arith.constant 384 : i32
    %add3A_15 = arith.addi %mul3A_7, %add3A_14 : i32
    "tpu.region"() ({
      %run_scoped3A = tpu.sem_alloc : memref<!tpu.dma_semaphore, #tpu.memory_space<semaphore_mem>>
      %dma_start3A = arith.constant 0 : i32
      %dma_start3A_29 = tpu.memref_slice %arg7[%add3A_15, %dma_start3A] : memref<10112x128xf32, #tpu.memory_space<vmem_shared>> -> memref<128x128xf32, #tpu.memory_space<vmem_shared>>
      %dma_start3A_30 = arith.constant 0 : i32
      %dma_start3A_31 = tpu.memref_slice %arg7[%add3A_15, %dma_start3A_30] : memref<10112x128xf32, #tpu.memory_space<vmem_shared>> -> memref<128x128xf32, #tpu.memory_space<vmem_shared>>
      tpu.enqueue_dma source(%arg8 : memref<128x128xf32, #tpu.memory_space<vmem>>) target(%dma_start3A_31 : memref<128x128xf32, #tpu.memory_space<vmem_shared>>) target_semaphore(%run_scoped3A : memref<!tpu.dma_semaphore, #tpu.memory_space<semaphore_mem>>)
      %dma_wait3A = arith.constant 0 : i32
      %dma_wait3A_32 = tpu.memref_slice %arg7[%add3A_15, %dma_wait3A] : memref<10112x128xf32, #tpu.memory_space<vmem_shared>> -> memref<128x128xf32, #tpu.memory_space<vmem_shared>>
      %dma_wait3A_33 = arith.constant 0 : i32
      %dma_wait3A_34 = tpu.memref_slice %arg7[%add3A_15, %dma_wait3A_33] : memref<10112x128xf32, #tpu.memory_space<vmem_shared>> -> memref<128x128xf32, #tpu.memory_space<vmem_shared>>
      tpu.wait_dma2 semaphore(%run_scoped3A : memref<!tpu.dma_semaphore, #tpu.memory_space<semaphore_mem>>) src(%arg8 : memref<128x128xf32, #tpu.memory_space<vmem>>) dst(%dma_wait3A_34 : memref<128x128xf32, #tpu.memory_space<vmem_shared>>)
      tpu.yield
    }) : () -> ()
    %add3A_16 = arith.constant 512 : i32
    %add3A_17 = arith.addi %mul3A_7, %add3A_16 : i32
    "tpu.region"() ({
      %run_scoped3A = tpu.sem_alloc : memref<!tpu.dma_semaphore, #tpu.memory_space<semaphore_mem>>
      %dma_start3A = arith.constant 0 : i32
      %dma_start3A_29 = arith.constant 0 : i32
      %dma_start3A_30 = tpu.memref_slice %arg8[%dma_start3A, %dma_start3A_29] : memref<128x128xf32, #tpu.memory_space<vmem>> -> memref<120x128xf32, #tpu.memory_space<vmem>>
      %dma_start3A_31 = arith.constant 0 : i32
      %dma_start3A_32 = tpu.memref_slice %arg7[%add3A_17, %dma_start3A_31] : memref<10112x128xf32, #tpu.memory_space<vmem_shared>> -> memref<120x128xf32, #tpu.memory_space<vmem_shared>>
      %dma_start3A_33 = arith.constant 0 : i32
      %dma_start3A_34 = tpu.memref_slice %arg7[%add3A_17, %dma_start3A_33] : memref<10112x128xf32, #tpu.memory_space<vmem_shared>> -> memref<120x128xf32, #tpu.memory_space<vmem_shared>>
      %dma_start3A_35 = arith.constant 0 : i32
      %dma_start3A_36 = arith.constant 0 : i32
      %dma_start3A_37 = tpu.memref_slice %arg8[%dma_start3A_35, %dma_start3A_36] : memref<128x128xf32, #tpu.memory_space<vmem>> -> memref<120x128xf32, #tpu.memory_space<vmem>>
      tpu.enqueue_dma source(%dma_start3A_37 : memref<120x128xf32, #tpu.memory_space<vmem>>) target(%dma_start3A_34 : memref<120x128xf32, #tpu.memory_space<vmem_shared>>) target_semaphore(%run_scoped3A : memref<!tpu.dma_semaphore, #tpu.memory_space<semaphore_mem>>)
      %dma_wait3A = arith.constant 0 : i32
      %dma_wait3A_38 = arith.constant 0 : i32
      %dma_wait3A_39 = tpu.memref_slice %arg8[%dma_wait3A, %dma_wait3A_38] : memref<128x128xf32, #tpu.memory_space<vmem>> -> memref<120x128xf32, #tpu.memory_space<vmem>>
      %dma_wait3A_40 = arith.constant 0 : i32
      %dma_wait3A_41 = tpu.memref_slice %arg7[%add3A_17, %dma_wait3A_40] : memref<10112x128xf32, #tpu.memory_space<vmem_shared>> -> memref<120x128xf32, #tpu.memory_space<vmem_shared>>
      %dma_wait3A_42 = arith.constant 0 : i32
      %dma_wait3A_43 = tpu.memref_slice %arg7[%add3A_17, %dma_wait3A_42] : memref<10112x128xf32, #tpu.memory_space<vmem_shared>> -> memref<120x128xf32, #tpu.memory_space<vmem_shared>>
      %dma_wait3A_44 = arith.constant 0 : i32
      %dma_wait3A_45 = arith.constant 0 : i32
      %dma_wait3A_46 = tpu.memref_slice %arg8[%dma_wait3A_44, %dma_wait3A_45] : memref<128x128xf32, #tpu.memory_space<vmem>> -> memref<120x128xf32, #tpu.memory_space<vmem>>
      tpu.wait_dma2 semaphore(%run_scoped3A : memref<!tpu.dma_semaphore, #tpu.memory_space<semaphore_mem>>) src(%dma_wait3A_46 : memref<120x128xf32, #tpu.memory_space<vmem>>) dst(%dma_wait3A_43 : memref<120x128xf32, #tpu.memory_space<vmem_shared>>)
      tpu.yield
    }) : () -> ()
    %barrier3A = arith.constant 0 : index
    tpu.barrier barrier_id(%barrier3A)
    "tpu.region"() ({
      %run_scoped3A = tpu.sem_alloc : memref<!tpu.dma_semaphore, #tpu.memory_space<semaphore_mem>>
      %dma_start3A = arith.constant 0 : i32
      %dma_start3A_29 = arith.constant 0 : i32
      %dma_start3A_30 = tpu.memref_slice %arg3[%add3A, %dma_start3A, %dma_start3A_29] : memref<32x79x128xi32, #tpu.memory_space<hbm>> -> memref<1x79x128xi32, #tpu.memory_space<hbm>>
      %dma_start3A_31 = tpu.memref_squeeze %dma_start3A_30 : memref<1x79x128xi32, #tpu.memory_space<hbm>> -> memref<79x128xi32, #tpu.memory_space<hbm>>
      %dma_start3A_32 = arith.constant 0 : i32
      %dma_start3A_33 = arith.constant 0 : i32
      %dma_start3A_34 = tpu.memref_slice %arg3[%add3A, %dma_start3A_32, %dma_start3A_33] : memref<32x79x128xi32, #tpu.memory_space<hbm>> -> memref<1x79x128xi32, #tpu.memory_space<hbm>>
      %dma_start3A_35 = tpu.memref_squeeze %dma_start3A_34 : memref<1x79x128xi32, #tpu.memory_space<hbm>> -> memref<79x128xi32, #tpu.memory_space<hbm>>
      tpu.enqueue_dma source(%dma_start3A_35 : memref<79x128xi32, #tpu.memory_space<hbm>>) target(%arg9 : memref<79x128xi32, #tpu.memory_space<vmem>>) target_semaphore(%run_scoped3A : memref<!tpu.dma_semaphore, #tpu.memory_space<semaphore_mem>>)
      %dma_wait3A = arith.constant 0 : i32
      %dma_wait3A_36 = arith.constant 0 : i32
      %dma_wait3A_37 = tpu.memref_slice %arg3[%add3A, %dma_wait3A, %dma_wait3A_36] : memref<32x79x128xi32, #tpu.memory_space<hbm>> -> memref<1x79x128xi32, #tpu.memory_space<hbm>>
      %dma_wait3A_38 = tpu.memref_squeeze %dma_wait3A_37 : memref<1x79x128xi32, #tpu.memory_space<hbm>> -> memref<79x128xi32, #tpu.memory_space<hbm>>
      %dma_wait3A_39 = arith.constant 0 : i32
      %dma_wait3A_40 = arith.constant 0 : i32
      %dma_wait3A_41 = tpu.memref_slice %arg3[%add3A, %dma_wait3A_39, %dma_wait3A_40] : memref<32x79x128xi32, #tpu.memory_space<hbm>> -> memref<1x79x128xi32, #tpu.memory_space<hbm>>
      %dma_wait3A_42 = tpu.memref_squeeze %dma_wait3A_41 : memref<1x79x128xi32, #tpu.memory_space<hbm>> -> memref<79x128xi32, #tpu.memory_space<hbm>>
      tpu.wait_dma2 semaphore(%run_scoped3A : memref<!tpu.dma_semaphore, #tpu.memory_space<semaphore_mem>>) src(%dma_wait3A_42 : memref<79x128xi32, #tpu.memory_space<hbm>>) dst(%arg9 : memref<79x128xi32, #tpu.memory_space<vmem>>)
      tpu.yield
    }) : () -> ()
    "tpu.region"() ({
      %run_scoped3A = tpu.sem_alloc : memref<!tpu.dma_semaphore, #tpu.memory_space<semaphore_mem>>
      %dma_start3A = arith.constant 0 : i32
      %dma_start3A_29 = arith.constant 0 : i32
      %dma_start3A_30 = tpu.memref_slice %arg4[%add3A, %dma_start3A, %dma_start3A_29] : memref<32x79x128xi32, #tpu.memory_space<hbm>> -> memref<1x79x128xi32, #tpu.memory_space<hbm>>
      %dma_start3A_31 = tpu.memref_squeeze %dma_start3A_30 : memref<1x79x128xi32, #tpu.memory_space<hbm>> -> memref<79x128xi32, #tpu.memory_space<hbm>>
      %dma_start3A_32 = arith.constant 0 : i32
      %dma_start3A_33 = arith.constant 0 : i32
      %dma_start3A_34 = tpu.memref_slice %arg4[%add3A, %dma_start3A_32, %dma_start3A_33] : memref<32x79x128xi32, #tpu.memory_space<hbm>> -> memref<1x79x128xi32, #tpu.memory_space<hbm>>
      %dma_start3A_35 = tpu.memref_squeeze %dma_start3A_34 : memref<1x79x128xi32, #tpu.memory_space<hbm>> -> memref<79x128xi32, #tpu.memory_space<hbm>>
      tpu.enqueue_dma source(%dma_start3A_35 : memref<79x128xi32, #tpu.memory_space<hbm>>) target(%arg10 : memref<79x128xi32, #tpu.memory_space<vmem>>) target_semaphore(%run_scoped3A : memref<!tpu.dma_semaphore, #tpu.memory_space<semaphore_mem>>)
      %dma_wait3A = arith.constant 0 : i32
      %dma_wait3A_36 = arith.constant 0 : i32
      %dma_wait3A_37 = tpu.memref_slice %arg4[%add3A, %dma_wait3A, %dma_wait3A_36] : memref<32x79x128xi32, #tpu.memory_space<hbm>> -> memref<1x79x128xi32, #tpu.memory_space<hbm>>
      %dma_wait3A_38 = tpu.memref_squeeze %dma_wait3A_37 : memref<1x79x128xi32, #tpu.memory_space<hbm>> -> memref<79x128xi32, #tpu.memory_space<hbm>>
      %dma_wait3A_39 = arith.constant 0 : i32
      %dma_wait3A_40 = arith.constant 0 : i32
      %dma_wait3A_41 = tpu.memref_slice %arg4[%add3A, %dma_wait3A_39, %dma_wait3A_40] : memref<32x79x128xi32, #tpu.memory_space<hbm>> -> memref<1x79x128xi32, #tpu.memory_space<hbm>>
      %dma_wait3A_42 = tpu.memref_squeeze %dma_wait3A_41 : memref<1x79x128xi32, #tpu.memory_space<hbm>> -> memref<79x128xi32, #tpu.memory_space<hbm>>
      tpu.wait_dma2 semaphore(%run_scoped3A : memref<!tpu.dma_semaphore, #tpu.memory_space<semaphore_mem>>) src(%dma_wait3A_42 : memref<79x128xi32, #tpu.memory_space<hbm>>) dst(%arg10 : memref<79x128xi32, #tpu.memory_space<vmem>>)
      tpu.yield
    }) : () -> ()
    %mul3A_18 = arith.constant 10112 : i32
    %mul3A_19 = arith.muli %add3A, %mul3A_18 : i32
    "tpu.region"() ({
      %run_scoped3A = tpu.sem_alloc : memref<!tpu.dma_semaphore, #tpu.memory_space<semaphore_mem>>
      %dma_start3A = tpu.memref_slice %arg5[%mul3A_19] : memref<323584xf32, #tpu.memory_space<hbm>> -> memref<10112xf32, #tpu.memory_space<hbm>>
      %dma_start3A_29 = tpu.memref_slice %arg5[%mul3A_19] : memref<323584xf32, #tpu.memory_space<hbm>> -> memref<10112xf32, #tpu.memory_space<hbm>>
      tpu.enqueue_dma source(%dma_start3A_29 : memref<10112xf32, #tpu.memory_space<hbm>>) target(%arg11 : memref<10112xf32, #tpu.memory_space<vmem>>) target_semaphore(%run_scoped3A : memref<!tpu.dma_semaphore, #tpu.memory_space<semaphore_mem>>)
      %dma_wait3A = tpu.memref_slice %arg5[%mul3A_19] : memref<323584xf32, #tpu.memory_space<hbm>> -> memref<10112xf32, #tpu.memory_space<hbm>>
      %dma_wait3A_30 = tpu.memref_slice %arg5[%mul3A_19] : memref<323584xf32, #tpu.memory_space<hbm>> -> memref<10112xf32, #tpu.memory_space<hbm>>
      tpu.wait_dma2 semaphore(%run_scoped3A : memref<!tpu.dma_semaphore, #tpu.memory_space<semaphore_mem>>) src(%dma_wait3A_30 : memref<10112xf32, #tpu.memory_space<hbm>>) dst(%arg11 : memref<10112xf32, #tpu.memory_space<vmem>>)
      tpu.yield
    }) : () -> ()
    %scan3A_20 = arith.constant 0 : i32
    %scan3A_21 = arith.constant 79 : i32
    %scan3A_22 = arith.addi %scan3A_20, %scan3A_21 : i32
    %scan3A_23 = arith.constant 1 : i32
    scf.for %scan3A_29 = %scan3A_20 to %scan3A_22 step %scan3A_23  : i32 {
      %mul3A_30 = arith.constant 1 : i32
      %mul3A_31 = arith.muli %scan3A_29, %mul3A_30 : i32
      %add3A_32 = arith.constant 0 : i32
      %add3A_33 = arith.addi %add3A_32, %mul3A_31 : i32
      %dma_start3A = arith.constant 0 : i32
      %dma_start3A_34 = tpu.memref_slice %arg9[%add3A_33, %dma_start3A] : memref<79x128xi32, #tpu.memory_space<vmem>> -> memref<1x128xi32, #tpu.memory_space<vmem>>
      %dma_start3A_35 = tpu.memref_squeeze %dma_start3A_34 : memref<1x128xi32, #tpu.memory_space<vmem>> -> memref<128xi32, #tpu.memory_space<vmem>>
      %dma_start3A_36 = arith.constant 0 : i32
      %dma_start3A_37 = arith.constant 0 : i32
      %dma_start3A_38 = tpu.memref_slice %arg2[%dma_start3A_36, %dma_start3A_37] : memref<10000x128xf32, #tpu.memory_space<hbm>> -> memref<10000x128xf32, #tpu.memory_space<hbm>>
      tpu.enqueue_indirect_dma source(%dma_start3A_38 : memref<10000x128xf32, #tpu.memory_space<hbm>>) target(%arg8 : memref<128x128xf32, #tpu.memory_space<vmem>>) offsets(%dma_start3A_35 : memref<128xi32, #tpu.memory_space<vmem>>) semaphore(%arg12 : memref<!tpu.dma_semaphore, #tpu.memory_space<semaphore_mem>>)
      %dma_wait3A = arith.constant 0 : i32
      %dma_wait3A_39 = tpu.memref_slice %arg9[%add3A_33, %dma_wait3A] : memref<79x128xi32, #tpu.memory_space<vmem>> -> memref<1x128xi32, #tpu.memory_space<vmem>>
      %dma_wait3A_40 = tpu.memref_squeeze %dma_wait3A_39 : memref<1x128xi32, #tpu.memory_space<vmem>> -> memref<128xi32, #tpu.memory_space<vmem>>
      %dma_wait3A_41 = arith.constant 0 : i32
      %dma_wait3A_42 = arith.constant 0 : i32
      %dma_wait3A_43 = tpu.memref_slice %arg2[%dma_wait3A_41, %dma_wait3A_42] : memref<10000x128xf32, #tpu.memory_space<hbm>> -> memref<10000x128xf32, #tpu.memory_space<hbm>>
      tpu.wait_indirect_dma semaphore(%arg12 : memref<!tpu.dma_semaphore, #tpu.memory_space<semaphore_mem>>) src(%dma_wait3A_43 : memref<10000x128xf32, #tpu.memory_space<hbm>>) dst(%arg8 : memref<128x128xf32, #tpu.memory_space<vmem>>)
      %scan3A_44 = arith.constant 0 : i32
      %scan3A_45 = arith.constant 128 : i32
      %scan3A_46 = arith.addi %scan3A_44, %scan3A_45 : i32
      %scan3A_47 = arith.constant 1 : i32
      scf.for %scan3A_49 = %scan3A_44 to %scan3A_46 step %scan3A_47  : i32 {
        %mul3A_50 = arith.constant 1 : i32
        %mul3A_51 = arith.muli %scan3A_49, %mul3A_50 : i32
        %add3A_52 = arith.constant 0 : i32
        %add3A_53 = arith.addi %add3A_52, %mul3A_51 : i32
        %mul3A_54 = arith.constant 128 : i32
        %mul3A_55 = arith.muli %add3A_33, %mul3A_54 : i32
        %add3A_56 = arith.addi %mul3A_55, %add3A_53 : i32
        %broadcast_in_dim3A_57 = vector.broadcast %add3A_56 : i32 to vector<16xi32>
        %gather3A = tpu.vector_load_idx %arg11[%broadcast_in_dim3A_57] : memref<10112xf32, #tpu.memory_space<vmem>>[vector<16xi32>], vector<16xf32>,
        %get3A = arith.index_cast %add3A_53 : i32 to index
        %get3A_58 = arith.constant 0 : index
        %get3A_59 = tpu.vector_load %arg8[%get3A, %get3A_58] {strides = array<i32>} : memref<128x128xf32, #tpu.memory_space<vmem>>, vector<16xf32>,
        %mul3A_60 = arith.mulf %get3A_59, %gather3A : vector<16xf32>
        %swap3A = arith.index_cast %add3A_53 : i32 to index
        %swap3A_61 = arith.constant 0 : index
        %swap3A_62 = tpu.vector_load %arg8[%swap3A, %swap3A_61] {strides = array<i32>} : memref<128x128xf32, #tpu.memory_space<vmem>>, vector<16xf32>,
        tpu.vector_store %arg8[%swap3A, %swap3A_61], %mul3A_60 {strides = array<i32>} : memref<128x128xf32, #tpu.memory_space<vmem>>, vector<16xf32>,
        %get3A_63 = arith.index_cast %add3A_53 : i32 to index
        %get3A_64 = arith.constant 16 : index
        %get3A_65 = tpu.vector_load %arg8[%get3A_63, %get3A_64] {strides = array<i32>} : memref<128x128xf32, #tpu.memory_space<vmem>>, vector<16xf32>,
        %mul3A_66 = arith.mulf %get3A_65, %gather3A : vector<16xf32>
        %swap3A_67 = arith.index_cast %add3A_53 : i32 to index
        %swap3A_68 = arith.constant 16 : index
        %swap3A_69 = tpu.vector_load %arg8[%swap3A_67, %swap3A_68] {strides = array<i32>} : memref<128x128xf32, #tpu.memory_space<vmem>>, vector<16xf32>,
        tpu.vector_store %arg8[%swap3A_67, %swap3A_68], %mul3A_66 {strides = array<i32>} : memref<128x128xf32, #tpu.memory_space<vmem>>, vector<16xf32>,
        %get3A_70 = arith.index_cast %add3A_53 : i32 to index
        %get3A_71 = arith.constant 32 : index
        %get3A_72 = tpu.vector_load %arg8[%get3A_70, %get3A_71] {strides = array<i32>} : memref<128x128xf32, #tpu.memory_space<vmem>>, vector<16xf32>,
        %mul3A_73 = arith.mulf %get3A_72, %gather3A : vector<16xf32>
        %swap3A_74 = arith.index_cast %add3A_53 : i32 to index
        %swap3A_75 = arith.constant 32 : index
        %swap3A_76 = tpu.vector_load %arg8[%swap3A_74, %swap3A_75] {strides = array<i32>} : memref<128x128xf32, #tpu.memory_space<vmem>>, vector<16xf32>,
        tpu.vector_store %arg8[%swap3A_74, %swap3A_75], %mul3A_73 {strides = array<i32>} : memref<128x128xf32, #tpu.memory_space<vmem>>, vector<16xf32>,
        %get3A_77 = arith.index_cast %add3A_53 : i32 to index
        %get3A_78 = arith.constant 48 : index
        %get3A_79 = tpu.vector_load %arg8[%get3A_77, %get3A_78] {strides = array<i32>} : memref<128x128xf32, #tpu.memory_space<vmem>>, vector<16xf32>,
        %mul3A_80 = arith.mulf %get3A_79, %gather3A : vector<16xf32>
        %swap3A_81 = arith.index_cast %add3A_53 : i32 to index
        %swap3A_82 = arith.constant 48 : index
        %swap3A_83 = tpu.vector_load %arg8[%swap3A_81, %swap3A_82] {strides = array<i32>} : memref<128x128xf32, #tpu.memory_space<vmem>>, vector<16xf32>,
        tpu.vector_store %arg8[%swap3A_81, %swap3A_82], %mul3A_80 {strides = array<i32>} : memref<128x128xf32, #tpu.memory_space<vmem>>, vector<16xf32>,
        %get3A_84 = arith.index_cast %add3A_53 : i32 to index
        %get3A_85 = arith.constant 64 : index
        %get3A_86 = tpu.vector_load %arg8[%get3A_84, %get3A_85] {strides = array<i32>} : memref<128x128xf32, #tpu.memory_space<vmem>>, vector<16xf32>,
        %mul3A_87 = arith.mulf %get3A_86, %gather3A : vector<16xf32>
        %swap3A_88 = arith.index_cast %add3A_53 : i32 to index
        %swap3A_89 = arith.constant 64 : index
        %swap3A_90 = tpu.vector_load %arg8[%swap3A_88, %swap3A_89] {strides = array<i32>} : memref<128x128xf32, #tpu.memory_space<vmem>>, vector<16xf32>,
        tpu.vector_store %arg8[%swap3A_88, %swap3A_89], %mul3A_87 {strides = array<i32>} : memref<128x128xf32, #tpu.memory_space<vmem>>, vector<16xf32>,
        %get3A_91 = arith.index_cast %add3A_53 : i32 to index
        %get3A_92 = arith.constant 80 : index
        %get3A_93 = tpu.vector_load %arg8[%get3A_91, %get3A_92] {strides = array<i32>} : memref<128x128xf32, #tpu.memory_space<vmem>>, vector<16xf32>,
        %mul3A_94 = arith.mulf %get3A_93, %gather3A : vector<16xf32>
        %swap3A_95 = arith.index_cast %add3A_53 : i32 to index
        %swap3A_96 = arith.constant 80 : index
        %swap3A_97 = tpu.vector_load %arg8[%swap3A_95, %swap3A_96] {strides = array<i32>} : memref<128x128xf32, #tpu.memory_space<vmem>>, vector<16xf32>,
        tpu.vector_store %arg8[%swap3A_95, %swap3A_96], %mul3A_94 {strides = array<i32>} : memref<128x128xf32, #tpu.memory_space<vmem>>, vector<16xf32>,
        %get3A_98 = arith.index_cast %add3A_53 : i32 to index
        %get3A_99 = arith.constant 96 : index
        %get3A_100 = tpu.vector_load %arg8[%get3A_98, %get3A_99] {strides = array<i32>} : memref<128x128xf32, #tpu.memory_space<vmem>>, vector<16xf32>,
        %mul3A_101 = arith.mulf %get3A_100, %gather3A : vector<16xf32>
        %swap3A_102 = arith.index_cast %add3A_53 : i32 to index
        %swap3A_103 = arith.constant 96 : index
        %swap3A_104 = tpu.vector_load %arg8[%swap3A_102, %swap3A_103] {strides = array<i32>} : memref<128x128xf32, #tpu.memory_space<vmem>>, vector<16xf32>,
        tpu.vector_store %arg8[%swap3A_102, %swap3A_103], %mul3A_101 {strides = array<i32>} : memref<128x128xf32, #tpu.memory_space<vmem>>, vector<16xf32>,
        %get3A_105 = arith.index_cast %add3A_53 : i32 to index
        %get3A_106 = arith.constant 112 : index
        %get3A_107 = tpu.vector_load %arg8[%get3A_105, %get3A_106] {strides = array<i32>} : memref<128x128xf32, #tpu.memory_space<vmem>>, vector<16xf32>,
        %mul3A_108 = arith.mulf %get3A_107, %gather3A : vector<16xf32>
        %swap3A_109 = arith.index_cast %add3A_53 : i32 to index
        %swap3A_110 = arith.constant 112 : index
        %swap3A_111 = tpu.vector_load %arg8[%swap3A_109, %swap3A_110] {strides = array<i32>} : memref<128x128xf32, #tpu.memory_space<vmem>>, vector<16xf32>,
        tpu.vector_store %arg8[%swap3A_109, %swap3A_110], %mul3A_108 {strides = array<i32>} : memref<128x128xf32, #tpu.memory_space<vmem>>, vector<16xf32>,
      }
      %scan3A_48 = arith.constant 128 : i32
      "tpu.region"() ({
        %run_scoped3A = tpu.sem_alloc : memref<!tpu.dma_semaphore, #tpu.memory_space<semaphore_mem>>
        %dma_start3A_49 = arith.constant 0 : i32
        %dma_start3A_50 = tpu.memref_slice %arg10[%add3A_33, %dma_start3A_49] : memref<79x128xi32, #tpu.memory_space<vmem>> -> memref<1x128xi32, #tpu.memory_space<vmem>>
        %dma_start3A_51 = tpu.memref_squeeze %dma_start3A_50 : memref<1x128xi32, #tpu.memory_space<vmem>> -> memref<128xi32, #tpu.memory_space<vmem>>
        %dma_start3A_52 = arith.constant 0 : i32
        %dma_start3A_53 = arith.constant 0 : i32
        %dma_start3A_54 = tpu.memref_slice %arg7[%dma_start3A_52, %dma_start3A_53] : memref<10112x128xf32, #tpu.memory_space<vmem_shared>> -> memref<10112x128xf32, #tpu.memory_space<vmem_shared>>
        tpu.enqueue_indirect_dma source(%arg8 : memref<128x128xf32, #tpu.memory_space<vmem>>) target(%dma_start3A_54 : memref<10112x128xf32, #tpu.memory_space<vmem_shared>>) offsets(%dma_start3A_51 : memref<128xi32, #tpu.memory_space<vmem>>) semaphore(%run_scoped3A : memref<!tpu.dma_semaphore, #tpu.memory_space<semaphore_mem>>) {add = true}
        %dma_wait3A_55 = arith.constant 0 : i32
        %dma_wait3A_56 = tpu.memref_slice %arg10[%add3A_33, %dma_wait3A_55] : memref<79x128xi32, #tpu.memory_space<vmem>> -> memref<1x128xi32, #tpu.memory_space<vmem>>
        %dma_wait3A_57 = tpu.memref_squeeze %dma_wait3A_56 : memref<1x128xi32, #tpu.memory_space<vmem>> -> memref<128xi32, #tpu.memory_space<vmem>>
        %dma_wait3A_58 = arith.constant 0 : i32
        %dma_wait3A_59 = arith.constant 0 : i32
        %dma_wait3A_60 = tpu.memref_slice %arg7[%dma_wait3A_58, %dma_wait3A_59] : memref<10112x128xf32, #tpu.memory_space<vmem_shared>> -> memref<10112x128xf32, #tpu.memory_space<vmem_shared>>
        tpu.wait_indirect_dma semaphore(%run_scoped3A : memref<!tpu.dma_semaphore, #tpu.memory_space<semaphore_mem>>) src(%arg8 : memref<128x128xf32, #tpu.memory_space<vmem>>) dst(%dma_wait3A_60 : memref<10112x128xf32, #tpu.memory_space<vmem_shared>>)
        tpu.yield
      }) : () -> ()
    }
    %scan3A_24 = arith.constant 79 : i32
    %barrier3A_25 = arith.constant 0 : index
    tpu.barrier barrier_id(%barrier3A_25)
    %mul3A_26 = arith.constant 10112 : i32
    %mul3A_27 = arith.muli %arg0, %mul3A_26 : i32
    %add3A_28 = arith.addi %mul3A_27, %mul3A_7 : i32
    "tpu.region"() ({
      %run_scoped3A = tpu.sem_alloc : memref<!tpu.dma_semaphore, #tpu.memory_space<semaphore_mem>>
      %dma_start3A = arith.constant 0 : i32
      %dma_start3A_29 = tpu.memref_slice %arg6[%add3A_28, %dma_start3A] : memref<20224x128xf32, #tpu.memory_space<hbm>> -> memref<632x128xf32, #tpu.memory_space<hbm>>
      %dma_start3A_30 = arith.constant 0 : i32
      %dma_start3A_31 = tpu.memref_slice %arg7[%mul3A_7, %dma_start3A_30] : memref<10112x128xf32, #tpu.memory_space<vmem_shared>> -> memref<632x128xf32, #tpu.memory_space<vmem_shared>>
      tpu.enqueue_dma source(%dma_start3A_31 : memref<632x128xf32, #tpu.memory_space<vmem_shared>>) target(%dma_start3A_29 : memref<632x128xf32, #tpu.memory_space<hbm>>) target_semaphore(%run_scoped3A : memref<!tpu.dma_semaphore, #tpu.memory_space<semaphore_mem>>)
      %dma_wait3A = arith.constant 0 : i32
      %dma_wait3A_32 = tpu.memref_slice %arg6[%add3A_28, %dma_wait3A] : memref<20224x128xf32, #tpu.memory_space<hbm>> -> memref<632x128xf32, #tpu.memory_space<hbm>>
      %dma_wait3A_33 = arith.constant 0 : i32
      %dma_wait3A_34 = tpu.memref_slice %arg7[%mul3A_7, %dma_wait3A_33] : memref<10112x128xf32, #tpu.memory_space<vmem_shared>> -> memref<632x128xf32, #tpu.memory_space<vmem_shared>>
      tpu.wait_dma2 semaphore(%run_scoped3A : memref<!tpu.dma_semaphore, #tpu.memory_space<semaphore_mem>>) src(%dma_wait3A_34 : memref<632x128xf32, #tpu.memory_space<vmem_shared>>) dst(%dma_wait3A_32 : memref<632x128xf32, #tpu.memory_space<hbm>>)
      tpu.yield
    }) : () -> ()
    return
  }
}

#map = affine_map<(d0, d1) -> (0)>
module attributes {stable_mosaic.version = 14 : i64} {
  func.func @k(%arg0: i32, %arg1: i32, %arg2: memref<323584xi32, #tpu.memory_space<hbm>>, %arg3: memref<323584xf32, #tpu.memory_space<hbm>>, %arg4: memref<320000xf32, #tpu.memory_space<hbm>>, %arg5: memref<10112xf32, #tpu.memory_space<vmem>>, %arg6: memref<10112xi32, #tpu.memory_space<vmem>>, %arg7: memref<10112xf32, #tpu.memory_space<vmem>>) attributes {dimension_semantics = [#tpu.dimension_semantics<core_parallel>, #tpu.dimension_semantics<subcore_parallel>], iteration_bounds = array<i64: 2, 16>, scalar_prefetch = 0 : i64, scratch_operands = 3 : i64, tpu.core_type = #tpu.core_type<sc_vector_subcore>, window_params = [{transform_indices = #map}, {transform_indices = #map}, {transform_indices = #map}]} {
    %mul3A = arith.constant 16 : i32
    %mul3A_0 = arith.muli %arg0, %mul3A : i32
    %add3A = arith.addi %mul3A_0, %arg1 : i32
    %broadcast_in_dim3A = arith.constant 0.000000e+00 : f32
    %broadcast_in_dim3A_1 = vector.broadcast %broadcast_in_dim3A : f32 to vector<16xf32>
    %scan3A = arith.constant 0 : i32
    %scan3A_2 = arith.constant 632 : i32
    %scan3A_3 = arith.addi %scan3A, %scan3A_2 : i32
    %scan3A_4 = arith.constant 1 : i32
    scf.for %scan3A_33 = %scan3A to %scan3A_3 step %scan3A_4  : i32 {
      %mul3A_34 = arith.constant 16 : i32
      %mul3A_35 = arith.muli %scan3A_33, %mul3A_34 : i32
      %add3A_36 = arith.constant 0 : i32
      %add3A_37 = arith.addi %add3A_36, %mul3A_35 : i32
      %swap3A = arith.index_cast %add3A_37 : i32 to index
      %swap3A_38 = tpu.vector_load %arg5[%swap3A] {strides = array<i32>} : memref<10112xf32, #tpu.memory_space<vmem>>, vector<16xf32>,
      tpu.vector_store %arg5[%swap3A], %broadcast_in_dim3A_1 {strides = array<i32>} : memref<10112xf32, #tpu.memory_space<vmem>>, vector<16xf32>,
    }
    %scan3A_5 = arith.constant 632 : i32
    %mul3A_6 = arith.constant 10112 : i32
    %mul3A_7 = arith.muli %add3A, %mul3A_6 : i32
    "tpu.region"() ({
      %run_scoped3A = tpu.sem_alloc : memref<!tpu.dma_semaphore, #tpu.memory_space<semaphore_mem>>
      %dma_start3A = tpu.memref_slice %arg2[%mul3A_7] : memref<323584xi32, #tpu.memory_space<hbm>> -> memref<10112xi32, #tpu.memory_space<hbm>>
      %dma_start3A_33 = tpu.memref_slice %arg2[%mul3A_7] : memref<323584xi32, #tpu.memory_space<hbm>> -> memref<10112xi32, #tpu.memory_space<hbm>>
      tpu.enqueue_dma source(%dma_start3A_33 : memref<10112xi32, #tpu.memory_space<hbm>>) target(%arg6 : memref<10112xi32, #tpu.memory_space<vmem>>) target_semaphore(%run_scoped3A : memref<!tpu.dma_semaphore, #tpu.memory_space<semaphore_mem>>)
      %dma_wait3A = tpu.memref_slice %arg2[%mul3A_7] : memref<323584xi32, #tpu.memory_space<hbm>> -> memref<10112xi32, #tpu.memory_space<hbm>>
      %dma_wait3A_34 = tpu.memref_slice %arg2[%mul3A_7] : memref<323584xi32, #tpu.memory_space<hbm>> -> memref<10112xi32, #tpu.memory_space<hbm>>
      tpu.wait_dma2 semaphore(%run_scoped3A : memref<!tpu.dma_semaphore, #tpu.memory_space<semaphore_mem>>) src(%dma_wait3A_34 : memref<10112xi32, #tpu.memory_space<hbm>>) dst(%arg6 : memref<10112xi32, #tpu.memory_space<vmem>>)
      tpu.yield
    }) : () -> ()
    "tpu.region"() ({
      %run_scoped3A = tpu.sem_alloc : memref<!tpu.dma_semaphore, #tpu.memory_space<semaphore_mem>>
      %dma_start3A = tpu.memref_slice %arg3[%mul3A_7] : memref<323584xf32, #tpu.memory_space<hbm>> -> memref<10112xf32, #tpu.memory_space<hbm>>
      %dma_start3A_33 = tpu.memref_slice %arg3[%mul3A_7] : memref<323584xf32, #tpu.memory_space<hbm>> -> memref<10112xf32, #tpu.memory_space<hbm>>
      tpu.enqueue_dma source(%dma_start3A_33 : memref<10112xf32, #tpu.memory_space<hbm>>) target(%arg7 : memref<10112xf32, #tpu.memory_space<vmem>>) target_semaphore(%run_scoped3A : memref<!tpu.dma_semaphore, #tpu.memory_space<semaphore_mem>>)
      %dma_wait3A = tpu.memref_slice %arg3[%mul3A_7] : memref<323584xf32, #tpu.memory_space<hbm>> -> memref<10112xf32, #tpu.memory_space<hbm>>
      %dma_wait3A_34 = tpu.memref_slice %arg3[%mul3A_7] : memref<323584xf32, #tpu.memory_space<hbm>> -> memref<10112xf32, #tpu.memory_space<hbm>>
      tpu.wait_dma2 semaphore(%run_scoped3A : memref<!tpu.dma_semaphore, #tpu.memory_space<semaphore_mem>>) src(%dma_wait3A_34 : memref<10112xf32, #tpu.memory_space<hbm>>) dst(%arg7 : memref<10112xf32, #tpu.memory_space<vmem>>)
      tpu.yield
    }) : () -> ()
    %scan3A_8 = arith.constant 0 : i32
    %scan3A_9 = arith.constant 632 : i32
    %scan3A_10 = arith.addi %scan3A_8, %scan3A_9 : i32
    %scan3A_11 = arith.constant 1 : i32
    scf.for %scan3A_33 = %scan3A_8 to %scan3A_10 step %scan3A_11  : i32 {
      %mul3A_34 = arith.constant 16 : i32
      %mul3A_35 = arith.muli %scan3A_33, %mul3A_34 : i32
      %add3A_36 = arith.constant 0 : i32
      %add3A_37 = arith.addi %add3A_36, %mul3A_35 : i32
      %get3A = arith.index_cast %add3A_37 : i32 to index
      %get3A_38 = tpu.vector_load %arg6[%get3A] {strides = array<i32>} : memref<10112xi32, #tpu.memory_space<vmem>>, vector<16xi32>,
      %get3A_39 = arith.index_cast %add3A_37 : i32 to index
      %get3A_40 = tpu.vector_load %arg7[%get3A_39] {strides = array<i32>} : memref<10112xf32, #tpu.memory_space<vmem>>, vector<16xf32>,
      tpu.vector_store_idx %arg5[%get3A_38], %get3A_40 {add = true} : memref<10112xf32, #tpu.memory_space<vmem>>[vector<16xi32>], vector<16xf32>,
    }
    %scan3A_12 = arith.constant 632 : i32
    %add3A_13 = arith.constant 0 : i32
    %add3A_14 = arith.addi %add3A_13, %add3A : i32
    %mul3A_15 = arith.constant 2000 : i32
    %mul3A_16 = arith.muli %add3A_14, %mul3A_15 : i32
    "tpu.region"() ({
      %run_scoped3A = tpu.sem_alloc : memref<!tpu.dma_semaphore, #tpu.memory_space<semaphore_mem>>
      %dma_start3A = arith.constant 0 : i32
      %dma_start3A_33 = tpu.memref_slice %arg5[%dma_start3A] : memref<10112xf32, #tpu.memory_space<vmem>> -> memref<2000xf32, #tpu.memory_space<vmem>>
      %dma_start3A_34 = tpu.memref_slice %arg4[%mul3A_16] : memref<320000xf32, #tpu.memory_space<hbm>> -> memref<2000xf32, #tpu.memory_space<hbm>>
      %dma_start3A_35 = tpu.memref_slice %arg4[%mul3A_16] : memref<320000xf32, #tpu.memory_space<hbm>> -> memref<2000xf32, #tpu.memory_space<hbm>>
      %dma_start3A_36 = arith.constant 0 : i32
      %dma_start3A_37 = tpu.memref_slice %arg5[%dma_start3A_36] : memref<10112xf32, #tpu.memory_space<vmem>> -> memref<2000xf32, #tpu.memory_space<vmem>>
      tpu.enqueue_dma source(%dma_start3A_37 : memref<2000xf32, #tpu.memory_space<vmem>>) target(%dma_start3A_35 : memref<2000xf32, #tpu.memory_space<hbm>>) target_semaphore(%run_scoped3A : memref<!tpu.dma_semaphore, #tpu.memory_space<semaphore_mem>>)
      %dma_wait3A = arith.constant 0 : i32
      %dma_wait3A_38 = tpu.memref_slice %arg5[%dma_wait3A] : memref<10112xf32, #tpu.memory_space<vmem>> -> memref<2000xf32, #tpu.memory_space<vmem>>
      %dma_wait3A_39 = tpu.memref_slice %arg4[%mul3A_16] : memref<320000xf32, #tpu.memory_space<hbm>> -> memref<2000xf32, #tpu.memory_space<hbm>>
      %dma_wait3A_40 = tpu.memref_slice %arg4[%mul3A_16] : memref<320000xf32, #tpu.memory_space<hbm>> -> memref<2000xf32, #tpu.memory_space<hbm>>
      %dma_wait3A_41 = arith.constant 0 : i32
      %dma_wait3A_42 = tpu.memref_slice %arg5[%dma_wait3A_41] : memref<10112xf32, #tpu.memory_space<vmem>> -> memref<2000xf32, #tpu.memory_space<vmem>>
      tpu.wait_dma2 semaphore(%run_scoped3A : memref<!tpu.dma_semaphore, #tpu.memory_space<semaphore_mem>>) src(%dma_wait3A_42 : memref<2000xf32, #tpu.memory_space<vmem>>) dst(%dma_wait3A_40 : memref<2000xf32, #tpu.memory_space<hbm>>)
      tpu.yield
    }) : () -> ()
    %add3A_17 = arith.constant 32 : i32
    %add3A_18 = arith.addi %add3A_17, %add3A : i32
    %mul3A_19 = arith.constant 2000 : i32
    %mul3A_20 = arith.muli %add3A_18, %mul3A_19 : i32
    "tpu.region"() ({
      %run_scoped3A = tpu.sem_alloc : memref<!tpu.dma_semaphore, #tpu.memory_space<semaphore_mem>>
      %dma_start3A = arith.constant 2000 : i32
      %dma_start3A_33 = tpu.memref_slice %arg5[%dma_start3A] : memref<10112xf32, #tpu.memory_space<vmem>> -> memref<2000xf32, #tpu.memory_space<vmem>>
      %dma_start3A_34 = tpu.memref_slice %arg4[%mul3A_20] : memref<320000xf32, #tpu.memory_space<hbm>> -> memref<2000xf32, #tpu.memory_space<hbm>>
      %dma_start3A_35 = tpu.memref_slice %arg4[%mul3A_20] : memref<320000xf32, #tpu.memory_space<hbm>> -> memref<2000xf32, #tpu.memory_space<hbm>>
      %dma_start3A_36 = arith.constant 2000 : i32
      %dma_start3A_37 = tpu.memref_slice %arg5[%dma_start3A_36] : memref<10112xf32, #tpu.memory_space<vmem>> -> memref<2000xf32, #tpu.memory_space<vmem>>
      tpu.enqueue_dma source(%dma_start3A_37 : memref<2000xf32, #tpu.memory_space<vmem>>) target(%dma_start3A_35 : memref<2000xf32, #tpu.memory_space<hbm>>) target_semaphore(%run_scoped3A : memref<!tpu.dma_semaphore, #tpu.memory_space<semaphore_mem>>)
      %dma_wait3A = arith.constant 2000 : i32
      %dma_wait3A_38 = tpu.memref_slice %arg5[%dma_wait3A] : memref<10112xf32, #tpu.memory_space<vmem>> -> memref<2000xf32, #tpu.memory_space<vmem>>
      %dma_wait3A_39 = tpu.memref_slice %arg4[%mul3A_20] : memref<320000xf32, #tpu.memory_space<hbm>> -> memref<2000xf32, #tpu.memory_space<hbm>>
      %dma_wait3A_40 = tpu.memref_slice %arg4[%mul3A_20] : memref<320000xf32, #tpu.memory_space<hbm>> -> memref<2000xf32, #tpu.memory_space<hbm>>
      %dma_wait3A_41 = arith.constant 2000 : i32
      %dma_wait3A_42 = tpu.memref_slice %arg5[%dma_wait3A_41] : memref<10112xf32, #tpu.memory_space<vmem>> -> memref<2000xf32, #tpu.memory_space<vmem>>
      tpu.wait_dma2 semaphore(%run_scoped3A : memref<!tpu.dma_semaphore, #tpu.memory_space<semaphore_mem>>) src(%dma_wait3A_42 : memref<2000xf32, #tpu.memory_space<vmem>>) dst(%dma_wait3A_40 : memref<2000xf32, #tpu.memory_space<hbm>>)
      tpu.yield
    }) : () -> ()
    %add3A_21 = arith.constant 64 : i32
    %add3A_22 = arith.addi %add3A_21, %add3A : i32
    %mul3A_23 = arith.constant 2000 : i32
    %mul3A_24 = arith.muli %add3A_22, %mul3A_23 : i32
    "tpu.region"() ({
      %run_scoped3A = tpu.sem_alloc : memref<!tpu.dma_semaphore, #tpu.memory_space<semaphore_mem>>
      %dma_start3A = arith.constant 4000 : i32
      %dma_start3A_33 = tpu.memref_slice %arg5[%dma_start3A] : memref<10112xf32, #tpu.memory_space<vmem>> -> memref<2000xf32, #tpu.memory_space<vmem>>
      %dma_start3A_34 = tpu.memref_slice %arg4[%mul3A_24] : memref<320000xf32, #tpu.memory_space<hbm>> -> memref<2000xf32, #tpu.memory_space<hbm>>
      %dma_start3A_35 = tpu.memref_slice %arg4[%mul3A_24] : memref<320000xf32, #tpu.memory_space<hbm>> -> memref<2000xf32, #tpu.memory_space<hbm>>
      %dma_start3A_36 = arith.constant 4000 : i32
      %dma_start3A_37 = tpu.memref_slice %arg5[%dma_start3A_36] : memref<10112xf32, #tpu.memory_space<vmem>> -> memref<2000xf32, #tpu.memory_space<vmem>>
      tpu.enqueue_dma source(%dma_start3A_37 : memref<2000xf32, #tpu.memory_space<vmem>>) target(%dma_start3A_35 : memref<2000xf32, #tpu.memory_space<hbm>>) target_semaphore(%run_scoped3A : memref<!tpu.dma_semaphore, #tpu.memory_space<semaphore_mem>>)
      %dma_wait3A = arith.constant 4000 : i32
      %dma_wait3A_38 = tpu.memref_slice %arg5[%dma_wait3A] : memref<10112xf32, #tpu.memory_space<vmem>> -> memref<2000xf32, #tpu.memory_space<vmem>>
      %dma_wait3A_39 = tpu.memref_slice %arg4[%mul3A_24] : memref<320000xf32, #tpu.memory_space<hbm>> -> memref<2000xf32, #tpu.memory_space<hbm>>
      %dma_wait3A_40 = tpu.memref_slice %arg4[%mul3A_24] : memref<320000xf32, #tpu.memory_space<hbm>> -> memref<2000xf32, #tpu.memory_space<hbm>>
      %dma_wait3A_41 = arith.constant 4000 : i32
      %dma_wait3A_42 = tpu.memref_slice %arg5[%dma_wait3A_41] : memref<10112xf32, #tpu.memory_space<vmem>> -> memref<2000xf32, #tpu.memory_space<vmem>>
      tpu.wait_dma2 semaphore(%run_scoped3A : memref<!tpu.dma_semaphore, #tpu.memory_space<semaphore_mem>>) src(%dma_wait3A_42 : memref<2000xf32, #tpu.memory_space<vmem>>) dst(%dma_wait3A_40 : memref<2000xf32, #tpu.memory_space<hbm>>)
      tpu.yield
    }) : () -> ()
    %add3A_25 = arith.constant 96 : i32
    %add3A_26 = arith.addi %add3A_25, %add3A : i32
    %mul3A_27 = arith.constant 2000 : i32
    %mul3A_28 = arith.muli %add3A_26, %mul3A_27 : i32
    "tpu.region"() ({
      %run_scoped3A = tpu.sem_alloc : memref<!tpu.dma_semaphore, #tpu.memory_space<semaphore_mem>>
      %dma_start3A = arith.constant 6000 : i32
      %dma_start3A_33 = tpu.memref_slice %arg5[%dma_start3A] : memref<10112xf32, #tpu.memory_space<vmem>> -> memref<2000xf32, #tpu.memory_space<vmem>>
      %dma_start3A_34 = tpu.memref_slice %arg4[%mul3A_28] : memref<320000xf32, #tpu.memory_space<hbm>> -> memref<2000xf32, #tpu.memory_space<hbm>>
      %dma_start3A_35 = tpu.memref_slice %arg4[%mul3A_28] : memref<320000xf32, #tpu.memory_space<hbm>> -> memref<2000xf32, #tpu.memory_space<hbm>>
      %dma_start3A_36 = arith.constant 6000 : i32
      %dma_start3A_37 = tpu.memref_slice %arg5[%dma_start3A_36] : memref<10112xf32, #tpu.memory_space<vmem>> -> memref<2000xf32, #tpu.memory_space<vmem>>
      tpu.enqueue_dma source(%dma_start3A_37 : memref<2000xf32, #tpu.memory_space<vmem>>) target(%dma_start3A_35 : memref<2000xf32, #tpu.memory_space<hbm>>) target_semaphore(%run_scoped3A : memref<!tpu.dma_semaphore, #tpu.memory_space<semaphore_mem>>)
      %dma_wait3A = arith.constant 6000 : i32
      %dma_wait3A_38 = tpu.memref_slice %arg5[%dma_wait3A] : memref<10112xf32, #tpu.memory_space<vmem>> -> memref<2000xf32, #tpu.memory_space<vmem>>
      %dma_wait3A_39 = tpu.memref_slice %arg4[%mul3A_28] : memref<320000xf32, #tpu.memory_space<hbm>> -> memref<2000xf32, #tpu.memory_space<hbm>>
      %dma_wait3A_40 = tpu.memref_slice %arg4[%mul3A_28] : memref<320000xf32, #tpu.memory_space<hbm>> -> memref<2000xf32, #tpu.memory_space<hbm>>
      %dma_wait3A_41 = arith.constant 6000 : i32
      %dma_wait3A_42 = tpu.memref_slice %arg5[%dma_wait3A_41] : memref<10112xf32, #tpu.memory_space<vmem>> -> memref<2000xf32, #tpu.memory_space<vmem>>
      tpu.wait_dma2 semaphore(%run_scoped3A : memref<!tpu.dma_semaphore, #tpu.memory_space<semaphore_mem>>) src(%dma_wait3A_42 : memref<2000xf32, #tpu.memory_space<vmem>>) dst(%dma_wait3A_40 : memref<2000xf32, #tpu.memory_space<hbm>>)
      tpu.yield
    }) : () -> ()
    %add3A_29 = arith.constant 128 : i32
    %add3A_30 = arith.addi %add3A_29, %add3A : i32
    %mul3A_31 = arith.constant 2000 : i32
    %mul3A_32 = arith.muli %add3A_30, %mul3A_31 : i32
    "tpu.region"() ({
      %run_scoped3A = tpu.sem_alloc : memref<!tpu.dma_semaphore, #tpu.memory_space<semaphore_mem>>
      %dma_start3A = arith.constant 8000 : i32
      %dma_start3A_33 = tpu.memref_slice %arg5[%dma_start3A] : memref<10112xf32, #tpu.memory_space<vmem>> -> memref<2000xf32, #tpu.memory_space<vmem>>
      %dma_start3A_34 = tpu.memref_slice %arg4[%mul3A_32] : memref<320000xf32, #tpu.memory_space<hbm>> -> memref<2000xf32, #tpu.memory_space<hbm>>
      %dma_start3A_35 = tpu.memref_slice %arg4[%mul3A_32] : memref<320000xf32, #tpu.memory_space<hbm>> -> memref<2000xf32, #tpu.memory_space<hbm>>
      %dma_start3A_36 = arith.constant 8000 : i32
      %dma_start3A_37 = tpu.memref_slice %arg5[%dma_start3A_36] : memref<10112xf32, #tpu.memory_space<vmem>> -> memref<2000xf32, #tpu.memory_space<vmem>>
      tpu.enqueue_dma source(%dma_start3A_37 : memref<2000xf32, #tpu.memory_space<vmem>>) target(%dma_start3A_35 : memref<2000xf32, #tpu.memory_space<hbm>>) target_semaphore(%run_scoped3A : memref<!tpu.dma_semaphore, #tpu.memory_space<semaphore_mem>>)
      %dma_wait3A = arith.constant 8000 : i32
      %dma_wait3A_38 = tpu.memref_slice %arg5[%dma_wait3A] : memref<10112xf32, #tpu.memory_space<vmem>> -> memref<2000xf32, #tpu.memory_space<vmem>>
      %dma_wait3A_39 = tpu.memref_slice %arg4[%mul3A_32] : memref<320000xf32, #tpu.memory_space<hbm>> -> memref<2000xf32, #tpu.memory_space<hbm>>
      %dma_wait3A_40 = tpu.memref_slice %arg4[%mul3A_32] : memref<320000xf32, #tpu.memory_space<hbm>> -> memref<2000xf32, #tpu.memory_space<hbm>>
      %dma_wait3A_41 = arith.constant 8000 : i32
      %dma_wait3A_42 = tpu.memref_slice %arg5[%dma_wait3A_41] : memref<10112xf32, #tpu.memory_space<vmem>> -> memref<2000xf32, #tpu.memory_space<vmem>>
      tpu.wait_dma2 semaphore(%run_scoped3A : memref<!tpu.dma_semaphore, #tpu.memory_space<semaphore_mem>>) src(%dma_wait3A_42 : memref<2000xf32, #tpu.memory_space<vmem>>) dst(%dma_wait3A_40 : memref<2000xf32, #tpu.memory_space<hbm>>)
      tpu.yield
    }) : () -> ()
    return
  }
}

#map = affine_map<(d0, d1) -> (0, 0)>
#map1 = affine_map<(d0, d1) -> (0, 0, 0)>
#map2 = affine_map<(d0, d1) -> (0)>
module attributes {stable_mosaic.version = 14 : i64} {
  func.func @k(%arg0: i32, %arg1: i32, %arg2: memref<10000x128xf32, #tpu.memory_space<hbm>>, %arg3: memref<32x79x128xi32, #tpu.memory_space<hbm>>, %arg4: memref<32x79x128xi32, #tpu.memory_space<hbm>>, %arg5: memref<323584xf32, #tpu.memory_space<hbm>>, %arg6: memref<20224x128xf32, #tpu.memory_space<hbm>>, %arg7: memref<10112x128xf32, #tpu.memory_space<vmem_shared>>, %arg8: memref<128x128xf32, #tpu.memory_space<vmem>>, %arg9: memref<79x128xi32, #tpu.memory_space<vmem>>, %arg10: memref<79x128xi32, #tpu.memory_space<vmem>>, %arg11: memref<10112xf32, #tpu.memory_space<vmem>>, %arg12: memref<!tpu.dma_semaphore, #tpu.memory_space<semaphore_mem>>) attributes {dimension_semantics = [#tpu.dimension_semantics<core_parallel>, #tpu.dimension_semantics<subcore_parallel>], iteration_bounds = array<i64: 2, 16>, scalar_prefetch = 0 : i64, scratch_operands = 6 : i64, tpu.core_type = #tpu.core_type<sc_vector_subcore>, window_params = [{transform_indices = #map}, {transform_indices = #map1}, {transform_indices = #map1}, {transform_indices = #map2}, {transform_indices = #map}]} {
    %mul3A = arith.constant 16 : i32
    %mul3A_0 = arith.muli %arg0, %mul3A : i32
    %add3A = arith.addi %mul3A_0, %arg1 : i32
    %broadcast_in_dim3A = arith.constant 0.000000e+00 : f32
    %broadcast_in_dim3A_1 = vector.broadcast %broadcast_in_dim3A : f32 to vector<16xf32>
    %scan3A = arith.constant 0 : i32
    %scan3A_2 = arith.constant 128 : i32
    %scan3A_3 = arith.addi %scan3A, %scan3A_2 : i32
    %scan3A_4 = arith.constant 1 : i32
    scf.for %scan3A_29 = %scan3A to %scan3A_3 step %scan3A_4  : i32 {
      %mul3A_30 = arith.constant 1 : i32
      %mul3A_31 = arith.muli %scan3A_29, %mul3A_30 : i32
      %add3A_32 = arith.constant 0 : i32
      %add3A_33 = arith.addi %add3A_32, %mul3A_31 : i32
      %swap3A = arith.index_cast %add3A_33 : i32 to index
      %swap3A_34 = arith.constant 0 : index
      %swap3A_35 = tpu.vector_load %arg8[%swap3A, %swap3A_34] {strides = array<i32>} : memref<128x128xf32, #tpu.memory_space<vmem>>, vector<16xf32>,
      tpu.vector_store %arg8[%swap3A, %swap3A_34], %broadcast_in_dim3A_1 {strides = array<i32>} : memref<128x128xf32, #tpu.memory_space<vmem>>, vector<16xf32>,
      %swap3A_36 = arith.index_cast %add3A_33 : i32 to index
      %swap3A_37 = arith.constant 16 : index
      %swap3A_38 = tpu.vector_load %arg8[%swap3A_36, %swap3A_37] {strides = array<i32>} : memref<128x128xf32, #tpu.memory_space<vmem>>, vector<16xf32>,
      tpu.vector_store %arg8[%swap3A_36, %swap3A_37], %broadcast_in_dim3A_1 {strides = array<i32>} : memref<128x128xf32, #tpu.memory_space<vmem>>, vector<16xf32>,
      %swap3A_39 = arith.index_cast %add3A_33 : i32 to index
      %swap3A_40 = arith.constant 32 : index
      %swap3A_41 = tpu.vector_load %arg8[%swap3A_39, %swap3A_40] {strides = array<i32>} : memref<128x128xf32, #tpu.memory_space<vmem>>, vector<16xf32>,
      tpu.vector_store %arg8[%swap3A_39, %swap3A_40], %broadcast_in_dim3A_1 {strides = array<i32>} : memref<128x128xf32, #tpu.memory_space<vmem>>, vector<16xf32>,
      %swap3A_42 = arith.index_cast %add3A_33 : i32 to index
      %swap3A_43 = arith.constant 48 : index
      %swap3A_44 = tpu.vector_load %arg8[%swap3A_42, %swap3A_43] {strides = array<i32>} : memref<128x128xf32, #tpu.memory_space<vmem>>, vector<16xf32>,
      tpu.vector_store %arg8[%swap3A_42, %swap3A_43], %broadcast_in_dim3A_1 {strides = array<i32>} : memref<128x128xf32, #tpu.memory_space<vmem>>, vector<16xf32>,
      %swap3A_45 = arith.index_cast %add3A_33 : i32 to index
      %swap3A_46 = arith.constant 64 : index
      %swap3A_47 = tpu.vector_load %arg8[%swap3A_45, %swap3A_46] {strides = array<i32>} : memref<128x128xf32, #tpu.memory_space<vmem>>, vector<16xf32>,
      tpu.vector_store %arg8[%swap3A_45, %swap3A_46], %broadcast_in_dim3A_1 {strides = array<i32>} : memref<128x128xf32, #tpu.memory_space<vmem>>, vector<16xf32>,
      %swap3A_48 = arith.index_cast %add3A_33 : i32 to index
      %swap3A_49 = arith.constant 80 : index
      %swap3A_50 = tpu.vector_load %arg8[%swap3A_48, %swap3A_49] {strides = array<i32>} : memref<128x128xf32, #tpu.memory_space<vmem>>, vector<16xf32>,
      tpu.vector_store %arg8[%swap3A_48, %swap3A_49], %broadcast_in_dim3A_1 {strides = array<i32>} : memref<128x128xf32, #tpu.memory_space<vmem>>, vector<16xf32>,
      %swap3A_51 = arith.index_cast %add3A_33 : i32 to index
      %swap3A_52 = arith.constant 96 : index
      %swap3A_53 = tpu.vector_load %arg8[%swap3A_51, %swap3A_52] {strides = array<i32>} : memref<128x128xf32, #tpu.memory_space<vmem>>, vector<16xf32>,
      tpu.vector_store %arg8[%swap3A_51, %swap3A_52], %broadcast_in_dim3A_1 {strides = array<i32>} : memref<128x128xf32, #tpu.memory_space<vmem>>, vector<16xf32>,
      %swap3A_54 = arith.index_cast %add3A_33 : i32 to index
      %swap3A_55 = arith.constant 112 : index
      %swap3A_56 = tpu.vector_load %arg8[%swap3A_54, %swap3A_55] {strides = array<i32>} : memref<128x128xf32, #tpu.memory_space<vmem>>, vector<16xf32>,
      tpu.vector_store %arg8[%swap3A_54, %swap3A_55], %broadcast_in_dim3A_1 {strides = array<i32>} : memref<128x128xf32, #tpu.memory_space<vmem>>, vector<16xf32>,
    }
    %scan3A_5 = arith.constant 128 : i32
    %mul3A_6 = arith.constant 632 : i32
    %mul3A_7 = arith.muli %arg1, %mul3A_6 : i32
    %add3A_8 = arith.constant 0 : i32
    %add3A_9 = arith.addi %mul3A_7, %add3A_8 : i32
    "tpu.region"() ({
      %run_scoped3A = tpu.sem_alloc : memref<!tpu.dma_semaphore, #tpu.memory_space<semaphore_mem>>
      %dma_start3A = arith.constant 0 : i32
      %dma_start3A_29 = tpu.memref_slice %arg7[%add3A_9, %dma_start3A] : memref<10112x128xf32, #tpu.memory_space<vmem_shared>> -> memref<128x128xf32, #tpu.memory_space<vmem_shared>>
      %dma_start3A_30 = arith.constant 0 : i32
      %dma_start3A_31 = tpu.memref_slice %arg7[%add3A_9, %dma_start3A_30] : memref<10112x128xf32, #tpu.memory_space<vmem_shared>> -> memref<128x128xf32, #tpu.memory_space<vmem_shared>>
      tpu.enqueue_dma source(%arg8 : memref<128x128xf32, #tpu.memory_space<vmem>>) target(%dma_start3A_31 : memref<128x128xf32, #tpu.memory_space<vmem_shared>>) target_semaphore(%run_scoped3A : memref<!tpu.dma_semaphore, #tpu.memory_space<semaphore_mem>>)
      %dma_wait3A = arith.constant 0 : i32
      %dma_wait3A_32 = tpu.memref_slice %arg7[%add3A_9, %dma_wait3A] : memref<10112x128xf32, #tpu.memory_space<vmem_shared>> -> memref<128x128xf32, #tpu.memory_space<vmem_shared>>
      %dma_wait3A_33 = arith.constant 0 : i32
      %dma_wait3A_34 = tpu.memref_slice %arg7[%add3A_9, %dma_wait3A_33] : memref<10112x128xf32, #tpu.memory_space<vmem_shared>> -> memref<128x128xf32, #tpu.memory_space<vmem_shared>>
      tpu.wait_dma2 semaphore(%run_scoped3A : memref<!tpu.dma_semaphore, #tpu.memory_space<semaphore_mem>>) src(%arg8 : memref<128x128xf32, #tpu.memory_space<vmem>>) dst(%dma_wait3A_34 : memref<128x128xf32, #tpu.memory_space<vmem_shared>>)
      tpu.yield
    }) : () -> ()
    %add3A_10 = arith.constant 128 : i32
    %add3A_11 = arith.addi %mul3A_7, %add3A_10 : i32
    "tpu.region"() ({
      %run_scoped3A = tpu.sem_alloc : memref<!tpu.dma_semaphore, #tpu.memory_space<semaphore_mem>>
      %dma_start3A = arith.constant 0 : i32
      %dma_start3A_29 = tpu.memref_slice %arg7[%add3A_11, %dma_start3A] : memref<10112x128xf32, #tpu.memory_space<vmem_shared>> -> memref<128x128xf32, #tpu.memory_space<vmem_shared>>
      %dma_start3A_30 = arith.constant 0 : i32
      %dma_start3A_31 = tpu.memref_slice %arg7[%add3A_11, %dma_start3A_30] : memref<10112x128xf32, #tpu.memory_space<vmem_shared>> -> memref<128x128xf32, #tpu.memory_space<vmem_shared>>
      tpu.enqueue_dma source(%arg8 : memref<128x128xf32, #tpu.memory_space<vmem>>) target(%dma_start3A_31 : memref<128x128xf32, #tpu.memory_space<vmem_shared>>) target_semaphore(%run_scoped3A : memref<!tpu.dma_semaphore, #tpu.memory_space<semaphore_mem>>)
      %dma_wait3A = arith.constant 0 : i32
      %dma_wait3A_32 = tpu.memref_slice %arg7[%add3A_11, %dma_wait3A] : memref<10112x128xf32, #tpu.memory_space<vmem_shared>> -> memref<128x128xf32, #tpu.memory_space<vmem_shared>>
      %dma_wait3A_33 = arith.constant 0 : i32
      %dma_wait3A_34 = tpu.memref_slice %arg7[%add3A_11, %dma_wait3A_33] : memref<10112x128xf32, #tpu.memory_space<vmem_shared>> -> memref<128x128xf32, #tpu.memory_space<vmem_shared>>
      tpu.wait_dma2 semaphore(%run_scoped3A : memref<!tpu.dma_semaphore, #tpu.memory_space<semaphore_mem>>) src(%arg8 : memref<128x128xf32, #tpu.memory_space<vmem>>) dst(%dma_wait3A_34 : memref<128x128xf32, #tpu.memory_space<vmem_shared>>)
      tpu.yield
    }) : () -> ()
    %add3A_12 = arith.constant 256 : i32
    %add3A_13 = arith.addi %mul3A_7, %add3A_12 : i32
    "tpu.region"() ({
      %run_scoped3A = tpu.sem_alloc : memref<!tpu.dma_semaphore, #tpu.memory_space<semaphore_mem>>
      %dma_start3A = arith.constant 0 : i32
      %dma_start3A_29 = tpu.memref_slice %arg7[%add3A_13, %dma_start3A] : memref<10112x128xf32, #tpu.memory_space<vmem_shared>> -> memref<128x128xf32, #tpu.memory_space<vmem_shared>>
      %dma_start3A_30 = arith.constant 0 : i32
      %dma_start3A_31 = tpu.memref_slice %arg7[%add3A_13, %dma_start3A_30] : memref<10112x128xf32, #tpu.memory_space<vmem_shared>> -> memref<128x128xf32, #tpu.memory_space<vmem_shared>>
      tpu.enqueue_dma source(%arg8 : memref<128x128xf32, #tpu.memory_space<vmem>>) target(%dma_start3A_31 : memref<128x128xf32, #tpu.memory_space<vmem_shared>>) target_semaphore(%run_scoped3A : memref<!tpu.dma_semaphore, #tpu.memory_space<semaphore_mem>>)
      %dma_wait3A = arith.constant 0 : i32
      %dma_wait3A_32 = tpu.memref_slice %arg7[%add3A_13, %dma_wait3A] : memref<10112x128xf32, #tpu.memory_space<vmem_shared>> -> memref<128x128xf32, #tpu.memory_space<vmem_shared>>
      %dma_wait3A_33 = arith.constant 0 : i32
      %dma_wait3A_34 = tpu.memref_slice %arg7[%add3A_13, %dma_wait3A_33] : memref<10112x128xf32, #tpu.memory_space<vmem_shared>> -> memref<128x128xf32, #tpu.memory_space<vmem_shared>>
      tpu.wait_dma2 semaphore(%run_scoped3A : memref<!tpu.dma_semaphore, #tpu.memory_space<semaphore_mem>>) src(%arg8 : memref<128x128xf32, #tpu.memory_space<vmem>>) dst(%dma_wait3A_34 : memref<128x128xf32, #tpu.memory_space<vmem_shared>>)
      tpu.yield
    }) : () -> ()
    %add3A_14 = arith.constant 384 : i32
    %add3A_15 = arith.addi %mul3A_7, %add3A_14 : i32
    "tpu.region"() ({
      %run_scoped3A = tpu.sem_alloc : memref<!tpu.dma_semaphore, #tpu.memory_space<semaphore_mem>>
      %dma_start3A = arith.constant 0 : i32
      %dma_start3A_29 = tpu.memref_slice %arg7[%add3A_15, %dma_start3A] : memref<10112x128xf32, #tpu.memory_space<vmem_shared>> -> memref<128x128xf32, #tpu.memory_space<vmem_shared>>
      %dma_start3A_30 = arith.constant 0 : i32
      %dma_start3A_31 = tpu.memref_slice %arg7[%add3A_15, %dma_start3A_30] : memref<10112x128xf32, #tpu.memory_space<vmem_shared>> -> memref<128x128xf32, #tpu.memory_space<vmem_shared>>
      tpu.enqueue_dma source(%arg8 : memref<128x128xf32, #tpu.memory_space<vmem>>) target(%dma_start3A_31 : memref<128x128xf32, #tpu.memory_space<vmem_shared>>) target_semaphore(%run_scoped3A : memref<!tpu.dma_semaphore, #tpu.memory_space<semaphore_mem>>)
      %dma_wait3A = arith.constant 0 : i32
      %dma_wait3A_32 = tpu.memref_slice %arg7[%add3A_15, %dma_wait3A] : memref<10112x128xf32, #tpu.memory_space<vmem_shared>> -> memref<128x128xf32, #tpu.memory_space<vmem_shared>>
      %dma_wait3A_33 = arith.constant 0 : i32
      %dma_wait3A_34 = tpu.memref_slice %arg7[%add3A_15, %dma_wait3A_33] : memref<10112x128xf32, #tpu.memory_space<vmem_shared>> -> memref<128x128xf32, #tpu.memory_space<vmem_shared>>
      tpu.wait_dma2 semaphore(%run_scoped3A : memref<!tpu.dma_semaphore, #tpu.memory_space<semaphore_mem>>) src(%arg8 : memref<128x128xf32, #tpu.memory_space<vmem>>) dst(%dma_wait3A_34 : memref<128x128xf32, #tpu.memory_space<vmem_shared>>)
      tpu.yield
    }) : () -> ()
    %add3A_16 = arith.constant 512 : i32
    %add3A_17 = arith.addi %mul3A_7, %add3A_16 : i32
    "tpu.region"() ({
      %run_scoped3A = tpu.sem_alloc : memref<!tpu.dma_semaphore, #tpu.memory_space<semaphore_mem>>
      %dma_start3A = arith.constant 0 : i32
      %dma_start3A_29 = arith.constant 0 : i32
      %dma_start3A_30 = tpu.memref_slice %arg8[%dma_start3A, %dma_start3A_29] : memref<128x128xf32, #tpu.memory_space<vmem>> -> memref<120x128xf32, #tpu.memory_space<vmem>>
      %dma_start3A_31 = arith.constant 0 : i32
      %dma_start3A_32 = tpu.memref_slice %arg7[%add3A_17, %dma_start3A_31] : memref<10112x128xf32, #tpu.memory_space<vmem_shared>> -> memref<120x128xf32, #tpu.memory_space<vmem_shared>>
      %dma_start3A_33 = arith.constant 0 : i32
      %dma_start3A_34 = tpu.memref_slice %arg7[%add3A_17, %dma_start3A_33] : memref<10112x128xf32, #tpu.memory_space<vmem_shared>> -> memref<120x128xf32, #tpu.memory_space<vmem_shared>>
      %dma_start3A_35 = arith.constant 0 : i32
      %dma_start3A_36 = arith.constant 0 : i32
      %dma_start3A_37 = tpu.memref_slice %arg8[%dma_start3A_35, %dma_start3A_36] : memref<128x128xf32, #tpu.memory_space<vmem>> -> memref<120x128xf32, #tpu.memory_space<vmem>>
      tpu.enqueue_dma source(%dma_start3A_37 : memref<120x128xf32, #tpu.memory_space<vmem>>) target(%dma_start3A_34 : memref<120x128xf32, #tpu.memory_space<vmem_shared>>) target_semaphore(%run_scoped3A : memref<!tpu.dma_semaphore, #tpu.memory_space<semaphore_mem>>)
      %dma_wait3A = arith.constant 0 : i32
      %dma_wait3A_38 = arith.constant 0 : i32
      %dma_wait3A_39 = tpu.memref_slice %arg8[%dma_wait3A, %dma_wait3A_38] : memref<128x128xf32, #tpu.memory_space<vmem>> -> memref<120x128xf32, #tpu.memory_space<vmem>>
      %dma_wait3A_40 = arith.constant 0 : i32
      %dma_wait3A_41 = tpu.memref_slice %arg7[%add3A_17, %dma_wait3A_40] : memref<10112x128xf32, #tpu.memory_space<vmem_shared>> -> memref<120x128xf32, #tpu.memory_space<vmem_shared>>
      %dma_wait3A_42 = arith.constant 0 : i32
      %dma_wait3A_43 = tpu.memref_slice %arg7[%add3A_17, %dma_wait3A_42] : memref<10112x128xf32, #tpu.memory_space<vmem_shared>> -> memref<120x128xf32, #tpu.memory_space<vmem_shared>>
      %dma_wait3A_44 = arith.constant 0 : i32
      %dma_wait3A_45 = arith.constant 0 : i32
      %dma_wait3A_46 = tpu.memref_slice %arg8[%dma_wait3A_44, %dma_wait3A_45] : memref<128x128xf32, #tpu.memory_space<vmem>> -> memref<120x128xf32, #tpu.memory_space<vmem>>
      tpu.wait_dma2 semaphore(%run_scoped3A : memref<!tpu.dma_semaphore, #tpu.memory_space<semaphore_mem>>) src(%dma_wait3A_46 : memref<120x128xf32, #tpu.memory_space<vmem>>) dst(%dma_wait3A_43 : memref<120x128xf32, #tpu.memory_space<vmem_shared>>)
      tpu.yield
    }) : () -> ()
    %barrier3A = arith.constant 0 : index
    tpu.barrier barrier_id(%barrier3A)
    "tpu.region"() ({
      %run_scoped3A = tpu.sem_alloc : memref<!tpu.dma_semaphore, #tpu.memory_space<semaphore_mem>>
      %dma_start3A = arith.constant 0 : i32
      %dma_start3A_29 = arith.constant 0 : i32
      %dma_start3A_30 = tpu.memref_slice %arg3[%add3A, %dma_start3A, %dma_start3A_29] : memref<32x79x128xi32, #tpu.memory_space<hbm>> -> memref<1x79x128xi32, #tpu.memory_space<hbm>>
      %dma_start3A_31 = tpu.memref_squeeze %dma_start3A_30 : memref<1x79x128xi32, #tpu.memory_space<hbm>> -> memref<79x128xi32, #tpu.memory_space<hbm>>
      %dma_start3A_32 = arith.constant 0 : i32
      %dma_start3A_33 = arith.constant 0 : i32
      %dma_start3A_34 = tpu.memref_slice %arg3[%add3A, %dma_start3A_32, %dma_start3A_33] : memref<32x79x128xi32, #tpu.memory_space<hbm>> -> memref<1x79x128xi32, #tpu.memory_space<hbm>>
      %dma_start3A_35 = tpu.memref_squeeze %dma_start3A_34 : memref<1x79x128xi32, #tpu.memory_space<hbm>> -> memref<79x128xi32, #tpu.memory_space<hbm>>
      tpu.enqueue_dma source(%dma_start3A_35 : memref<79x128xi32, #tpu.memory_space<hbm>>) target(%arg9 : memref<79x128xi32, #tpu.memory_space<vmem>>) target_semaphore(%run_scoped3A : memref<!tpu.dma_semaphore, #tpu.memory_space<semaphore_mem>>)
      %dma_wait3A = arith.constant 0 : i32
      %dma_wait3A_36 = arith.constant 0 : i32
      %dma_wait3A_37 = tpu.memref_slice %arg3[%add3A, %dma_wait3A, %dma_wait3A_36] : memref<32x79x128xi32, #tpu.memory_space<hbm>> -> memref<1x79x128xi32, #tpu.memory_space<hbm>>
      %dma_wait3A_38 = tpu.memref_squeeze %dma_wait3A_37 : memref<1x79x128xi32, #tpu.memory_space<hbm>> -> memref<79x128xi32, #tpu.memory_space<hbm>>
      %dma_wait3A_39 = arith.constant 0 : i32
      %dma_wait3A_40 = arith.constant 0 : i32
      %dma_wait3A_41 = tpu.memref_slice %arg3[%add3A, %dma_wait3A_39, %dma_wait3A_40] : memref<32x79x128xi32, #tpu.memory_space<hbm>> -> memref<1x79x128xi32, #tpu.memory_space<hbm>>
      %dma_wait3A_42 = tpu.memref_squeeze %dma_wait3A_41 : memref<1x79x128xi32, #tpu.memory_space<hbm>> -> memref<79x128xi32, #tpu.memory_space<hbm>>
      tpu.wait_dma2 semaphore(%run_scoped3A : memref<!tpu.dma_semaphore, #tpu.memory_space<semaphore_mem>>) src(%dma_wait3A_42 : memref<79x128xi32, #tpu.memory_space<hbm>>) dst(%arg9 : memref<79x128xi32, #tpu.memory_space<vmem>>)
      tpu.yield
    }) : () -> ()
    "tpu.region"() ({
      %run_scoped3A = tpu.sem_alloc : memref<!tpu.dma_semaphore, #tpu.memory_space<semaphore_mem>>
      %dma_start3A = arith.constant 0 : i32
      %dma_start3A_29 = arith.constant 0 : i32
      %dma_start3A_30 = tpu.memref_slice %arg4[%add3A, %dma_start3A, %dma_start3A_29] : memref<32x79x128xi32, #tpu.memory_space<hbm>> -> memref<1x79x128xi32, #tpu.memory_space<hbm>>
      %dma_start3A_31 = tpu.memref_squeeze %dma_start3A_30 : memref<1x79x128xi32, #tpu.memory_space<hbm>> -> memref<79x128xi32, #tpu.memory_space<hbm>>
      %dma_start3A_32 = arith.constant 0 : i32
      %dma_start3A_33 = arith.constant 0 : i32
      %dma_start3A_34 = tpu.memref_slice %arg4[%add3A, %dma_start3A_32, %dma_start3A_33] : memref<32x79x128xi32, #tpu.memory_space<hbm>> -> memref<1x79x128xi32, #tpu.memory_space<hbm>>
      %dma_start3A_35 = tpu.memref_squeeze %dma_start3A_34 : memref<1x79x128xi32, #tpu.memory_space<hbm>> -> memref<79x128xi32, #tpu.memory_space<hbm>>
      tpu.enqueue_dma source(%dma_start3A_35 : memref<79x128xi32, #tpu.memory_space<hbm>>) target(%arg10 : memref<79x128xi32, #tpu.memory_space<vmem>>) target_semaphore(%run_scoped3A : memref<!tpu.dma_semaphore, #tpu.memory_space<semaphore_mem>>)
      %dma_wait3A = arith.constant 0 : i32
      %dma_wait3A_36 = arith.constant 0 : i32
      %dma_wait3A_37 = tpu.memref_slice %arg4[%add3A, %dma_wait3A, %dma_wait3A_36] : memref<32x79x128xi32, #tpu.memory_space<hbm>> -> memref<1x79x128xi32, #tpu.memory_space<hbm>>
      %dma_wait3A_38 = tpu.memref_squeeze %dma_wait3A_37 : memref<1x79x128xi32, #tpu.memory_space<hbm>> -> memref<79x128xi32, #tpu.memory_space<hbm>>
      %dma_wait3A_39 = arith.constant 0 : i32
      %dma_wait3A_40 = arith.constant 0 : i32
      %dma_wait3A_41 = tpu.memref_slice %arg4[%add3A, %dma_wait3A_39, %dma_wait3A_40] : memref<32x79x128xi32, #tpu.memory_space<hbm>> -> memref<1x79x128xi32, #tpu.memory_space<hbm>>
      %dma_wait3A_42 = tpu.memref_squeeze %dma_wait3A_41 : memref<1x79x128xi32, #tpu.memory_space<hbm>> -> memref<79x128xi32, #tpu.memory_space<hbm>>
      tpu.wait_dma2 semaphore(%run_scoped3A : memref<!tpu.dma_semaphore, #tpu.memory_space<semaphore_mem>>) src(%dma_wait3A_42 : memref<79x128xi32, #tpu.memory_space<hbm>>) dst(%arg10 : memref<79x128xi32, #tpu.memory_space<vmem>>)
      tpu.yield
    }) : () -> ()
    %mul3A_18 = arith.constant 10112 : i32
    %mul3A_19 = arith.muli %add3A, %mul3A_18 : i32
    "tpu.region"() ({
      %run_scoped3A = tpu.sem_alloc : memref<!tpu.dma_semaphore, #tpu.memory_space<semaphore_mem>>
      %dma_start3A = tpu.memref_slice %arg5[%mul3A_19] : memref<323584xf32, #tpu.memory_space<hbm>> -> memref<10112xf32, #tpu.memory_space<hbm>>
      %dma_start3A_29 = tpu.memref_slice %arg5[%mul3A_19] : memref<323584xf32, #tpu.memory_space<hbm>> -> memref<10112xf32, #tpu.memory_space<hbm>>
      tpu.enqueue_dma source(%dma_start3A_29 : memref<10112xf32, #tpu.memory_space<hbm>>) target(%arg11 : memref<10112xf32, #tpu.memory_space<vmem>>) target_semaphore(%run_scoped3A : memref<!tpu.dma_semaphore, #tpu.memory_space<semaphore_mem>>)
      %dma_wait3A = tpu.memref_slice %arg5[%mul3A_19] : memref<323584xf32, #tpu.memory_space<hbm>> -> memref<10112xf32, #tpu.memory_space<hbm>>
      %dma_wait3A_30 = tpu.memref_slice %arg5[%mul3A_19] : memref<323584xf32, #tpu.memory_space<hbm>> -> memref<10112xf32, #tpu.memory_space<hbm>>
      tpu.wait_dma2 semaphore(%run_scoped3A : memref<!tpu.dma_semaphore, #tpu.memory_space<semaphore_mem>>) src(%dma_wait3A_30 : memref<10112xf32, #tpu.memory_space<hbm>>) dst(%arg11 : memref<10112xf32, #tpu.memory_space<vmem>>)
      tpu.yield
    }) : () -> ()
    %scan3A_20 = arith.constant 0 : i32
    %scan3A_21 = arith.constant 79 : i32
    %scan3A_22 = arith.addi %scan3A_20, %scan3A_21 : i32
    %scan3A_23 = arith.constant 1 : i32
    scf.for %scan3A_29 = %scan3A_20 to %scan3A_22 step %scan3A_23  : i32 {
      %mul3A_30 = arith.constant 1 : i32
      %mul3A_31 = arith.muli %scan3A_29, %mul3A_30 : i32
      %add3A_32 = arith.constant 0 : i32
      %add3A_33 = arith.addi %add3A_32, %mul3A_31 : i32
      %dma_start3A = arith.constant 0 : i32
      %dma_start3A_34 = tpu.memref_slice %arg9[%add3A_33, %dma_start3A] : memref<79x128xi32, #tpu.memory_space<vmem>> -> memref<1x128xi32, #tpu.memory_space<vmem>>
      %dma_start3A_35 = tpu.memref_squeeze %dma_start3A_34 : memref<1x128xi32, #tpu.memory_space<vmem>> -> memref<128xi32, #tpu.memory_space<vmem>>
      %dma_start3A_36 = arith.constant 0 : i32
      %dma_start3A_37 = arith.constant 0 : i32
      %dma_start3A_38 = tpu.memref_slice %arg2[%dma_start3A_36, %dma_start3A_37] : memref<10000x128xf32, #tpu.memory_space<hbm>> -> memref<10000x128xf32, #tpu.memory_space<hbm>>
      tpu.enqueue_indirect_dma source(%dma_start3A_38 : memref<10000x128xf32, #tpu.memory_space<hbm>>) target(%arg8 : memref<128x128xf32, #tpu.memory_space<vmem>>) offsets(%dma_start3A_35 : memref<128xi32, #tpu.memory_space<vmem>>) semaphore(%arg12 : memref<!tpu.dma_semaphore, #tpu.memory_space<semaphore_mem>>)
      %dma_wait3A = arith.constant 0 : i32
      %dma_wait3A_39 = tpu.memref_slice %arg9[%add3A_33, %dma_wait3A] : memref<79x128xi32, #tpu.memory_space<vmem>> -> memref<1x128xi32, #tpu.memory_space<vmem>>
      %dma_wait3A_40 = tpu.memref_squeeze %dma_wait3A_39 : memref<1x128xi32, #tpu.memory_space<vmem>> -> memref<128xi32, #tpu.memory_space<vmem>>
      %dma_wait3A_41 = arith.constant 0 : i32
      %dma_wait3A_42 = arith.constant 0 : i32
      %dma_wait3A_43 = tpu.memref_slice %arg2[%dma_wait3A_41, %dma_wait3A_42] : memref<10000x128xf32, #tpu.memory_space<hbm>> -> memref<10000x128xf32, #tpu.memory_space<hbm>>
      tpu.wait_indirect_dma semaphore(%arg12 : memref<!tpu.dma_semaphore, #tpu.memory_space<semaphore_mem>>) src(%dma_wait3A_43 : memref<10000x128xf32, #tpu.memory_space<hbm>>) dst(%arg8 : memref<128x128xf32, #tpu.memory_space<vmem>>)
      %scan3A_44 = arith.constant 0 : i32
      %scan3A_45 = arith.constant 128 : i32
      %scan3A_46 = arith.addi %scan3A_44, %scan3A_45 : i32
      %scan3A_47 = arith.constant 1 : i32
      scf.for %scan3A_49 = %scan3A_44 to %scan3A_46 step %scan3A_47  : i32 {
        %mul3A_50 = arith.constant 1 : i32
        %mul3A_51 = arith.muli %scan3A_49, %mul3A_50 : i32
        %add3A_52 = arith.constant 0 : i32
        %add3A_53 = arith.addi %add3A_52, %mul3A_51 : i32
        %mul3A_54 = arith.constant 128 : i32
        %mul3A_55 = arith.muli %add3A_33, %mul3A_54 : i32
        %add3A_56 = arith.addi %mul3A_55, %add3A_53 : i32
        %broadcast_in_dim3A_57 = vector.broadcast %add3A_56 : i32 to vector<16xi32>
        %gather3A = tpu.vector_load_idx %arg11[%broadcast_in_dim3A_57] : memref<10112xf32, #tpu.memory_space<vmem>>[vector<16xi32>], vector<16xf32>,
        %get3A = arith.index_cast %add3A_53 : i32 to index
        %get3A_58 = arith.constant 0 : index
        %get3A_59 = tpu.vector_load %arg8[%get3A, %get3A_58] {strides = array<i32>} : memref<128x128xf32, #tpu.memory_space<vmem>>, vector<16xf32>,
        %mul3A_60 = arith.mulf %get3A_59, %gather3A : vector<16xf32>
        %swap3A = arith.index_cast %add3A_53 : i32 to index
        %swap3A_61 = arith.constant 0 : index
        %swap3A_62 = tpu.vector_load %arg8[%swap3A, %swap3A_61] {strides = array<i32>} : memref<128x128xf32, #tpu.memory_space<vmem>>, vector<16xf32>,
        tpu.vector_store %arg8[%swap3A, %swap3A_61], %mul3A_60 {strides = array<i32>} : memref<128x128xf32, #tpu.memory_space<vmem>>, vector<16xf32>,
        %get3A_63 = arith.index_cast %add3A_53 : i32 to index
        %get3A_64 = arith.constant 16 : index
        %get3A_65 = tpu.vector_load %arg8[%get3A_63, %get3A_64] {strides = array<i32>} : memref<128x128xf32, #tpu.memory_space<vmem>>, vector<16xf32>,
        %mul3A_66 = arith.mulf %get3A_65, %gather3A : vector<16xf32>
        %swap3A_67 = arith.index_cast %add3A_53 : i32 to index
        %swap3A_68 = arith.constant 16 : index
        %swap3A_69 = tpu.vector_load %arg8[%swap3A_67, %swap3A_68] {strides = array<i32>} : memref<128x128xf32, #tpu.memory_space<vmem>>, vector<16xf32>,
        tpu.vector_store %arg8[%swap3A_67, %swap3A_68], %mul3A_66 {strides = array<i32>} : memref<128x128xf32, #tpu.memory_space<vmem>>, vector<16xf32>,
        %get3A_70 = arith.index_cast %add3A_53 : i32 to index
        %get3A_71 = arith.constant 32 : index
        %get3A_72 = tpu.vector_load %arg8[%get3A_70, %get3A_71] {strides = array<i32>} : memref<128x128xf32, #tpu.memory_space<vmem>>, vector<16xf32>,
        %mul3A_73 = arith.mulf %get3A_72, %gather3A : vector<16xf32>
        %swap3A_74 = arith.index_cast %add3A_53 : i32 to index
        %swap3A_75 = arith.constant 32 : index
        %swap3A_76 = tpu.vector_load %arg8[%swap3A_74, %swap3A_75] {strides = array<i32>} : memref<128x128xf32, #tpu.memory_space<vmem>>, vector<16xf32>,
        tpu.vector_store %arg8[%swap3A_74, %swap3A_75], %mul3A_73 {strides = array<i32>} : memref<128x128xf32, #tpu.memory_space<vmem>>, vector<16xf32>,
        %get3A_77 = arith.index_cast %add3A_53 : i32 to index
        %get3A_78 = arith.constant 48 : index
        %get3A_79 = tpu.vector_load %arg8[%get3A_77, %get3A_78] {strides = array<i32>} : memref<128x128xf32, #tpu.memory_space<vmem>>, vector<16xf32>,
        %mul3A_80 = arith.mulf %get3A_79, %gather3A : vector<16xf32>
        %swap3A_81 = arith.index_cast %add3A_53 : i32 to index
        %swap3A_82 = arith.constant 48 : index
        %swap3A_83 = tpu.vector_load %arg8[%swap3A_81, %swap3A_82] {strides = array<i32>} : memref<128x128xf32, #tpu.memory_space<vmem>>, vector<16xf32>,
        tpu.vector_store %arg8[%swap3A_81, %swap3A_82], %mul3A_80 {strides = array<i32>} : memref<128x128xf32, #tpu.memory_space<vmem>>, vector<16xf32>,
        %get3A_84 = arith.index_cast %add3A_53 : i32 to index
        %get3A_85 = arith.constant 64 : index
        %get3A_86 = tpu.vector_load %arg8[%get3A_84, %get3A_85] {strides = array<i32>} : memref<128x128xf32, #tpu.memory_space<vmem>>, vector<16xf32>,
        %mul3A_87 = arith.mulf %get3A_86, %gather3A : vector<16xf32>
        %swap3A_88 = arith.index_cast %add3A_53 : i32 to index
        %swap3A_89 = arith.constant 64 : index
        %swap3A_90 = tpu.vector_load %arg8[%swap3A_88, %swap3A_89] {strides = array<i32>} : memref<128x128xf32, #tpu.memory_space<vmem>>, vector<16xf32>,
        tpu.vector_store %arg8[%swap3A_88, %swap3A_89], %mul3A_87 {strides = array<i32>} : memref<128x128xf32, #tpu.memory_space<vmem>>, vector<16xf32>,
        %get3A_91 = arith.index_cast %add3A_53 : i32 to index
        %get3A_92 = arith.constant 80 : index
        %get3A_93 = tpu.vector_load %arg8[%get3A_91, %get3A_92] {strides = array<i32>} : memref<128x128xf32, #tpu.memory_space<vmem>>, vector<16xf32>,
        %mul3A_94 = arith.mulf %get3A_93, %gather3A : vector<16xf32>
        %swap3A_95 = arith.index_cast %add3A_53 : i32 to index
        %swap3A_96 = arith.constant 80 : index
        %swap3A_97 = tpu.vector_load %arg8[%swap3A_95, %swap3A_96] {strides = array<i32>} : memref<128x128xf32, #tpu.memory_space<vmem>>, vector<16xf32>,
        tpu.vector_store %arg8[%swap3A_95, %swap3A_96], %mul3A_94 {strides = array<i32>} : memref<128x128xf32, #tpu.memory_space<vmem>>, vector<16xf32>,
        %get3A_98 = arith.index_cast %add3A_53 : i32 to index
        %get3A_99 = arith.constant 96 : index
        %get3A_100 = tpu.vector_load %arg8[%get3A_98, %get3A_99] {strides = array<i32>} : memref<128x128xf32, #tpu.memory_space<vmem>>, vector<16xf32>,
        %mul3A_101 = arith.mulf %get3A_100, %gather3A : vector<16xf32>
        %swap3A_102 = arith.index_cast %add3A_53 : i32 to index
        %swap3A_103 = arith.constant 96 : index
        %swap3A_104 = tpu.vector_load %arg8[%swap3A_102, %swap3A_103] {strides = array<i32>} : memref<128x128xf32, #tpu.memory_space<vmem>>, vector<16xf32>,
        tpu.vector_store %arg8[%swap3A_102, %swap3A_103], %mul3A_101 {strides = array<i32>} : memref<128x128xf32, #tpu.memory_space<vmem>>, vector<16xf32>,
        %get3A_105 = arith.index_cast %add3A_53 : i32 to index
        %get3A_106 = arith.constant 112 : index
        %get3A_107 = tpu.vector_load %arg8[%get3A_105, %get3A_106] {strides = array<i32>} : memref<128x128xf32, #tpu.memory_space<vmem>>, vector<16xf32>,
        %mul3A_108 = arith.mulf %get3A_107, %gather3A : vector<16xf32>
        %swap3A_109 = arith.index_cast %add3A_53 : i32 to index
        %swap3A_110 = arith.constant 112 : index
        %swap3A_111 = tpu.vector_load %arg8[%swap3A_109, %swap3A_110] {strides = array<i32>} : memref<128x128xf32, #tpu.memory_space<vmem>>, vector<16xf32>,
        tpu.vector_store %arg8[%swap3A_109, %swap3A_110], %mul3A_108 {strides = array<i32>} : memref<128x128xf32, #tpu.memory_space<vmem>>, vector<16xf32>,
      }
      %scan3A_48 = arith.constant 128 : i32
      "tpu.region"() ({
        %run_scoped3A = tpu.sem_alloc : memref<!tpu.dma_semaphore, #tpu.memory_space<semaphore_mem>>
        %dma_start3A_49 = arith.constant 0 : i32
        %dma_start3A_50 = tpu.memref_slice %arg10[%add3A_33, %dma_start3A_49] : memref<79x128xi32, #tpu.memory_space<vmem>> -> memref<1x128xi32, #tpu.memory_space<vmem>>
        %dma_start3A_51 = tpu.memref_squeeze %dma_start3A_50 : memref<1x128xi32, #tpu.memory_space<vmem>> -> memref<128xi32, #tpu.memory_space<vmem>>
        %dma_start3A_52 = arith.constant 0 : i32
        %dma_start3A_53 = arith.constant 0 : i32
        %dma_start3A_54 = tpu.memref_slice %arg7[%dma_start3A_52, %dma_start3A_53] : memref<10112x128xf32, #tpu.memory_space<vmem_shared>> -> memref<10112x128xf32, #tpu.memory_space<vmem_shared>>
        tpu.enqueue_indirect_dma source(%arg8 : memref<128x128xf32, #tpu.memory_space<vmem>>) target(%dma_start3A_54 : memref<10112x128xf32, #tpu.memory_space<vmem_shared>>) offsets(%dma_start3A_51 : memref<128xi32, #tpu.memory_space<vmem>>) semaphore(%run_scoped3A : memref<!tpu.dma_semaphore, #tpu.memory_space<semaphore_mem>>) {add = true}
        %dma_wait3A_55 = arith.constant 0 : i32
        %dma_wait3A_56 = tpu.memref_slice %arg10[%add3A_33, %dma_wait3A_55] : memref<79x128xi32, #tpu.memory_space<vmem>> -> memref<1x128xi32, #tpu.memory_space<vmem>>
        %dma_wait3A_57 = tpu.memref_squeeze %dma_wait3A_56 : memref<1x128xi32, #tpu.memory_space<vmem>> -> memref<128xi32, #tpu.memory_space<vmem>>
        %dma_wait3A_58 = arith.constant 0 : i32
        %dma_wait3A_59 = arith.constant 0 : i32
        %dma_wait3A_60 = tpu.memref_slice %arg7[%dma_wait3A_58, %dma_wait3A_59] : memref<10112x128xf32, #tpu.memory_space<vmem_shared>> -> memref<10112x128xf32, #tpu.memory_space<vmem_shared>>
        tpu.wait_indirect_dma semaphore(%run_scoped3A : memref<!tpu.dma_semaphore, #tpu.memory_space<semaphore_mem>>) src(%arg8 : memref<128x128xf32, #tpu.memory_space<vmem>>) dst(%dma_wait3A_60 : memref<10112x128xf32, #tpu.memory_space<vmem_shared>>)
        tpu.yield
      }) : () -> ()
    }
    %scan3A_24 = arith.constant 79 : i32
    %barrier3A_25 = arith.constant 0 : index
    tpu.barrier barrier_id(%barrier3A_25)
    %mul3A_26 = arith.constant 10112 : i32
    %mul3A_27 = arith.muli %arg0, %mul3A_26 : i32
    %add3A_28 = arith.addi %mul3A_27, %mul3A_7 : i32
    "tpu.region"() ({
      %run_scoped3A = tpu.sem_alloc : memref<!tpu.dma_semaphore, #tpu.memory_space<semaphore_mem>>
      %dma_start3A = arith.constant 0 : i32
      %dma_start3A_29 = tpu.memref_slice %arg6[%add3A_28, %dma_start3A] : memref<20224x128xf32, #tpu.memory_space<hbm>> -> memref<632x128xf32, #tpu.memory_space<hbm>>
      %dma_start3A_30 = arith.constant 0 : i32
      %dma_start3A_31 = tpu.memref_slice %arg7[%mul3A_7, %dma_start3A_30] : memref<10112x128xf32, #tpu.memory_space<vmem_shared>> -> memref<632x128xf32, #tpu.memory_space<vmem_shared>>
      tpu.enqueue_dma source(%dma_start3A_31 : memref<632x128xf32, #tpu.memory_space<vmem_shared>>) target(%dma_start3A_29 : memref<632x128xf32, #tpu.memory_space<hbm>>) target_semaphore(%run_scoped3A : memref<!tpu.dma_semaphore, #tpu.memory_space<semaphore_mem>>)
      %dma_wait3A = arith.constant 0 : i32
      %dma_wait3A_32 = tpu.memref_slice %arg6[%add3A_28, %dma_wait3A] : memref<20224x128xf32, #tpu.memory_space<hbm>> -> memref<632x128xf32, #tpu.memory_space<hbm>>
      %dma_wait3A_33 = arith.constant 0 : i32
      %dma_wait3A_34 = tpu.memref_slice %arg7[%mul3A_7, %dma_wait3A_33] : memref<10112x128xf32, #tpu.memory_space<vmem_shared>> -> memref<632x128xf32, #tpu.memory_space<vmem_shared>>
      tpu.wait_dma2 semaphore(%run_scoped3A : memref<!tpu.dma_semaphore, #tpu.memory_space<semaphore_mem>>) src(%dma_wait3A_34 : memref<632x128xf32, #tpu.memory_space<vmem_shared>>) dst(%dma_wait3A_32 : memref<632x128xf32, #tpu.memory_space<hbm>>)
      tpu.yield
    }) : () -> ()
    return
  }
}

module attributes {stable_mosaic.version = 14 : i64} {
  func.func @_tw_body(%arg0: i32, %arg1: memref<2560x107xf32, #tpu.memory_space<vmem>>, %arg2: memref<107x128xf32, #tpu.memory_space<vmem>>, %arg3: memref<1x128xf32, #tpu.memory_space<vmem>>, %arg4: memref<1x128xf32, #tpu.memory_space<vmem>>, %arg5: memref<1x128xf32, #tpu.memory_space<vmem>>, %arg6: memref<1x128xf32, #tpu.memory_space<vmem>>, %arg7: memref<1x1xf32, #tpu.memory_space<vmem>>, %arg8: memref<2560x1xf32, #tpu.memory_space<vmem>>) attributes {dimension_semantics = [#tpu.dimension_semantics<arbitrary>], iteration_bounds = array<i64: 125>, scalar_prefetch = 0 : i64, scratch_operands = 0 : i64, tpu.core_type = #tpu.core_type<tc>, window_params = [{transform_indices = @transform_0, window_bounds = array<i64: 2560, 107>}, {pipeline_mode = #tpu.pipeline_mode<synchronous>, transform_indices = @transform_1, window_bounds = array<i64: 107, 128>}, {pipeline_mode = #tpu.pipeline_mode<synchronous>, transform_indices = @transform_2, window_bounds = array<i64: 1, 128>}, {pipeline_mode = #tpu.pipeline_mode<synchronous>, transform_indices = @transform_3, window_bounds = array<i64: 1, 128>}, {pipeline_mode = #tpu.pipeline_mode<synchronous>, transform_indices = @transform_4, window_bounds = array<i64: 1, 128>}, {pipeline_mode = #tpu.pipeline_mode<synchronous>, transform_indices = @transform_5, window_bounds = array<i64: 1, 128>}, {pipeline_mode = #tpu.pipeline_mode<synchronous>, transform_indices = @transform_6, window_bounds = array<i64: 1, 1>}, {transform_indices = @transform_7, window_bounds = array<i64: 2560, 1>}]} {
    %get3A = arith.constant 0 : index
    %get3A_0 = arith.constant 0 : index
    %get3A_1 = vector.load %arg1[%get3A, %get3A_0] : memref<2560x107xf32, #tpu.memory_space<vmem>>, vector<2560x107xf32>
    %get3A_2 = arith.constant 0 : index
    %get3A_3 = arith.constant 0 : index
    %get3A_4 = vector.load %arg2[%get3A_2, %get3A_3] : memref<107x128xf32, #tpu.memory_space<vmem>>, vector<107x128xf32>
    %dot_general3A = arith.constant dense<0.000000e+00> : vector<2560x128xf32>
    %dot_general3A_5 = tpu.matmul %get3A_1, %get3A_4, %dot_general3A {dimension_numbers = #tpu.dot_dimension_numbers<[1], [0], [0], [1], [0, 0, 1, 1], [], []>, transpose_lhs_hint = false} : vector<2560x107xf32>, vector<107x128xf32>, vector<2560x128xf32> -> vector<2560x128xf32>
    %get3A_6 = arith.constant 0 : index
    %get3A_7 = arith.constant 0 : index
    %get3A_8 = vector.load %arg3[%get3A_6, %get3A_7] : memref<1x128xf32, #tpu.memory_space<vmem>>, vector<1x128xf32>
    %add3A = vector.broadcast %get3A_8 : vector<1x128xf32> to vector<2560x128xf32>
    %add3A_9 = arith.addf %dot_general3A_5, %add3A : vector<2560x128xf32>
    %get3A_10 = arith.constant 0 : index
    %get3A_11 = arith.constant 0 : index
    %get3A_12 = vector.load %arg4[%get3A_10, %get3A_11] : memref<1x128xf32, #tpu.memory_space<vmem>>, vector<1x128xf32>
    %get3A_13 = arith.constant 0 : index
    %get3A_14 = arith.constant 0 : index
    %get3A_15 = vector.load %arg5[%get3A_13, %get3A_14] : memref<1x128xf32, #tpu.memory_space<vmem>>, vector<1x128xf32>
    %reduce_sum3A = arith.constant dense<0.000000e+00> : vector<2560xf32>
    %reduce_sum3A_16 = vector.multi_reduction <add>, %add3A_9, %reduce_sum3A [1] : vector<2560x128xf32> to vector<2560xf32>
    %broadcast_in_dim3A = vector.shape_cast %reduce_sum3A_16 : vector<2560xf32> to vector<2560x1xf32>
    %div3A = arith.constant 1.280000e+02 : f32
    %div3A_17 = vector.broadcast %div3A : f32 to vector<2560x1xf32>
    %div3A_18 = arith.divf %broadcast_in_dim3A, %div3A_17 : vector<2560x1xf32>
    %sub3A = vector.broadcast %div3A_18 : vector<2560x1xf32> to vector<2560x128xf32>
    %sub3A_19 = arith.subf %add3A_9, %sub3A : vector<2560x128xf32>
    %sub3A_20 = vector.broadcast %div3A_18 : vector<2560x1xf32> to vector<2560x128xf32>
    %sub3A_21 = arith.subf %add3A_9, %sub3A_20 : vector<2560x128xf32>
    %mul3A = arith.mulf %sub3A_19, %sub3A_21 : vector<2560x128xf32>
    %reduce_sum3A_22 = arith.constant dense<0.000000e+00> : vector<2560xf32>
    %reduce_sum3A_23 = vector.multi_reduction <add>, %mul3A, %reduce_sum3A_22 [1] : vector<2560x128xf32> to vector<2560xf32>
    %broadcast_in_dim3A_24 = vector.shape_cast %reduce_sum3A_23 : vector<2560xf32> to vector<2560x1xf32>
    %div3A_25 = arith.constant 1.280000e+02 : f32
    %div3A_26 = vector.broadcast %div3A_25 : f32 to vector<2560x1xf32>
    %div3A_27 = arith.divf %broadcast_in_dim3A_24, %div3A_26 : vector<2560x1xf32>
    %sub3A_28 = vector.broadcast %div3A_18 : vector<2560x1xf32> to vector<2560x128xf32>
    %sub3A_29 = arith.subf %add3A_9, %sub3A_28 : vector<2560x128xf32>
    %add3A_30 = arith.constant 9.99999974E-6 : f32
    %add3A_31 = vector.broadcast %add3A_30 : f32 to vector<2560x1xf32>
    %add3A_32 = arith.addf %div3A_27, %add3A_31 : vector<2560x1xf32>
    %rsqrt3A = math.rsqrt %add3A_32 : vector<2560x1xf32>
    %mul3A_33 = vector.broadcast %rsqrt3A : vector<2560x1xf32> to vector<2560x128xf32>
    %mul3A_34 = arith.mulf %sub3A_29, %mul3A_33 : vector<2560x128xf32>
    %mul3A_35 = vector.broadcast %get3A_12 : vector<1x128xf32> to vector<2560x128xf32>
    %mul3A_36 = arith.mulf %mul3A_34, %mul3A_35 : vector<2560x128xf32>
    %add3A_37 = vector.broadcast %get3A_15 : vector<1x128xf32> to vector<2560x128xf32>
    %add3A_38 = arith.addf %mul3A_36, %add3A_37 : vector<2560x128xf32>
    %max3A = arith.constant 0.000000e+00 : f32
    %max3A_39 = vector.broadcast %max3A : f32 to vector<2560x128xf32>
    %max3A_40 = arith.maximumf %add3A_38, %max3A_39 : vector<2560x128xf32>
    %get3A_41 = arith.constant 0 : index
    %get3A_42 = arith.constant 0 : index
    %get3A_43 = vector.load %arg6[%get3A_41, %get3A_42] : memref<1x128xf32, #tpu.memory_space<vmem>>, vector<1x128xf32>
    %mul3A_44 = vector.broadcast %get3A_43 : vector<1x128xf32> to vector<2560x128xf32>
    %mul3A_45 = arith.mulf %max3A_40, %mul3A_44 : vector<2560x128xf32>
    %reduce_sum3A_46 = arith.constant dense<0.000000e+00> : vector<2560xf32>
    %reduce_sum3A_47 = vector.multi_reduction <add>, %mul3A_45, %reduce_sum3A_46 [1] : vector<2560x128xf32> to vector<2560xf32>
    %broadcast_in_dim3A_48 = vector.shape_cast %reduce_sum3A_47 : vector<2560xf32> to vector<2560x1xf32>
    %get3A_49 = arith.constant 0 : index
    %get3A_50 = arith.constant 0 : index
    %get3A_51 = vector.load %arg7[%get3A_49, %get3A_50] : memref<1x1xf32, #tpu.memory_space<vmem>>, vector<1x1xf32>
    %add3A_52 = vector.broadcast %get3A_51 : vector<1x1xf32> to vector<2560x1xf32>
    %add3A_53 = arith.addf %broadcast_in_dim3A_48, %add3A_52 : vector<2560x1xf32>
    %swap3A = arith.constant 0 : index
    %swap3A_54 = arith.constant 0 : index
    %swap3A_55 = vector.load %arg8[%swap3A, %swap3A_54] : memref<2560x1xf32, #tpu.memory_space<vmem>>, vector<2560x1xf32>
    tpu.vector_store %arg8[%swap3A, %swap3A_54], %add3A_53 {strides = array<i32>} : memref<2560x1xf32, #tpu.memory_space<vmem>>, vector<2560x1xf32>,
    return
  }
  func.func @transform_0(%arg0: i32) -> (i32, i32) {
    %c0_i32 = arith.constant 0 : i32
    %c0_i32_0 = arith.constant 0 : i32
    return %arg0, %c0_i32 : i32, i32
  }
  func.func @transform_1(%arg0: i32) -> (i32, i32) {
    %c0_i32 = arith.constant 0 : i32
    %c0_i32_0 = arith.constant 0 : i32
    %c0_i32_1 = arith.constant 0 : i32
    return %c0_i32, %c0_i32_0 : i32, i32
  }
  func.func @transform_2(%arg0: i32) -> (i32, i32) {
    %c0_i32 = arith.constant 0 : i32
    %c0_i32_0 = arith.constant 0 : i32
    %c0_i32_1 = arith.constant 0 : i32
    return %c0_i32, %c0_i32_0 : i32, i32
  }
  func.func @transform_3(%arg0: i32) -> (i32, i32) {
    %c0_i32 = arith.constant 0 : i32
    %c0_i32_0 = arith.constant 0 : i32
    %c0_i32_1 = arith.constant 0 : i32
    return %c0_i32, %c0_i32_0 : i32, i32
  }
  func.func @transform_4(%arg0: i32) -> (i32, i32) {
    %c0_i32 = arith.constant 0 : i32
    %c0_i32_0 = arith.constant 0 : i32
    %c0_i32_1 = arith.constant 0 : i32
    return %c0_i32, %c0_i32_0 : i32, i32
  }
  func.func @transform_5(%arg0: i32) -> (i32, i32) {
    %c0_i32 = arith.constant 0 : i32
    %c0_i32_0 = arith.constant 0 : i32
    %c0_i32_1 = arith.constant 0 : i32
    return %c0_i32, %c0_i32_0 : i32, i32
  }
  func.func @transform_6(%arg0: i32) -> (i32, i32) {
    %c0_i32 = arith.constant 0 : i32
    %c0_i32_0 = arith.constant 0 : i32
    %c0_i32_1 = arith.constant 0 : i32
    return %c0_i32, %c0_i32_0 : i32, i32
  }
  func.func @transform_7(%arg0: i32) -> (i32, i32) {
    %c0_i32 = arith.constant 0 : i32
    %c0_i32_0 = arith.constant 0 : i32
    return %arg0, %c0_i32 : i32, i32
  }
}

module attributes {stable_mosaic.version = 14 : i64} {
  func.func @_prep_body(%arg0: i32, %arg1: memref<1x32x2000xf32, #tpu.memory_space<vmem>>, %arg2: memref<2000x128xf32, #tpu.memory_space<vmem>>, %arg3: memref<128x128xf32, #tpu.memory_space<vmem>>, %arg4: memref<2000x128xf32, #tpu.memory_space<vmem>>, %arg5: memref<2000x1xf32, #tpu.memory_space<vmem>>) attributes {dimension_semantics = [#tpu.dimension_semantics<arbitrary>], iteration_bounds = array<i64: 5>, scalar_prefetch = 0 : i64, scratch_operands = 0 : i64, tpu.core_type = #tpu.core_type<tc>, window_params = [{transform_indices = @transform_0, window_bounds = array<i64: 1, 32, 2000>}, {transform_indices = @transform_1, window_bounds = array<i64: 2000, 128>}, {pipeline_mode = #tpu.pipeline_mode<synchronous>, transform_indices = @transform_2, window_bounds = array<i64: 128, 128>}, {transform_indices = @transform_3, window_bounds = array<i64: 2000, 128>}, {transform_indices = @transform_4, window_bounds = array<i64: 2000, 1>}]} {
    %get3A = arith.constant 0 : index
    %get3A_0 = arith.constant 0 : index
    %get3A_1 = arith.constant 0 : index
    %get3A_2 = vector.load %arg1[%get3A, %get3A_0, %get3A_1] : memref<1x32x2000xf32, #tpu.memory_space<vmem>>, vector<1x32x2000xf32>
    %get3A_3 = vector.shape_cast %get3A_2 : vector<1x32x2000xf32> to vector<32x2000xf32>
    %reduce_sum3A = arith.constant dense<0.000000e+00> : vector<2000xf32>
    %reduce_sum3A_4 = vector.multi_reduction <add>, %get3A_3, %reduce_sum3A [0] : vector<32x2000xf32> to vector<2000xf32>
    %add3A = arith.constant 1.000000e+00 : f32
    %add3A_5 = vector.broadcast %add3A : f32 to vector<2000xf32>
    %add3A_6 = arith.addf %reduce_sum3A_4, %add3A_5 : vector<2000xf32>
    %gt3A = arith.constant 9.99999996E-13 : f32
    %gt3A_7 = vector.broadcast %gt3A : f32 to vector<2000xf32>
    %gt3A_8 = arith.cmpf ogt, %add3A_6, %gt3A_7 : vector<2000xf32>
    %rsqrt3A = math.rsqrt %add3A_6 : vector<2000xf32>
    %jit3A = arith.constant 0.000000e+00 : f32
    %broadcast_in_dim3A = vector.broadcast %jit3A : f32 to vector<2000xf32>
    %select_n3A = arith.select %gt3A_8, %rsqrt3A, %broadcast_in_dim3A : vector<2000xi1>, vector<2000xf32>
    %get3A_9 = arith.constant 0 : index
    %get3A_10 = arith.constant 0 : index
    %get3A_11 = vector.load %arg2[%get3A_9, %get3A_10] : memref<2000x128xf32, #tpu.memory_space<vmem>>, vector<2000x128xf32>
    %get3A_12 = arith.constant 0 : index
    %get3A_13 = arith.constant 0 : index
    %get3A_14 = vector.load %arg3[%get3A_12, %get3A_13] : memref<128x128xf32, #tpu.memory_space<vmem>>, vector<128x128xf32>
    %dot_general3A = arith.constant dense<0.000000e+00> : vector<2000x128xf32>
    %dot_general3A_15 = tpu.matmul %get3A_11, %get3A_14, %dot_general3A {dimension_numbers = #tpu.dot_dimension_numbers<[1], [0], [0], [1], [0, 0, 1, 1], [], []>, transpose_lhs_hint = false} : vector<2000x128xf32>, vector<128x128xf32>, vector<2000x128xf32> -> vector<2000x128xf32>
    %broadcast_in_dim3A_16 = vector.shape_cast %select_n3A : vector<2000xf32> to vector<2000x1xf32>
    %mul3A = vector.broadcast %broadcast_in_dim3A_16 : vector<2000x1xf32> to vector<2000x128xf32>
    %mul3A_17 = arith.mulf %dot_general3A_15, %mul3A : vector<2000x128xf32>
    %swap3A = arith.constant 0 : index
    %swap3A_18 = arith.constant 0 : index
    %swap3A_19 = vector.load %arg4[%swap3A, %swap3A_18] : memref<2000x128xf32, #tpu.memory_space<vmem>>, vector<2000x128xf32>
    tpu.vector_store %arg4[%swap3A, %swap3A_18], %mul3A_17 {strides = array<i32>} : memref<2000x128xf32, #tpu.memory_space<vmem>>, vector<2000x128xf32>,
    %broadcast_in_dim3A_20 = vector.shape_cast %select_n3A : vector<2000xf32> to vector<2000x1xf32>
    %swap3A_21 = arith.constant 0 : index
    %swap3A_22 = arith.constant 0 : index
    %swap3A_23 = vector.load %arg5[%swap3A_21, %swap3A_22] : memref<2000x1xf32, #tpu.memory_space<vmem>>, vector<2000x1xf32>
    tpu.vector_store %arg5[%swap3A_21, %swap3A_22], %broadcast_in_dim3A_20 {strides = array<i32>} : memref<2000x1xf32, #tpu.memory_space<vmem>>, vector<2000x1xf32>,
    return
  }
  func.func @transform_0(%arg0: i32) -> (i32, i32, i32) {
    %c0_i32 = arith.constant 0 : i32
    %c0_i32_0 = arith.constant 0 : i32
    %c0_i32_1 = arith.constant 0 : i32
    return %arg0, %c0_i32, %c0_i32_0 : i32, i32, i32
  }
  func.func @transform_1(%arg0: i32) -> (i32, i32) {
    %c0_i32 = arith.constant 0 : i32
    %c0_i32_0 = arith.constant 0 : i32
    return %arg0, %c0_i32 : i32, i32
  }
  func.func @transform_2(%arg0: i32) -> (i32, i32) {
    %c0_i32 = arith.constant 0 : i32
    %c0_i32_0 = arith.constant 0 : i32
    %c0_i32_1 = arith.constant 0 : i32
    return %c0_i32, %c0_i32_0 : i32, i32
  }
  func.func @transform_3(%arg0: i32) -> (i32, i32) {
    %c0_i32 = arith.constant 0 : i32
    %c0_i32_0 = arith.constant 0 : i32
    return %arg0, %c0_i32 : i32, i32
  }
  func.func @transform_4(%arg0: i32) -> (i32, i32) {
    %c0_i32 = arith.constant 0 : i32
    %c0_i32_0 = arith.constant 0 : i32
    return %arg0, %c0_i32 : i32, i32
  }
}

module attributes {stable_mosaic.version = 14 : i64} {
  func.func @_mid_body(%arg0: i32, %arg1: memref<2x2000x128xf32, #tpu.memory_space<vmem>>, %arg2: memref<2000x128xf32, #tpu.memory_space<vmem>>, %arg3: memref<2000x1xf32, #tpu.memory_space<vmem>>, %arg4: memref<1x128xf32, #tpu.memory_space<vmem>>, %arg5: memref<2000x128xf32, #tpu.memory_space<vmem>>, %arg6: memref<1x128xf32, #tpu.memory_space<vmem>>, %arg7: memref<1x128xf32, #tpu.memory_space<vmem>>, %arg8: memref<1x32x2000xf32, #tpu.memory_space<vmem>>, %arg9: memref<128x128xf32, #tpu.memory_space<vmem>>, %arg10: memref<2000x128xf32, #tpu.memory_space<vmem>>, %arg11: memref<2000x128xf32, #tpu.memory_space<vmem>>, %arg12: memref<2000x1xf32, #tpu.memory_space<vmem>>) attributes {dimension_semantics = [#tpu.dimension_semantics<arbitrary>], iteration_bounds = array<i64: 5>, scalar_prefetch = 0 : i64, scratch_operands = 0 : i64, tpu.core_type = #tpu.core_type<tc>, window_params = [{transform_indices = @transform_0, window_bounds = array<i64: 2, 2000, 128>}, {transform_indices = @transform_1, window_bounds = array<i64: 2000, 128>}, {transform_indices = @transform_2, window_bounds = array<i64: 2000, 1>}, {pipeline_mode = #tpu.pipeline_mode<synchronous>, transform_indices = @transform_3, window_bounds = array<i64: 1, 128>}, {transform_indices = @transform_4, window_bounds = array<i64: 2000, 128>}, {pipeline_mode = #tpu.pipeline_mode<synchronous>, transform_indices = @transform_5, window_bounds = array<i64: 1, 128>}, {pipeline_mode = #tpu.pipeline_mode<synchronous>, transform_indices = @transform_6, window_bounds = array<i64: 1, 128>}, {transform_indices = @transform_7, window_bounds = array<i64: 1, 32, 2000>}, {pipeline_mode = #tpu.pipeline_mode<synchronous>, transform_indices = @transform_8, window_bounds = array<i64: 128, 128>}, {transform_indices = @transform_9, window_bounds = array<i64: 2000, 128>}, {transform_indices = @transform_10, window_bounds = array<i64: 2000, 128>}, {transform_indices = @transform_11, window_bounds = array<i64: 2000, 1>}]} {
    %get3A = arith.constant 0 : index
    %get3A_0 = arith.constant 0 : index
    %get3A_1 = arith.constant 0 : index
    %get3A_2 = vector.load %arg1[%get3A, %get3A_0, %get3A_1] : memref<2x2000x128xf32, #tpu.memory_space<vmem>>, vector<1x2000x128xf32>
    %get3A_3 = vector.shape_cast %get3A_2 : vector<1x2000x128xf32> to vector<2000x128xf32>
    %get3A_4 = arith.constant 1 : index
    %get3A_5 = arith.constant 0 : index
    %get3A_6 = arith.constant 0 : index
    %get3A_7 = vector.load %arg1[%get3A_4, %get3A_5, %get3A_6] : memref<2x2000x128xf32, #tpu.memory_space<vmem>>, vector<1x2000x128xf32>
    %get3A_8 = vector.shape_cast %get3A_7 : vector<1x2000x128xf32> to vector<2000x128xf32>
    %add3A = arith.addf %get3A_3, %get3A_8 : vector<2000x128xf32>
    %get3A_9 = arith.constant 0 : index
    %get3A_10 = arith.constant 0 : index
    %get3A_11 = vector.load %arg2[%get3A_9, %get3A_10] : memref<2000x128xf32, #tpu.memory_space<vmem>>, vector<2000x128xf32>
    %add3A_12 = arith.addf %add3A, %get3A_11 : vector<2000x128xf32>
    %get3A_13 = arith.constant 0 : index
    %get3A_14 = arith.constant 0 : index
    %get3A_15 = vector.load %arg3[%get3A_13, %get3A_14] : memref<2000x1xf32, #tpu.memory_space<vmem>>, vector<2000x1xf32>
    %mul3A = vector.broadcast %get3A_15 : vector<2000x1xf32> to vector<2000x128xf32>
    %mul3A_16 = arith.mulf %add3A_12, %mul3A : vector<2000x128xf32>
    %get3A_17 = arith.constant 0 : index
    %get3A_18 = arith.constant 0 : index
    %get3A_19 = vector.load %arg4[%get3A_17, %get3A_18] : memref<1x128xf32, #tpu.memory_space<vmem>>, vector<1x128xf32>
    %add3A_20 = vector.broadcast %get3A_19 : vector<1x128xf32> to vector<2000x128xf32>
    %add3A_21 = arith.addf %mul3A_16, %add3A_20 : vector<2000x128xf32>
    %get3A_22 = arith.constant 0 : index
    %get3A_23 = arith.constant 0 : index
    %get3A_24 = vector.load %arg5[%get3A_22, %get3A_23] : memref<2000x128xf32, #tpu.memory_space<vmem>>, vector<2000x128xf32>
    %add3A_25 = arith.addf %add3A_21, %get3A_24 : vector<2000x128xf32>
    %get3A_26 = arith.constant 0 : index
    %get3A_27 = arith.constant 0 : index
    %get3A_28 = vector.load %arg6[%get3A_26, %get3A_27] : memref<1x128xf32, #tpu.memory_space<vmem>>, vector<1x128xf32>
    %get3A_29 = arith.constant 0 : index
    %get3A_30 = arith.constant 0 : index
    %get3A_31 = vector.load %arg7[%get3A_29, %get3A_30] : memref<1x128xf32, #tpu.memory_space<vmem>>, vector<1x128xf32>
    %reduce_sum3A = arith.constant dense<0.000000e+00> : vector<2000xf32>
    %reduce_sum3A_32 = vector.multi_reduction <add>, %add3A_25, %reduce_sum3A [1] : vector<2000x128xf32> to vector<2000xf32>
    %broadcast_in_dim3A = vector.shape_cast %reduce_sum3A_32 : vector<2000xf32> to vector<2000x1xf32>
    %div3A = arith.constant 1.280000e+02 : f32
    %div3A_33 = vector.broadcast %div3A : f32 to vector<2000x1xf32>
    %div3A_34 = arith.divf %broadcast_in_dim3A, %div3A_33 : vector<2000x1xf32>
    %sub3A = vector.broadcast %div3A_34 : vector<2000x1xf32> to vector<2000x128xf32>
    %sub3A_35 = arith.subf %add3A_25, %sub3A : vector<2000x128xf32>
    %sub3A_36 = vector.broadcast %div3A_34 : vector<2000x1xf32> to vector<2000x128xf32>
    %sub3A_37 = arith.subf %add3A_25, %sub3A_36 : vector<2000x128xf32>
    %mul3A_38 = arith.mulf %sub3A_35, %sub3A_37 : vector<2000x128xf32>
    %reduce_sum3A_39 = arith.constant dense<0.000000e+00> : vector<2000xf32>
    %reduce_sum3A_40 = vector.multi_reduction <add>, %mul3A_38, %reduce_sum3A_39 [1] : vector<2000x128xf32> to vector<2000xf32>
    %broadcast_in_dim3A_41 = vector.shape_cast %reduce_sum3A_40 : vector<2000xf32> to vector<2000x1xf32>
    %div3A_42 = arith.constant 1.280000e+02 : f32
    %div3A_43 = vector.broadcast %div3A_42 : f32 to vector<2000x1xf32>
    %div3A_44 = arith.divf %broadcast_in_dim3A_41, %div3A_43 : vector<2000x1xf32>
    %sub3A_45 = vector.broadcast %div3A_34 : vector<2000x1xf32> to vector<2000x128xf32>
    %sub3A_46 = arith.subf %add3A_25, %sub3A_45 : vector<2000x128xf32>
    %add3A_47 = arith.constant 9.99999974E-6 : f32
    %add3A_48 = vector.broadcast %add3A_47 : f32 to vector<2000x1xf32>
    %add3A_49 = arith.addf %div3A_44, %add3A_48 : vector<2000x1xf32>
    %rsqrt3A = math.rsqrt %add3A_49 : vector<2000x1xf32>
    %mul3A_50 = vector.broadcast %rsqrt3A : vector<2000x1xf32> to vector<2000x128xf32>
    %mul3A_51 = arith.mulf %sub3A_46, %mul3A_50 : vector<2000x128xf32>
    %mul3A_52 = vector.broadcast %get3A_28 : vector<1x128xf32> to vector<2000x128xf32>
    %mul3A_53 = arith.mulf %mul3A_51, %mul3A_52 : vector<2000x128xf32>
    %add3A_54 = vector.broadcast %get3A_31 : vector<1x128xf32> to vector<2000x128xf32>
    %add3A_55 = arith.addf %mul3A_53, %add3A_54 : vector<2000x128xf32>
    %max3A = arith.constant 0.000000e+00 : f32
    %max3A_56 = vector.broadcast %max3A : f32 to vector<2000x128xf32>
    %max3A_57 = arith.maximumf %add3A_55, %max3A_56 : vector<2000x128xf32>
    %get3A_58 = arith.constant 0 : index
    %get3A_59 = arith.constant 0 : index
    %get3A_60 = arith.constant 0 : index
    %get3A_61 = vector.load %arg8[%get3A_58, %get3A_59, %get3A_60] : memref<1x32x2000xf32, #tpu.memory_space<vmem>>, vector<1x32x2000xf32>
    %get3A_62 = vector.shape_cast %get3A_61 : vector<1x32x2000xf32> to vector<32x2000xf32>
    %reduce_sum3A_63 = arith.constant dense<0.000000e+00> : vector<2000xf32>
    %reduce_sum3A_64 = vector.multi_reduction <add>, %get3A_62, %reduce_sum3A_63 [0] : vector<32x2000xf32> to vector<2000xf32>
    %add3A_65 = arith.constant 1.000000e+00 : f32
    %add3A_66 = vector.broadcast %add3A_65 : f32 to vector<2000xf32>
    %add3A_67 = arith.addf %reduce_sum3A_64, %add3A_66 : vector<2000xf32>
    %gt3A = arith.constant 9.99999996E-13 : f32
    %gt3A_68 = vector.broadcast %gt3A : f32 to vector<2000xf32>
    %gt3A_69 = arith.cmpf ogt, %add3A_67, %gt3A_68 : vector<2000xf32>
    %rsqrt3A_70 = math.rsqrt %add3A_67 : vector<2000xf32>
    %jit3A = arith.constant 0.000000e+00 : f32
    %broadcast_in_dim3A_71 = vector.broadcast %jit3A : f32 to vector<2000xf32>
    %select_n3A = arith.select %gt3A_69, %rsqrt3A_70, %broadcast_in_dim3A_71 : vector<2000xi1>, vector<2000xf32>
    %get3A_72 = arith.constant 0 : index
    %get3A_73 = arith.constant 0 : index
    %get3A_74 = vector.load %arg9[%get3A_72, %get3A_73] : memref<128x128xf32, #tpu.memory_space<vmem>>, vector<128x128xf32>
    %dot_general3A = arith.constant dense<0.000000e+00> : vector<2000x128xf32>
    %dot_general3A_75 = tpu.matmul %max3A_57, %get3A_74, %dot_general3A {dimension_numbers = #tpu.dot_dimension_numbers<[1], [0], [0], [1], [0, 0, 1, 1], [], []>, transpose_lhs_hint = false} : vector<2000x128xf32>, vector<128x128xf32>, vector<2000x128xf32> -> vector<2000x128xf32>
    %swap3A = arith.constant 0 : index
    %swap3A_76 = arith.constant 0 : index
    %swap3A_77 = vector.load %arg10[%swap3A, %swap3A_76] : memref<2000x128xf32, #tpu.memory_space<vmem>>, vector<2000x128xf32>
    tpu.vector_store %arg10[%swap3A, %swap3A_76], %max3A_57 {strides = array<i32>} : memref<2000x128xf32, #tpu.memory_space<vmem>>, vector<2000x128xf32>,
    %broadcast_in_dim3A_78 = vector.shape_cast %select_n3A : vector<2000xf32> to vector<2000x1xf32>
    %mul3A_79 = vector.broadcast %broadcast_in_dim3A_78 : vector<2000x1xf32> to vector<2000x128xf32>
    %mul3A_80 = arith.mulf %dot_general3A_75, %mul3A_79 : vector<2000x128xf32>
    %swap3A_81 = arith.constant 0 : index
    %swap3A_82 = arith.constant 0 : index
    %swap3A_83 = vector.load %arg11[%swap3A_81, %swap3A_82] : memref<2000x128xf32, #tpu.memory_space<vmem>>, vector<2000x128xf32>
    tpu.vector_store %arg11[%swap3A_81, %swap3A_82], %mul3A_80 {strides = array<i32>} : memref<2000x128xf32, #tpu.memory_space<vmem>>, vector<2000x128xf32>,
    %broadcast_in_dim3A_84 = vector.shape_cast %select_n3A : vector<2000xf32> to vector<2000x1xf32>
    %swap3A_85 = arith.constant 0 : index
    %swap3A_86 = arith.constant 0 : index
    %swap3A_87 = vector.load %arg12[%swap3A_85, %swap3A_86] : memref<2000x1xf32, #tpu.memory_space<vmem>>, vector<2000x1xf32>
    tpu.vector_store %arg12[%swap3A_85, %swap3A_86], %broadcast_in_dim3A_84 {strides = array<i32>} : memref<2000x1xf32, #tpu.memory_space<vmem>>, vector<2000x1xf32>,
    return
  }
  func.func @transform_0(%arg0: i32) -> (i32, i32, i32) {
    %c0_i32 = arith.constant 0 : i32
    %c0_i32_0 = arith.constant 0 : i32
    %c0_i32_1 = arith.constant 0 : i32
    return %c0_i32, %arg0, %c0_i32_0 : i32, i32, i32
  }
  func.func @transform_1(%arg0: i32) -> (i32, i32) {
    %c0_i32 = arith.constant 0 : i32
    %c0_i32_0 = arith.constant 0 : i32
    return %arg0, %c0_i32 : i32, i32
  }
  func.func @transform_2(%arg0: i32) -> (i32, i32) {
    %c0_i32 = arith.constant 0 : i32
    %c0_i32_0 = arith.constant 0 : i32
    return %arg0, %c0_i32 : i32, i32
  }
  func.func @transform_3(%arg0: i32) -> (i32, i32) {
    %c0_i32 = arith.constant 0 : i32
    %c0_i32_0 = arith.constant 0 : i32
    %c0_i32_1 = arith.constant 0 : i32
    return %c0_i32, %c0_i32_0 : i32, i32
  }
  func.func @transform_4(%arg0: i32) -> (i32, i32) {
    %c0_i32 = arith.constant 0 : i32
    %c0_i32_0 = arith.constant 0 : i32
    return %arg0, %c0_i32 : i32, i32
  }
  func.func @transform_5(%arg0: i32) -> (i32, i32) {
    %c0_i32 = arith.constant 0 : i32
    %c0_i32_0 = arith.constant 0 : i32
    %c0_i32_1 = arith.constant 0 : i32
    return %c0_i32, %c0_i32_0 : i32, i32
  }
  func.func @transform_6(%arg0: i32) -> (i32, i32) {
    %c0_i32 = arith.constant 0 : i32
    %c0_i32_0 = arith.constant 0 : i32
    %c0_i32_1 = arith.constant 0 : i32
    return %c0_i32, %c0_i32_0 : i32, i32
  }
  func.func @transform_7(%arg0: i32) -> (i32, i32, i32) {
    %c0_i32 = arith.constant 0 : i32
    %c0_i32_0 = arith.constant 0 : i32
    %c0_i32_1 = arith.constant 0 : i32
    return %arg0, %c0_i32, %c0_i32_0 : i32, i32, i32
  }
  func.func @transform_8(%arg0: i32) -> (i32, i32) {
    %c0_i32 = arith.constant 0 : i32
    %c0_i32_0 = arith.constant 0 : i32
    %c0_i32_1 = arith.constant 0 : i32
    return %c0_i32, %c0_i32_0 : i32, i32
  }
  func.func @transform_9(%arg0: i32) -> (i32, i32) {
    %c0_i32 = arith.constant 0 : i32
    %c0_i32_0 = arith.constant 0 : i32
    return %arg0, %c0_i32 : i32, i32
  }
  func.func @transform_10(%arg0: i32) -> (i32, i32) {
    %c0_i32 = arith.constant 0 : i32
    %c0_i32_0 = arith.constant 0 : i32
    return %arg0, %c0_i32 : i32, i32
  }
  func.func @transform_11(%arg0: i32) -> (i32, i32) {
    %c0_i32 = arith.constant 0 : i32
    %c0_i32_0 = arith.constant 0 : i32
    return %arg0, %c0_i32 : i32, i32
  }
}

module attributes {stable_mosaic.version = 14 : i64} {
  func.func @_final_body(%arg0: i32, %arg1: memref<2x2000x128xf32, #tpu.memory_space<vmem>>, %arg2: memref<2000x128xf32, #tpu.memory_space<vmem>>, %arg3: memref<2000x1xf32, #tpu.memory_space<vmem>>, %arg4: memref<1x128xf32, #tpu.memory_space<vmem>>, %arg5: memref<2000x128xf32, #tpu.memory_space<vmem>>, %arg6: memref<1x128xf32, #tpu.memory_space<vmem>>, %arg7: memref<1x128xf32, #tpu.memory_space<vmem>>, %arg8: memref<2000x128xf32, #tpu.memory_space<vmem>>, %arg9: memref<1x128xf32, #tpu.memory_space<vmem>>, %arg10: memref<1x128xf32, #tpu.memory_space<vmem>>, %arg11: memref<2000x128xf32, #tpu.memory_space<vmem>>) attributes {dimension_semantics = [#tpu.dimension_semantics<arbitrary>], iteration_bounds = array<i64: 5>, scalar_prefetch = 0 : i64, scratch_operands = 0 : i64, tpu.core_type = #tpu.core_type<tc>, window_params = [{transform_indices = @transform_0, window_bounds = array<i64: 2, 2000, 128>}, {transform_indices = @transform_1, window_bounds = array<i64: 2000, 128>}, {transform_indices = @transform_2, window_bounds = array<i64: 2000, 1>}, {pipeline_mode = #tpu.pipeline_mode<synchronous>, transform_indices = @transform_3, window_bounds = array<i64: 1, 128>}, {transform_indices = @transform_4, window_bounds = array<i64: 2000, 128>}, {pipeline_mode = #tpu.pipeline_mode<synchronous>, transform_indices = @transform_5, window_bounds = array<i64: 1, 128>}, {pipeline_mode = #tpu.pipeline_mode<synchronous>, transform_indices = @transform_6, window_bounds = array<i64: 1, 128>}, {transform_indices = @transform_7, window_bounds = array<i64: 2000, 128>}, {pipeline_mode = #tpu.pipeline_mode<synchronous>, transform_indices = @transform_8, window_bounds = array<i64: 1, 128>}, {pipeline_mode = #tpu.pipeline_mode<synchronous>, transform_indices = @transform_9, window_bounds = array<i64: 1, 128>}, {transform_indices = @transform_10, window_bounds = array<i64: 2000, 128>}]} {
    %get3A = arith.constant 0 : index
    %get3A_0 = arith.constant 0 : index
    %get3A_1 = arith.constant 0 : index
    %get3A_2 = vector.load %arg1[%get3A, %get3A_0, %get3A_1] : memref<2x2000x128xf32, #tpu.memory_space<vmem>>, vector<1x2000x128xf32>
    %get3A_3 = vector.shape_cast %get3A_2 : vector<1x2000x128xf32> to vector<2000x128xf32>
    %get3A_4 = arith.constant 1 : index
    %get3A_5 = arith.constant 0 : index
    %get3A_6 = arith.constant 0 : index
    %get3A_7 = vector.load %arg1[%get3A_4, %get3A_5, %get3A_6] : memref<2x2000x128xf32, #tpu.memory_space<vmem>>, vector<1x2000x128xf32>
    %get3A_8 = vector.shape_cast %get3A_7 : vector<1x2000x128xf32> to vector<2000x128xf32>
    %add3A = arith.addf %get3A_3, %get3A_8 : vector<2000x128xf32>
    %get3A_9 = arith.constant 0 : index
    %get3A_10 = arith.constant 0 : index
    %get3A_11 = vector.load %arg2[%get3A_9, %get3A_10] : memref<2000x128xf32, #tpu.memory_space<vmem>>, vector<2000x128xf32>
    %add3A_12 = arith.addf %add3A, %get3A_11 : vector<2000x128xf32>
    %get3A_13 = arith.constant 0 : index
    %get3A_14 = arith.constant 0 : index
    %get3A_15 = vector.load %arg3[%get3A_13, %get3A_14] : memref<2000x1xf32, #tpu.memory_space<vmem>>, vector<2000x1xf32>
    %mul3A = vector.broadcast %get3A_15 : vector<2000x1xf32> to vector<2000x128xf32>
    %mul3A_16 = arith.mulf %add3A_12, %mul3A : vector<2000x128xf32>
    %get3A_17 = arith.constant 0 : index
    %get3A_18 = arith.constant 0 : index
    %get3A_19 = vector.load %arg4[%get3A_17, %get3A_18] : memref<1x128xf32, #tpu.memory_space<vmem>>, vector<1x128xf32>
    %add3A_20 = vector.broadcast %get3A_19 : vector<1x128xf32> to vector<2000x128xf32>
    %add3A_21 = arith.addf %mul3A_16, %add3A_20 : vector<2000x128xf32>
    %get3A_22 = arith.constant 0 : index
    %get3A_23 = arith.constant 0 : index
    %get3A_24 = vector.load %arg5[%get3A_22, %get3A_23] : memref<2000x128xf32, #tpu.memory_space<vmem>>, vector<2000x128xf32>
    %add3A_25 = arith.addf %add3A_21, %get3A_24 : vector<2000x128xf32>
    %get3A_26 = arith.constant 0 : index
    %get3A_27 = arith.constant 0 : index
    %get3A_28 = vector.load %arg6[%get3A_26, %get3A_27] : memref<1x128xf32, #tpu.memory_space<vmem>>, vector<1x128xf32>
    %get3A_29 = arith.constant 0 : index
    %get3A_30 = arith.constant 0 : index
    %get3A_31 = vector.load %arg7[%get3A_29, %get3A_30] : memref<1x128xf32, #tpu.memory_space<vmem>>, vector<1x128xf32>
    %reduce_sum3A = arith.constant dense<0.000000e+00> : vector<2000xf32>
    %reduce_sum3A_32 = vector.multi_reduction <add>, %add3A_25, %reduce_sum3A [1] : vector<2000x128xf32> to vector<2000xf32>
    %broadcast_in_dim3A = vector.shape_cast %reduce_sum3A_32 : vector<2000xf32> to vector<2000x1xf32>
    %div3A = arith.constant 1.280000e+02 : f32
    %div3A_33 = vector.broadcast %div3A : f32 to vector<2000x1xf32>
    %div3A_34 = arith.divf %broadcast_in_dim3A, %div3A_33 : vector<2000x1xf32>
    %sub3A = vector.broadcast %div3A_34 : vector<2000x1xf32> to vector<2000x128xf32>
    %sub3A_35 = arith.subf %add3A_25, %sub3A : vector<2000x128xf32>
    %sub3A_36 = vector.broadcast %div3A_34 : vector<2000x1xf32> to vector<2000x128xf32>
    %sub3A_37 = arith.subf %add3A_25, %sub3A_36 : vector<2000x128xf32>
    %mul3A_38 = arith.mulf %sub3A_35, %sub3A_37 : vector<2000x128xf32>
    %reduce_sum3A_39 = arith.constant dense<0.000000e+00> : vector<2000xf32>
    %reduce_sum3A_40 = vector.multi_reduction <add>, %mul3A_38, %reduce_sum3A_39 [1] : vector<2000x128xf32> to vector<2000xf32>
    %broadcast_in_dim3A_41 = vector.shape_cast %reduce_sum3A_40 : vector<2000xf32> to vector<2000x1xf32>
    %div3A_42 = arith.constant 1.280000e+02 : f32
    %div3A_43 = vector.broadcast %div3A_42 : f32 to vector<2000x1xf32>
    %div3A_44 = arith.divf %broadcast_in_dim3A_41, %div3A_43 : vector<2000x1xf32>
    %sub3A_45 = vector.broadcast %div3A_34 : vector<2000x1xf32> to vector<2000x128xf32>
    %sub3A_46 = arith.subf %add3A_25, %sub3A_45 : vector<2000x128xf32>
    %add3A_47 = arith.constant 9.99999974E-6 : f32
    %add3A_48 = vector.broadcast %add3A_47 : f32 to vector<2000x1xf32>
    %add3A_49 = arith.addf %div3A_44, %add3A_48 : vector<2000x1xf32>
    %rsqrt3A = math.rsqrt %add3A_49 : vector<2000x1xf32>
    %mul3A_50 = vector.broadcast %rsqrt3A : vector<2000x1xf32> to vector<2000x128xf32>
    %mul3A_51 = arith.mulf %sub3A_46, %mul3A_50 : vector<2000x128xf32>
    %mul3A_52 = vector.broadcast %get3A_28 : vector<1x128xf32> to vector<2000x128xf32>
    %mul3A_53 = arith.mulf %mul3A_51, %mul3A_52 : vector<2000x128xf32>
    %add3A_54 = vector.broadcast %get3A_31 : vector<1x128xf32> to vector<2000x128xf32>
    %add3A_55 = arith.addf %mul3A_53, %add3A_54 : vector<2000x128xf32>
    %max3A = arith.constant 0.000000e+00 : f32
    %max3A_56 = vector.broadcast %max3A : f32 to vector<2000x128xf32>
    %max3A_57 = arith.maximumf %add3A_55, %max3A_56 : vector<2000x128xf32>
    %get3A_58 = arith.constant 0 : index
    %get3A_59 = arith.constant 0 : index
    %get3A_60 = vector.load %arg8[%get3A_58, %get3A_59] : memref<2000x128xf32, #tpu.memory_space<vmem>>, vector<2000x128xf32>
    %add3A_61 = arith.addf %max3A_57, %get3A_60 : vector<2000x128xf32>
    %get3A_62 = arith.constant 0 : index
    %get3A_63 = arith.constant 0 : index
    %get3A_64 = vector.load %arg9[%get3A_62, %get3A_63] : memref<1x128xf32, #tpu.memory_space<vmem>>, vector<1x128xf32>
    %get3A_65 = arith.constant 0 : index
    %get3A_66 = arith.constant 0 : index
    %get3A_67 = vector.load %arg10[%get3A_65, %get3A_66] : memref<1x128xf32, #tpu.memory_space<vmem>>, vector<1x128xf32>
    %reduce_sum3A_68 = arith.constant dense<0.000000e+00> : vector<2000xf32>
    %reduce_sum3A_69 = vector.multi_reduction <add>, %add3A_61, %reduce_sum3A_68 [1] : vector<2000x128xf32> to vector<2000xf32>
    %broadcast_in_dim3A_70 = vector.shape_cast %reduce_sum3A_69 : vector<2000xf32> to vector<2000x1xf32>
    %div3A_71 = arith.constant 1.280000e+02 : f32
    %div3A_72 = vector.broadcast %div3A_71 : f32 to vector<2000x1xf32>
    %div3A_73 = arith.divf %broadcast_in_dim3A_70, %div3A_72 : vector<2000x1xf32>
    %sub3A_74 = vector.broadcast %div3A_73 : vector<2000x1xf32> to vector<2000x128xf32>
    %sub3A_75 = arith.subf %add3A_61, %sub3A_74 : vector<2000x128xf32>
    %sub3A_76 = vector.broadcast %div3A_73 : vector<2000x1xf32> to vector<2000x128xf32>
    %sub3A_77 = arith.subf %add3A_61, %sub3A_76 : vector<2000x128xf32>
    %mul3A_78 = arith.mulf %sub3A_75, %sub3A_77 : vector<2000x128xf32>
    %reduce_sum3A_79 = arith.constant dense<0.000000e+00> : vector<2000xf32>
    %reduce_sum3A_80 = vector.multi_reduction <add>, %mul3A_78, %reduce_sum3A_79 [1] : vector<2000x128xf32> to vector<2000xf32>
    %broadcast_in_dim3A_81 = vector.shape_cast %reduce_sum3A_80 : vector<2000xf32> to vector<2000x1xf32>
    %div3A_82 = arith.constant 1.280000e+02 : f32
    %div3A_83 = vector.broadcast %div3A_82 : f32 to vector<2000x1xf32>
    %div3A_84 = arith.divf %broadcast_in_dim3A_81, %div3A_83 : vector<2000x1xf32>
    %sub3A_85 = vector.broadcast %div3A_73 : vector<2000x1xf32> to vector<2000x128xf32>
    %sub3A_86 = arith.subf %add3A_61, %sub3A_85 : vector<2000x128xf32>
    %add3A_87 = arith.constant 9.99999974E-6 : f32
    %add3A_88 = vector.broadcast %add3A_87 : f32 to vector<2000x1xf32>
    %add3A_89 = arith.addf %div3A_84, %add3A_88 : vector<2000x1xf32>
    %rsqrt3A_90 = math.rsqrt %add3A_89 : vector<2000x1xf32>
    %mul3A_91 = vector.broadcast %rsqrt3A_90 : vector<2000x1xf32> to vector<2000x128xf32>
    %mul3A_92 = arith.mulf %sub3A_86, %mul3A_91 : vector<2000x128xf32>
    %mul3A_93 = vector.broadcast %get3A_64 : vector<1x128xf32> to vector<2000x128xf32>
    %mul3A_94 = arith.mulf %mul3A_92, %mul3A_93 : vector<2000x128xf32>
    %add3A_95 = vector.broadcast %get3A_67 : vector<1x128xf32> to vector<2000x128xf32>
    %add3A_96 = arith.addf %mul3A_94, %add3A_95 : vector<2000x128xf32>
    %swap3A = arith.constant 0 : index
    %swap3A_97 = arith.constant 0 : index
    %swap3A_98 = vector.load %arg11[%swap3A, %swap3A_97] : memref<2000x128xf32, #tpu.memory_space<vmem>>, vector<2000x128xf32>
    tpu.vector_store %arg11[%swap3A, %swap3A_97], %add3A_96 {strides = array<i32>} : memref<2000x128xf32, #tpu.memory_space<vmem>>, vector<2000x128xf32>,
    return
  }
  func.func @transform_0(%arg0: i32) -> (i32, i32, i32) {
    %c0_i32 = arith.constant 0 : i32
    %c0_i32_0 = arith.constant 0 : i32
    %c0_i32_1 = arith.constant 0 : i32
    return %c0_i32, %arg0, %c0_i32_0 : i32, i32, i32
  }
  func.func @transform_1(%arg0: i32) -> (i32, i32) {
    %c0_i32 = arith.constant 0 : i32
    %c0_i32_0 = arith.constant 0 : i32
    return %arg0, %c0_i32 : i32, i32
  }
  func.func @transform_2(%arg0: i32) -> (i32, i32) {
    %c0_i32 = arith.constant 0 : i32
    %c0_i32_0 = arith.constant 0 : i32
    return %arg0, %c0_i32 : i32, i32
  }
  func.func @transform_3(%arg0: i32) -> (i32, i32) {
    %c0_i32 = arith.constant 0 : i32
    %c0_i32_0 = arith.constant 0 : i32
    %c0_i32_1 = arith.constant 0 : i32
    return %c0_i32, %c0_i32_0 : i32, i32
  }
  func.func @transform_4(%arg0: i32) -> (i32, i32) {
    %c0_i32 = arith.constant 0 : i32
    %c0_i32_0 = arith.constant 0 : i32
    return %arg0, %c0_i32 : i32, i32
  }
  func.func @transform_5(%arg0: i32) -> (i32, i32) {
    %c0_i32 = arith.constant 0 : i32
    %c0_i32_0 = arith.constant 0 : i32
    %c0_i32_1 = arith.constant 0 : i32
    return %c0_i32, %c0_i32_0 : i32, i32
  }
  func.func @transform_6(%arg0: i32) -> (i32, i32) {
    %c0_i32 = arith.constant 0 : i32
    %c0_i32_0 = arith.constant 0 : i32
    %c0_i32_1 = arith.constant 0 : i32
    return %c0_i32, %c0_i32_0 : i32, i32
  }
  func.func @transform_7(%arg0: i32) -> (i32, i32) {
    %c0_i32 = arith.constant 0 : i32
    %c0_i32_0 = arith.constant 0 : i32
    return %arg0, %c0_i32 : i32, i32
  }
  func.func @transform_8(%arg0: i32) -> (i32, i32) {
    %c0_i32 = arith.constant 0 : i32
    %c0_i32_0 = arith.constant 0 : i32
    %c0_i32_1 = arith.constant 0 : i32
    return %c0_i32, %c0_i32_0 : i32, i32
  }
  func.func @transform_9(%arg0: i32) -> (i32, i32) {
    %c0_i32 = arith.constant 0 : i32
    %c0_i32_0 = arith.constant 0 : i32
    %c0_i32_1 = arith.constant 0 : i32
    return %c0_i32, %c0_i32_0 : i32, i32
  }
  func.func @transform_10(%arg0: i32) -> (i32, i32) {
    %c0_i32 = arith.constant 0 : i32
    %c0_i32_0 = arith.constant 0 : i32
    return %arg0, %c0_i32 : i32, i32
  }
}

</mosaic_0001>

<sc_bundles>
// kernel: kernel.10.cloned.1.call-start
scs
__scs_entry_jumppad:
0x0: {  	(pc) =	sbr.rel $0x88, $3  }
0x1: {  	(tag) =	ssettag $0x0;
	lr =	simm.s32 $0x1  }
0x2: {  	[smem:$0x3F8E] =	sst lr;
	_ =	strace $0xD0000000  }
0x3: {  	_ = 	snop  }
0x4: {  	_ = 	snop  }
0x5: {  	_ = 	snop  }
0x6: {  	_ = 	snop  }
0x7: {  	_ = 	snop  }
__scs_overlays_trampoline_lowered:
0x8: {  	[smem:$0x3F9D] =	sst s0  }
0x9: {  	[smem:$0x3F9E] =	sst s1  }
0xa: {  	[smem:$0x3F9F] =	sst s2  }
0xb: {  	[smem:$0x3FA0] =	sst s3  }
0xc: {  	[smem:$0x3FA1] =	sst s4  }
0xd: {  	[smem:$0x3FA2] =	sst s5  }
0xe: {  	[smem:$0x3FA3] =	sst s6  }
0xf: {  	[smem:$0x3FA4] =	sst s7  }
0x10: {  	[smem:$0x3FA5] =	sst s8  }
0x11: {  	[smem:$0x3FA6] =	sst s9;
	s0 =	simm.s32 @!p0 $0x0  }
0x12: {  	s1 =	sld [smem:$0x3F8C];
	s0 =	simm.s32 @p0 $0x1  }
0x13: {  	[smem:$0x3FA7] =	sst s0;
	s0 =	simm.s32 @!p1 $0x0  }
0x14: {  	s2 =	sld [smem:$0x3F8B];
	s0 =	simm.s32 @p1 $0x1  }
0x15: {  	[smem:$0x3FA8] =	sst s0;
	s0 =	simm.s32 @!p2 $0x0  }
0x16: {  	s3 =	sld [smem:$0x3FDB];
	s0 =	simm.s32 @p2 $0x1  }
0x17: {  	s4 =	simm.s32 $0x1BF5;
	[smem:$0x3FAA] =	sst s0  }
0x18: {  	s0 =	sld [smem:$0x3F8D];
	_ =	swait.ge [sflag:s4], $0x0  }
0x19: {  	s7 =	sld [smem:$0x3F8E]  }
0x1a: {  	s8 =	sadd.s32 $0xFFFFE003, lr  }
0x1b: {  	s9 =	sadd.s32 $0xFFFFFEF7, lr;
	s5 =	simm.s32 $0xFFFFFFFF;
	p2 =	slt.u32 s8, $0xFFFFF086  }
0x1c: {  	p1 =	slt.u32 s9, $0xF7A;
	s5 =	simm.s32 @!p2 $0x0  }
0x1d: {  	s5 =	simm.s32 @p1 $0x1;
	p0 =	seq.s32 s7, s2  }
0x1e: {  	s7 =	smul.u32 @!p0 $0xF7A, s2;
	p2 =	seq.s32 @!p0 s5, $0x0  }
0x1f: {  	s9 =	smul.u32 $0xF7A, s1;
	s8 =	simm.s32 @!p0 $0x1BF5;
	p2 =	por !p2, p0  }
0x20: {  	[sflag:s8] =	ssyncset.s32 @!p0 $0xFFFFF086;
	s6 =	sadd.s32 @!p0 s3, s7;
	s7 =	simm.s32 @!p0 $0x108  }
0x21: {  	s3 =	sadd.s32 s3, s9;
	s6 =	sadd.s32 @!p0 $0x88, s6;
	s7 =	simm.s32 @p2 $0x1082  }
0x22: {  	[simem:s7], [sflag:s8] =	dma.local @!p0 [hbm:s6], $0xF7A  }
0x23: {  	s9 =	sor.u32 $0xD0000000, s2;
	s6 =	simm.s32 $0x108;
	_ =	swait.ge @!p0 [sflag:s8], $0x0  }
0x24: {  	s3 =	sadd.s32 $0x88, s3;
	s6 =	simm.s32 @!p1 $0x1082;
	[sflag:s4] =	ssyncset.s32 $0xFFFFF086  }
0x25: {  	[simem:s6], [sflag:s4] =	dma.local [hbm:s3], $0xF7A  }
0x26: {  	[smem:$0x3F8E] =	sst s1;
	(tag) =	ssettag s2;
	_ =	strace s9  }
0x27: {  	s1 =	sld [smem:$0x3F9E]  }
0x28: {  	s2 =	sld [smem:$0x3F9F]  }
0x29: {  	s4 =	sld [smem:$0x3FA1]  }
0x2a: {  	p0 =	seq.s32 s5, $0x0;
	s5 =	sld [smem:$0x3FA2]  }
0x2b: {  	s6 =	sld [smem:$0x3FA3]  }
0x2c: {  	s7 =	sld [smem:$0x3FA4]  }
0x2d: {  	s3 =	simm.s32 $0x108;
	s8 =	sld [smem:$0x3FA5]  }
0x2e: {  	s3 =	simm.s32 @!p0 $0x1082;
	s9 =	sld [smem:$0x3FA6]  }
0x2f: {  	lr =	sadd.s32 s0, s3;
	s0 =	sld [smem:$0x3F9D]  }
0x30: {  	s3 =	sld [smem:$0x3FA0]  }
0x31: {  	[smem:$0x3FA9] =	sst s10  }
0x32: {  	s10 =	sld [smem:$0x3FA7];
	_ =	sdelay $0x3  }
0x33: {  	p0 =	seq.s32 s10, $0x1;
	s10 =	sld [smem:$0x3FA9];
	_ =	sdelay $0x3  }
0x34: {  	[smem:$0x3FA9] =	sst s10  }
0x35: {  	s10 =	sld [smem:$0x3FA8];
	_ =	sdelay $0x3  }
0x36: {  	p1 =	seq.s32 s10, $0x1;
	s10 =	sld [smem:$0x3FA9];
	_ =	sdelay $0x3  }
0x37: {  	[smem:$0x3FA9] =	sst s10  }
0x38: {  	s10 =	sld [smem:$0x3FAA]  }
0x39: {  	_ = 	snop;
	(pc) =	sbr.ind lr, $3  }
0x3a: {  	_ = 	snop  }
0x3b: {  	_ = 	snop  }
0x3c: {  	p2 =	seq.s32 s10, $0x1;
	s10 =	sld [smem:$0x3FA9]  }
0x3d: {  	_ =	shalt  }
0x3e: {  	_ =	shalt  }
0x3f: {  	_ =	shalt  }
0x40: {  	_ =	shalt  }
0x41: {  	_ =	shalt  }
0x42: {  	_ =	shalt  }
0x43: {  	_ =	shalt  }
0x44: {  	_ =	shalt  }
0x45: {  	_ =	shalt  }
0x46: {  	_ =	shalt  }
0x47: {  	_ =	shalt  }
0x48: {  	_ =	shalt  }
0x49: {  	_ =	shalt  }
0x4a: {  	_ =	shalt  }
0x4b: {  	_ =	shalt  }
0x4c: {  	_ =	shalt  }
0x4d: {  	_ =	shalt  }
0x4e: {  	_ =	shalt  }
0x4f: {  	_ =	shalt  }
0x50: {  	_ =	shalt  }
0x51: {  	_ =	shalt  }
0x52: {  	_ =	shalt  }
0x53: {  	_ =	shalt  }
0x54: {  	_ =	shalt  }
0x55: {  	_ =	shalt  }
0x56: {  	_ =	shalt  }
0x57: {  	_ =	shalt  }
0x58: {  	_ =	shalt  }
0x59: {  	_ =	shalt  }
0x5a: {  	_ =	shalt  }
0x5b: {  	_ =	shalt  }
0x5c: {  	_ =	shalt  }
0x5d: {  	_ =	shalt  }
0x5e: {  	_ =	shalt  }
0x5f: {  	_ =	shalt  }
0x60: {  	_ =	shalt  }
0x61: {  	_ =	shalt  }
0x62: {  	_ =	shalt  }
0x63: {  	_ =	shalt  }
0x64: {  	_ =	shalt  }
0x65: {  	_ =	shalt  }
0x66: {  	_ =	shalt  }
0x67: {  	_ =	shalt  }
0x68: {  	_ =	shalt  }
0x69: {  	_ =	shalt  }
0x6a: {  	_ =	shalt  }
0x6b: {  	_ =	shalt  }
0x6c: {  	_ =	shalt  }
0x6d: {  	_ =	shalt  }
0x6e: {  	_ =	shalt  }
0x6f: {  	_ =	shalt  }
0x70: {  	_ =	shalt  }
0x71: {  	_ =	shalt  }
0x72: {  	_ =	shalt  }
0x73: {  	_ =	shalt  }
0x74: {  	_ =	shalt  }
0x75: {  	_ =	shalt  }
0x76: {  	_ =	shalt  }
0x77: {  	_ =	shalt  }
0x78: {  	_ =	shalt  }
0x79: {  	_ =	shalt  }
0x7a: {  	_ =	shalt  }
0x7b: {  	_ =	shalt  }
0x7c: {  	_ =	shalt  }
0x7d: {  	_ =	shalt  }
0x7e: {  	_ =	shalt  }
0x7f: {  	_ =	shalt  }
0x80: {  	_ =	shalt  }
0x81: {  	_ =	shalt  }
0x82: {  	_ =	shalt  }
0x83: {  	_ =	shalt  }
0x84: {  	_ =	shalt  }
0x85: {  	_ =	shalt  }
0x86: {  	_ =	shalt  }
0x87: {  	_ =	shalt  }
.Lfunc_end0:
.L_simem_size_0:
called_computation_lowered:
.L_overlay_start_0:
0x88: {  	s2 =	sld [smem:$0x3FD9]  }
0x89: {  	s3 =	sld [smem:$0x3FFE];
	_ =	sdelay $0x1  }
0x8a: {  	s1 =	srdreg.scid  }
0x8b: {  	s0 =	sand.u32 $0x1, s1  }
0x8c: {  	s17 =	sshll.u32 s0, $0xA;
	s2 =	sadd.s32 s3, s2  }
0x8d: {  	s2 =	sadd.s32 s2, s17  }
0x8e: {  	[smem:$0x3FB5] =	sst s2  }
0x8f: {  	_ = 	snop  }
0x90: {  	s2 =	sld [smem:$0x3FD0];
	(tm) =	ssettm $0x1  }
0x91: {  	s18 =	sld [smem:$0x3FFB];
	_ =	sdelay $0x3  }
0x92: {  	_ =	strace s18  }
0x93: {  	s3 =	sld [smem:$0x3FFC];
	_ =	sdelay $0x3  }
0x94: {  	_ =	strace s3  }
0x95: {  	s3 =	sld [smem:$0x3FFD];
	_ =	sdelay $0x3  }
0x96: {  	_ =	strace s3  }
0x97: {  	_ =	strace $0x8FFFFFFF  }
0x98: {  	s19 =	sld [smem:$0x3FDB];
	_ =	sdelay $0x1  }
0x99: {  	s4 =	simm.s32 $_scs_section_size  }
0x9a: {  	s5 =	simm.s32 $_size__tile_overlayer_lowered;
	s6 =	simm.s32 $_tile_overlayer_lowered  }
0x9b: {  	s22 =	simm.s32 $0x1BFF;
	s21 =	sshll.u32 s6, $0x1;
	s3 =	sadd.s32 s4, s19  }
0x9c: {  	s7 =	simm.s32 $0x0;
	s20 =	sshll.u32 s5, $0x1;
	s5 =	sadd.s32 s21, s3  }
0x9d: {  	[timem:s7], [sflag:s22] =	dma.local [hbm:s5], s20  }
0x9e: {  	_ =	swait.ge [sflag:s22], s20  }
0x9f: {  	s4 =	ssub.s32 $0x0, s20;
	[sflag:s22] =	ssyncset.done $0x0  }
0xa0: {  	[sflag:s22] =	ssyncadd.s32 s4;
	_ =	sdelay $0x1  }
0xa1: {  	s23 =	simm.s32 $0x1B8B  }
0xa2: {  	_ =	swait.ge [sflag:s23], $0x1  }
0xa3: {  	[sflag:s23] =	ssyncset.done $0x0  }
0xa4: {  	s25 =	simm.s32 $0x1B8E;
	s24 =	sld [smem:$0x3FFE];
	[sflag:s23] =	ssyncadd.s32 $0xFFFFFFFF  }
0xa5: {  	s26 =	simm.s32 $execute0_lowered;
	[smem:$0x3FD2] =	sst s25  }
0xa6: {  	s5 =	sshll.u32 s26, $0x1;
	_ =	strace $0x80000046;
	[dreg:$0x1] =	wrdreg $0xFFFFFFFF  }
0xa7: {  	s28 =	simm.s32 $_size_execute0_lowered;
	s3 =	sadd.s32 s3, s5;
	[dreg:$0x0] =	wrdreg $0x0  }
0xa8: {  	s5 =	sshll.u32 s28, $0x1;
	[dreg:$0x2] =	wrdreg s3  }
0xa9: {  	[dreg:$0x3] =	wrdreg s5  }
0xaa: {  	[dreg:$0x4] =	wrdreg $0xC0  }
0xab: {  	_ =	task [dreg:s7], $0x5FFFF  }
0xac: {  	[dreg:$0x1] =	wrdreg $0xFFFFFFFF  }
0xad: {  	[dreg:$0x0] =	wrdreg $0x60  }
0xae: {  	[dreg:$0x2] =	wrdreg s2  }
0xaf: {  	[dreg:$0x3] =	wrdreg s24  }
0xb0: {  	[dreg:$0x4] =	wrdreg $0xA  }
0xb1: {  	_ =	task.clear_ibuf [dreg:s7], $0x5FFFF;
	_ =	strace $0x90000046  }
0xb2: {  	s29 =	simm.s32 $0xA;
	_ =	strace $0x80000048  }
0xb3: {  	_ =	swait.ge [sflag:s29], $0x1  }
0xb4: {  	[sflag:s29] =	ssyncadd.s32 $0xFFFFFFFF  }
0xb5: {  	_ =	strace $0x90000048  }
0xb6: {  	_ =	sfence  }
0xb7: {  	s30 =	sld [smem:$0x0];
	_ =	sdelay $0x2  }
0xb8: {  	s31 =	sshll.u32 s1, $0xD;
	s1 =	sshrl.u32 s1, $0x2  }
0xb9: {  	s3 =	sand.u32 $0x4000, s31;
	s1 =	sadd.s32 s1, s30  }
0xba: {  	s0 =	sor.u32 s3, s0;
	s1 =	sshll.u32 s1, $0x11  }
0xbb: {  	s0 =	sor.u32 s1, s0  }
0xbc: {  	s0 =	sadd.s32 $0x8F2B, s0  }
0xbd: {  	[sflag:s0] =	ssyncadd.remote.s32 $0x1  }
0xbe: {  	_ =	sfence.sel $0xFFFF  }
0xbf: {  	[dreg:$0x0] =	wrdreg $0xFFFFFFFF;
	(pc) =	sbr.abs _section_cstart, $3  }
0xc0: {  	[dreg:$0x1] =	wrdreg $0xFFFFFFFF  }
0xc1: {  	_ =	task.clear_ibuf [dreg:s7], $0x2FFFF;
	_ =	strace $0x9FFFFFFF  }
0xc2: {  	(tm) =	ssettm $0x7FFFFFFF  }
0xc3: {  	_ =	shalt  }
tec
execute0_lowered:
.L_overlay_start_1:
0x0: {  	(tag) =	ssettag $0x1  }
0x1: {  	s0 =	srdreg.scid;
	s3 =	rddreg [dreg:$0x0]  }
0x2: {  	s5 =	rddreg [dreg:$0x1];
	s1 =	stileid.u32  }
0x3: {  	s2 =	simm.s32 $0x0;
	s12 =	simm.s32 $0x1;
	s13 =	simm.s32 $0x4F00  }
0x4: {  	s14 =	simm.s32 $0x7D0;
	s15 =	simm.s32 $0xFA0;
	s4 =	sand.u32 $0x1, s0  }
0x5: {  	s16 =	simm.s32 $0x1770;
	s17 =	simm.s32 $0x1F40;
	s6 =	sshll.u32 s4, $0x4  }
0x6: {  	s18 =	simm.s32 $0x0;
	s4 =	ssub.s32 $0x2, s4;
	s6 =	sor.u32 s1, s6  }
0x7: {  	s0 =	rddreg [dreg:$0x2];
	s10 =	sshrl.u32 s4, $0x1;
	s7 =	smul.u32 $0x4F0, s6  }
0x8: {  	[smem:$0x7FF] =	sst s2;
	s8 =	smul.u32 $0x7D0, s6;
	s10 =	ssub.s32 s4, s10  }
0x9: {  	_ =	strace $0x80000047;
	s6 =	smul.u32 $0xFA, s6;
	s10 =	smax.u32 s10, $0x1  }
0xa: {  	s9 =	sadd.s32 s7, s5;
	s5 =	sadd.s32 $0x2B200, s5;
	s8 =	sshrl.u32 s8, $0x3  }
0xb: {  	s3 =	sadd.s32 s3, s7;
	s11 =	sadd.s32 s5, s8;
	s4 =	sadd.s32 $0x17600, s9  }
0xc: {  	s5 =	sadd.s32 s5, s6;
	s6 =	sadd.s32 $0x1F40, s11;
	s7 =	sadd.s32 $0x3E80, s11  }
0xd: {  	v0 =	vimm.f32 $0.0e+00;
	s8 =	sadd.s32 $0x5DC0, s11;
	s9 =	sadd.s32 $0x7D00, s11;
	s11 =	simm.s32 $0x2780  }
.LBB2_1:
0xe: {  	s19 =	simm.s32 $0x40;
	s20 =	simm.s32 $0x0  }
.LBB2_2:
0xf: {  	p0 =	sne.s32 s19, $0x9DC0;
	[tilespmem:s20+$0x0] =	vst v0;
	s20 =	smov.u32 s19;
	s19 =	sadd.s32 $0x40, s19  }
.Ltmp0:
0x10: {  	(pc) =	sbr.rel @p0 .LBB2_2-.Ltmp0, $2  }
0x11: {  	_ =	sdelay $0x2  }
0x12: {  	s20 =	sshra.s32 s20, $0x2  }
0x13: {  	[tilespmem:s20+$0x0] =	vst v0;
	s19 =	simm.s32 $0x0  }
0x14: {  	[tilespmem:s11], [sflag:$0x1] =	stream.linear.gather [hbm4b:s3+s19], $0x2780, $0x38;
	[tilespmem:$0x7680] =	vst v63  }
0x15: {  	_ =	swait.ge [sflag:s12], $0x2780  }
0x16: {  	[sflag:s12] =	ssyncset.done $0x0  }
0x17: {  	[sflag:s12] =	ssyncadd.s32 $0xFFFFD880  }
0x18: {  	[tilespmem:s13], [sflag:$0x1] =	stream.linear.gather [hbm4b:s4+s19], $0x2780, $0x38;
	[tilespmem:$0x7680] =	vst v63  }
0x19: {  	_ =	swait.ge [sflag:s12], $0x2780  }
0x1a: {  	[sflag:s12] =	ssyncset.done $0x0  }
0x1b: {  	s20 =	simm.s32 $0x0;
	s19 =	simm.s32 $0x40;
	[sflag:s12] =	ssyncadd.s32 $0xFFFFD880  }
.LBB2_4:
0x1c: {  	p0 =	sne.s32 s19, $0x9DC0;
	v1 =	vld [tilespmem:s20+$0x2780];
	_ =	sdelay $0x2  }
0x1d: {  	v2 =	vld [tilespmem:s20+$0x4F00]  }
.Ltmp1:
0x1e: {  	(pc) =	sbr.rel @p0 .LBB2_4-.Ltmp1, $2  }
0x1f: {  	_ =	sdelay $0x2  }
0x20: {  	s20 =	sshra.s32 s19, $0x2;
	s19 =	sadd.s32 $0x40, s19;
	[tilespmem:v1+s2+$0x0] =	vst.idx.add.f32.msk $0xffff, v2  }
0x21: {  	v1 =	vld [tilespmem:s20+$0x2780];
	_ =	sdelay $0x2  }
0x22: {  	v2 =	vld [tilespmem:s20+$0x4F00];
	_ =	sdelay $0x4  }
0x23: {  	[tilespmem:v1+s2+$0x0] =	vst.idx.add.f32.msk $0xffff, v2  }
0x24: {  	[hbm4b:s5+s2] =	stream.linear.scatter [tilespmem:s2], [sflag:$0x1], $0x7D0, $0x38;
	[tilespmem:$0x7680] =	vst v63  }
0x25: {  	_ =	swait.ge [sflag:s12], $0x7D0  }
0x26: {  	[sflag:s12] =	ssyncset.done $0x0  }
0x27: {  	[sflag:s12] =	ssyncadd.s32 $0xFFFFF830  }
0x28: {  	[hbm4b:s6+s2] =	stream.linear.scatter [tilespmem:s14], [sflag:$0x1], $0x7D0, $0x38;
	[tilespmem:$0x7680] =	vst v63  }
0x29: {  	_ =	swait.ge [sflag:s12], $0x7D0  }
0x2a: {  	[sflag:s12] =	ssyncset.done $0x0  }
0x2b: {  	[sflag:s12] =	ssyncadd.s32 $0xFFFFF830  }
0x2c: {  	[hbm4b:s7+s2] =	stream.linear.scatter [tilespmem:s15], [sflag:$0x1], $0x7D0, $0x38;
	[tilespmem:$0x7680] =	vst v63  }
0x2d: {  	_ =	swait.ge [sflag:s12], $0x7D0  }
0x2e: {  	[sflag:s12] =	ssyncset.done $0x0  }
0x2f: {  	[sflag:s12] =	ssyncadd.s32 $0xFFFFF830  }
0x30: {  	[hbm4b:s8+s2] =	stream.linear.scatter [tilespmem:s16], [sflag:$0x1], $0x7D0, $0x38;
	[tilespmem:$0x7680] =	vst v63  }
0x31: {  	s18 =	sadd.s32 $0x1, s18;
	_ =	swait.ge [sflag:s12], $0x7D0  }
0x32: {  	p0 =	sne.s32 s18, s10;
	[sflag:s12] =	ssyncset.done $0x0  }
.Ltmp2:
0x33: {  	[sflag:s12] =	ssyncadd.s32 $0xFFFFF830;
	(pc) =	sbr.rel @p0 .LBB2_1-.Ltmp2, $4  }
0x34: {  	[hbm4b:s9+s2] =	stream.linear.scatter [tilespmem:s17], [sflag:$0x1], $0x7D0, $0x38;
	[tilespmem:$0x7680] =	vst v63  }
0x35: {  	_ =	swait.ge [sflag:s12], $0x7D0  }
0x36: {  	[sflag:s12] =	ssyncset.done $0x0  }
0x37: {  	[sflag:s12] =	ssyncadd.s32 $0xFFFFF830  }
0x38: {  	_ =	sfence.sel $0x180000  }
0x39: {  	[bflag:$0x0] =	sbarrier.arrive $0xFFFF  }
0x3a: {  	p0 =	sne.s32 s1, $0x0;
	_ =	strace $0x90000047  }
0x3b: {  	s0 =	sadd.s32 @!p0 $0x100000, s0;
	[bflag:$0x2] =	sbarrier.arrive $0xFFFF  }
0x3c: {  	[sflag:s0] =	ssyncadd.tile.s32 @!p0 $0x1;
	_ =	shalt  }
.Lfunc_end2:
_tile_overlayer_lowered:
.L_overlay_start_2:
0x3d: {  	(tag) =	ssettag $0x2  }
0x3e: {  	s0 =	rddreg [dreg:$0x0];
	s2 =	stileid.u32  }
0x3f: {  	s1 =	rddreg [dreg:$0x1];
	p0 =	sne.s32 s2, $0x0  }
0x40: {  	s3 =	rddreg [dreg:$0x2];
	[bflag:$0x3] =	sbarrier.arrive $0xFFFF;
	s2 =	simm.s32 @!p0 $0x1C01  }
0x41: {  	[timem:s3], [sflag:s2] =	dma.local @!p0 [hbm:s0], s1  }
0x42: {  	s0 =	simm.s32 @!p0 $0x1  }
0x43: {  	_ =	swait.ge @!p0 [sflag:s0], s1  }
0x44: {  	s1 =	ssub.s32 @!p0 $0x0, s1;
	[sflag:s0] =	ssyncset.done @!p0 $0x0  }
0x45: {  	[sflag:s0] =	ssyncadd.s32 @!p0 s1  }
0x46: {  	[bflag:$0x3] =	sbarrier.arrive $0xFFFF  }
0x47: {  	_ =	shalt  }

// kernel: kernel.13.cloned.1.call-start
scs
__scs_entry_jumppad:
0x0: {  	(pc) =	sbr.rel $0x88, $3  }
0x1: {  	(tag) =	ssettag $0x0;
	lr =	simm.s32 $0x1  }
0x2: {  	[smem:$0x3F8E] =	sst lr;
	_ =	strace $0xD0000000  }
0x3: {  	_ = 	snop  }
0x4: {  	_ = 	snop  }
0x5: {  	_ = 	snop  }
0x6: {  	_ = 	snop  }
0x7: {  	_ = 	snop  }
__scs_overlays_trampoline_lowered:
0x8: {  	[smem:$0x3F9D] =	sst s0  }
0x9: {  	[smem:$0x3F9E] =	sst s1  }
0xa: {  	[smem:$0x3F9F] =	sst s2  }
0xb: {  	[smem:$0x3FA0] =	sst s3  }
0xc: {  	[smem:$0x3FA1] =	sst s4  }
0xd: {  	[smem:$0x3FA2] =	sst s5  }
0xe: {  	[smem:$0x3FA3] =	sst s6  }
0xf: {  	[smem:$0x3FA4] =	sst s7  }
0x10: {  	[smem:$0x3FA5] =	sst s8  }
0x11: {  	[smem:$0x3FA6] =	sst s9;
	s0 =	simm.s32 @!p0 $0x0  }
0x12: {  	s1 =	sld [smem:$0x3F8C];
	s0 =	simm.s32 @p0 $0x1  }
0x13: {  	[smem:$0x3FA7] =	sst s0;
	s0 =	simm.s32 @!p1 $0x0  }
0x14: {  	s2 =	sld [smem:$0x3F8B];
	s0 =	simm.s32 @p1 $0x1  }
0x15: {  	[smem:$0x3FA8] =	sst s0;
	s0 =	simm.s32 @!p2 $0x0  }
0x16: {  	s3 =	sld [smem:$0x3FDB];
	s0 =	simm.s32 @p2 $0x1  }
0x17: {  	s4 =	simm.s32 $0x1BF5;
	[smem:$0x3FAA] =	sst s0  }
0x18: {  	s0 =	sld [smem:$0x3F8D];
	_ =	swait.ge [sflag:s4], $0x0  }
0x19: {  	s7 =	sld [smem:$0x3F8E]  }
0x1a: {  	s8 =	sadd.s32 $0xFFFFE003, lr  }
0x1b: {  	s9 =	sadd.s32 $0xFFFFFEF7, lr;
	s5 =	simm.s32 $0xFFFFFFFF;
	p2 =	slt.u32 s8, $0xFFFFF086  }
0x1c: {  	p1 =	slt.u32 s9, $0xF7A;
	s5 =	simm.s32 @!p2 $0x0  }
0x1d: {  	s5 =	simm.s32 @p1 $0x1;
	p0 =	seq.s32 s7, s2  }
0x1e: {  	s7 =	smul.u32 @!p0 $0xF7A, s2;
	p2 =	seq.s32 @!p0 s5, $0x0  }
0x1f: {  	s9 =	smul.u32 $0xF7A, s1;
	s8 =	simm.s32 @!p0 $0x1BF5;
	p2 =	por !p2, p0  }
0x20: {  	[sflag:s8] =	ssyncset.s32 @!p0 $0xFFFFF086;
	s6 =	sadd.s32 @!p0 s3, s7;
	s7 =	simm.s32 @!p0 $0x108  }
0x21: {  	s3 =	sadd.s32 s3, s9;
	s6 =	sadd.s32 @!p0 $0x88, s6;
	s7 =	simm.s32 @p2 $0x1082  }
0x22: {  	[simem:s7], [sflag:s8] =	dma.local @!p0 [hbm:s6], $0xF7A  }
0x23: {  	s9 =	sor.u32 $0xD0000000, s2;
	s6 =	simm.s32 $0x108;
	_ =	swait.ge @!p0 [sflag:s8], $0x0  }
0x24: {  	s3 =	sadd.s32 $0x88, s3;
	s6 =	simm.s32 @!p1 $0x1082;
	[sflag:s4] =	ssyncset.s32 $0xFFFFF086  }
0x25: {  	[simem:s6], [sflag:s4] =	dma.local [hbm:s3], $0xF7A  }
0x26: {  	[smem:$0x3F8E] =	sst s1;
	(tag) =	ssettag s2;
	_ =	strace s9  }
0x27: {  	s1 =	sld [smem:$0x3F9E]  }
0x28: {  	s2 =	sld [smem:$0x3F9F]  }
0x29: {  	s4 =	sld [smem:$0x3FA1]  }
0x2a: {  	p0 =	seq.s32 s5, $0x0;
	s5 =	sld [smem:$0x3FA2]  }
0x2b: {  	s6 =	sld [smem:$0x3FA3]  }
0x2c: {  	s7 =	sld [smem:$0x3FA4]  }
0x2d: {  	s3 =	simm.s32 $0x108;
	s8 =	sld [smem:$0x3FA5]  }
0x2e: {  	s3 =	simm.s32 @!p0 $0x1082;
	s9 =	sld [smem:$0x3FA6]  }
0x2f: {  	lr =	sadd.s32 s0, s3;
	s0 =	sld [smem:$0x3F9D]  }
0x30: {  	s3 =	sld [smem:$0x3FA0]  }
0x31: {  	[smem:$0x3FA9] =	sst s10  }
0x32: {  	s10 =	sld [smem:$0x3FA7];
	_ =	sdelay $0x3  }
0x33: {  	p0 =	seq.s32 s10, $0x1;
	s10 =	sld [smem:$0x3FA9];
	_ =	sdelay $0x3  }
0x34: {  	[smem:$0x3FA9] =	sst s10  }
0x35: {  	s10 =	sld [smem:$0x3FA8];
	_ =	sdelay $0x3  }
0x36: {  	p1 =	seq.s32 s10, $0x1;
	s10 =	sld [smem:$0x3FA9];
	_ =	sdelay $0x3  }
0x37: {  	[smem:$0x3FA9] =	sst s10  }
0x38: {  	s10 =	sld [smem:$0x3FAA]  }
0x39: {  	_ = 	snop;
	(pc) =	sbr.ind lr, $3  }
0x3a: {  	_ = 	snop  }
0x3b: {  	_ = 	snop  }
0x3c: {  	p2 =	seq.s32 s10, $0x1;
	s10 =	sld [smem:$0x3FA9]  }
0x3d: {  	_ =	shalt  }
0x3e: {  	_ =	shalt  }
0x3f: {  	_ =	shalt  }
0x40: {  	_ =	shalt  }
0x41: {  	_ =	shalt  }
0x42: {  	_ =	shalt  }
0x43: {  	_ =	shalt  }
0x44: {  	_ =	shalt  }
0x45: {  	_ =	shalt  }
0x46: {  	_ =	shalt  }
0x47: {  	_ =	shalt  }
0x48: {  	_ =	shalt  }
0x49: {  	_ =	shalt  }
0x4a: {  	_ =	shalt  }
0x4b: {  	_ =	shalt  }
0x4c: {  	_ =	shalt  }
0x4d: {  	_ =	shalt  }
0x4e: {  	_ =	shalt  }
0x4f: {  	_ =	shalt  }
0x50: {  	_ =	shalt  }
0x51: {  	_ =	shalt  }
0x52: {  	_ =	shalt  }
0x53: {  	_ =	shalt  }
0x54: {  	_ =	shalt  }
0x55: {  	_ =	shalt  }
0x56: {  	_ =	shalt  }
0x57: {  	_ =	shalt  }
0x58: {  	_ =	shalt  }
0x59: {  	_ =	shalt  }
0x5a: {  	_ =	shalt  }
0x5b: {  	_ =	shalt  }
0x5c: {  	_ =	shalt  }
0x5d: {  	_ =	shalt  }
0x5e: {  	_ =	shalt  }
0x5f: {  	_ =	shalt  }
0x60: {  	_ =	shalt  }
0x61: {  	_ =	shalt  }
0x62: {  	_ =	shalt  }
0x63: {  	_ =	shalt  }
0x64: {  	_ =	shalt  }
0x65: {  	_ =	shalt  }
0x66: {  	_ =	shalt  }
0x67: {  	_ =	shalt  }
0x68: {  	_ =	shalt  }
0x69: {  	_ =	shalt  }
0x6a: {  	_ =	shalt  }
0x6b: {  	_ =	shalt  }
0x6c: {  	_ =	shalt  }
0x6d: {  	_ =	shalt  }
0x6e: {  	_ =	shalt  }
0x6f: {  	_ =	shalt  }
0x70: {  	_ =	shalt  }
0x71: {  	_ =	shalt  }
0x72: {  	_ =	shalt  }
0x73: {  	_ =	shalt  }
0x74: {  	_ =	shalt  }
0x75: {  	_ =	shalt  }
0x76: {  	_ =	shalt  }
0x77: {  	_ =	shalt  }
0x78: {  	_ =	shalt  }
0x79: {  	_ =	shalt  }
0x7a: {  	_ =	shalt  }
0x7b: {  	_ =	shalt  }
0x7c: {  	_ =	shalt  }
0x7d: {  	_ =	shalt  }
0x7e: {  	_ =	shalt  }
0x7f: {  	_ =	shalt  }
0x80: {  	_ =	shalt  }
0x81: {  	_ =	shalt  }
0x82: {  	_ =	shalt  }
0x83: {  	_ =	shalt  }
0x84: {  	_ =	shalt  }
0x85: {  	_ =	shalt  }
0x86: {  	_ =	shalt  }
0x87: {  	_ =	shalt  }
.Lfunc_end0:
.L_simem_size_0:
called_computation.1_lowered:
.L_overlay_start_0:
0x88: {  	s2 =	sld [smem:$0x3FD9]  }
0x89: {  	s3 =	sld [smem:$0x3FFE];
	_ =	sdelay $0x1  }
0x8a: {  	s1 =	srdreg.scid  }
0x8b: {  	s0 =	sand.u32 $0x1, s1  }
0x8c: {  	s17 =	sshll.u32 s0, $0xA;
	s2 =	sadd.s32 s3, s2  }
0x8d: {  	s2 =	sadd.s32 s2, s17  }
0x8e: {  	[smem:$0x3FB5] =	sst s2  }
0x8f: {  	_ = 	snop  }
0x90: {  	(tm) =	ssettm $0x1  }
0x91: {  	s18 =	sld [smem:$0x3FFB];
	_ =	sdelay $0x3  }
0x92: {  	_ =	strace s18  }
0x93: {  	s2 =	sld [smem:$0x3FFC];
	_ =	sdelay $0x3  }
0x94: {  	_ =	strace s2  }
0x95: {  	s2 =	sld [smem:$0x3FFD];
	_ =	sdelay $0x3  }
0x96: {  	_ =	strace s2  }
0x97: {  	_ =	strace $0x8FFFFFFF  }
0x98: {  	s19 =	sld [smem:$0x3FDB];
	_ =	sdelay $0x1  }
0x99: {  	s20 =	simm.s32 $_scs_section_size  }
0x9a: {  	s4 =	simm.s32 $_size__tile_overlayer_lowered;
	s5 =	simm.s32 $_tile_overlayer_lowered  }
0x9b: {  	s6 =	simm.s32 $0x1BFF;
	s21 =	sshll.u32 s5, $0x1;
	s3 =	sadd.s32 s20, s19  }
0x9c: {  	s22 =	simm.s32 $0x0;
	s4 =	sshll.u32 s4, $0x1;
	s5 =	sadd.s32 s21, s3  }
0x9d: {  	[timem:s22], [sflag:s6] =	dma.local [hbm:s5], s4  }
0x9e: {  	_ =	swait.ge [sflag:s6], s4  }
0x9f: {  	s4 =	ssub.s32 $0x0, s4;
	[sflag:s6] =	ssyncset.done $0x0  }
0xa0: {  	[sflag:s6] =	ssyncadd.s32 s4;
	_ =	sdelay $0x1  }
0xa1: {  	s23 =	simm.s32 $0x1B8B  }
0xa2: {  	_ =	swait.ge [sflag:s23], $0x1  }
0xa3: {  	[sflag:s23] =	ssyncset.done $0x0  }
0xa4: {  	[sflag:s23] =	ssyncadd.s32 $0xFFFFFFFF  }
0xa5: {  	s4 =	sld [smem:$0x0]  }
0xa6: {  	s5 =	sand.u32 $0xFFFFFFFE, s1  }
0xa7: {  	p0 =	sne.s32 s1, s5  }
0xa8: {  	s5 =	sshll.u32 @p0 s5, $0xE  }
0xa9: {  	s5 =	sadd.s32 @p0 $0x11B8D, s5;
	s6 =	sshll.u32 @p0 s4, $0x11  }
0xaa: {  	s5 =	sor.u32 @p0 s6, s5  }
0xab: {  	[sflag:s5] =	ssyncadd.remote.s32 @p0 $0x1;
	_ =	sdelay $0x1  }
0xac: {  	s5 =	simm.s32 @p0 $0x1B8D  }
0xad: {  	_ =	swait.eq @p0 [sflag:s5], $0x1  }
0xae: {  	[sflag:s5] =	ssyncadd.s32 @p0 $0xFFFFFFFF  }
0xaf: {  	s6 =	sshll.u32 @!p0 s1, $0xE  }
0xb0: {  	s6 =	sor.u32 @!p0 $0x4000, s6;
	s5 =	simm.s32 @!p0 $0x1B8D  }
0xb1: {  	s4 =	sshll.u32 @!p0 s4, $0x11;
	s6 =	sadd.s32 @!p0 $0x11B8D, s6;
	_ =	swait.eq @!p0 [sflag:s5], $0x1  }
0xb2: {  	s4 =	sor.u32 @!p0 s4, s6;
	[sflag:s5] =	ssyncadd.s32 @!p0 $0xFFFFFFFF  }
0xb3: {  	s25 =	simm.s32 $0x1B8E;
	s24 =	sld [smem:$0x3FFE];
	[sflag:s4] =	ssyncadd.remote.s32 @!p0 $0x1  }
0xb4: {  	s26 =	simm.s32 $execute0_lowered;
	[smem:$0x3FD2] =	sst s25  }
0xb5: {  	s5 =	sshll.u32 s26, $0x1;
	_ =	strace $0x80000049;
	[dreg:$0x1] =	wrdreg $0xFFFFFFFF  }
0xb6: {  	s28 =	simm.s32 $_size_execute0_lowered;
	s3 =	sadd.s32 s3, s5;
	[dreg:$0x0] =	wrdreg $0x0  }
0xb7: {  	s5 =	sshll.u32 s28, $0x1;
	[dreg:$0x2] =	wrdreg s3  }
0xb8: {  	[dreg:$0x3] =	wrdreg s5  }
0xb9: {  	[dreg:$0x4] =	wrdreg $0xC0  }
0xba: {  	_ =	task [dreg:s22], $0x5FFFF  }
0xbb: {  	[dreg:$0x1] =	wrdreg $0xFFFFFFFF  }
0xbc: {  	[dreg:$0x0] =	wrdreg $0x60  }
0xbd: {  	[dreg:$0x2] =	wrdreg s24  }
0xbe: {  	[dreg:$0x3] =	wrdreg $0x9  }
0xbf: {  	_ =	task.clear_ibuf [dreg:s22], $0x4FFFF;
	_ =	strace $0x90000049  }
0xc0: {  	s29 =	simm.s32 $0x9;
	_ =	strace $0x8000004B  }
0xc1: {  	_ =	swait.ge [sflag:s29], $0x1  }
0xc2: {  	[sflag:s29] =	ssyncadd.s32 $0xFFFFFFFF  }
0xc3: {  	_ =	strace $0x9000004B  }
0xc4: {  	_ =	sfence  }
0xc5: {  	s30 =	sld [smem:$0x0];
	_ =	sdelay $0x2  }
0xc6: {  	s31 =	sshll.u32 s1, $0xD;
	s1 =	sshrl.u32 s1, $0x2  }
0xc7: {  	s4 =	sand.u32 $0x4000, s31;
	s1 =	sadd.s32 s1, s30  }
0xc8: {  	s0 =	sor.u32 s4, s0;
	s1 =	sshll.u32 s1, $0x11  }
0xc9: {  	s0 =	sor.u32 s1, s0  }
0xca: {  	s0 =	sadd.s32 $0x8F2B, s0  }
0xcb: {  	[sflag:s0] =	ssyncadd.remote.s32 $0x1  }
0xcc: {  	_ =	sfence.sel $0xFFFF  }
0xcd: {  	[dreg:$0x0] =	wrdreg $0xFFFFFFFF;
	(pc) =	sbr.abs _section_cstart, $3  }
0xce: {  	[dreg:$0x1] =	wrdreg $0xFFFFFFFF  }
0xcf: {  	_ =	task.clear_ibuf [dreg:s22], $0x2FFFF;
	_ =	strace $0x9FFFFFFF  }
0xd0: {  	(tm) =	ssettm $0x7FFFFFFF  }
0xd1: {  	_ =	shalt  }
tec
execute0_lowered:
.L_overlay_start_1:
0x0: {  	(tag) =	ssettag $0x1  }
0x1: {  	s0 =	srdreg.scid  }
0x2: {  	s4 =	rddreg [dreg:$0x0];
	s1 =	stileid.u32  }
0x3: {  	s2 =	simm.s32 $0x0;
	s11 =	simm.s32 $0x2780;
	s12 =	simm.s32 $0x1  }
0x4: {  	s13 =	simm.s32 $0x4F00;
	s14 =	simm.s32 $0x7D0;
	s3 =	sand.u32 $0x1, s0  }
0x5: {  	s15 =	simm.s32 $0xFA0;
	s16 =	simm.s32 $0x1770;
	s5 =	sshll.u32 s3, $0x4  }
0x6: {  	s17 =	simm.s32 $0x1F40;
	s18 =	simm.s32 $0x0;
	s5 =	sor.u32 s1, s5  }
0x7: {  	s0 =	rddreg [dreg:$0x1];
	s3 =	ssub.s32 $0x2, s3;
	s6 =	smul.u32 $0x4F0, s5  }
0x8: {  	[smem:$0x7FF] =	sst s2;
	s31 =	sshrl.u32 s3, $0x1;
	s7 =	smul.u32 $0x7D0, s5  }
0x9: {  	s8 =	sadd.s32 $0x3EE00, s4;
	s5 =	smul.u32 $0xFA, s5;
	s10 =	ssub.s32 s3, s31  }
0xa: {  	_ =	strace $0x8000004A;
	s10 =	smax.u32 s10, $0x1;
	s7 =	sshrl.u32 s7, $0x3  }
0xb: {  	s6 =	sadd.s32 s6, s4;
	s5 =	sadd.s32 s8, s5;
	s9 =	sadd.s32 s8, s7  }
0xc: {  	s3 =	sadd.s32 $0x21400, s6;
	s4 =	sadd.s32 $0x35000, s6;
	s6 =	sadd.s32 $0x1F40, s9  }
0xd: {  	v0 =	vimm.f32 $0.0e+00;
	s7 =	sadd.s32 $0x3E80, s9;
	s8 =	sadd.s32 $0x5DC0, s9;
	s9 =	sadd.s32 $0x7D00, s9  }
.LBB2_1:
0xe: {  	s19 =	simm.s32 $0x40;
	s20 =	simm.s32 $0x0  }
.LBB2_2:
0xf: {  	p0 =	sne.s32 s19, $0x9DC0;
	[tilespmem:s20+$0x0] =	vst v0;
	s20 =	smov.u32 s19;
	s19 =	sadd.s32 $0x40, s19  }
.Ltmp0:
0x10: {  	(pc) =	sbr.rel @p0 .LBB2_2-.Ltmp0, $2  }
0x11: {  	_ =	sdelay $0x2  }
0x12: {  	s20 =	sshra.s32 s20, $0x2  }
0x13: {  	[tilespmem:s20+$0x0] =	vst v0;
	s19 =	simm.s32 $0x0  }
0x14: {  	[tilespmem:s11], [sflag:$0x1] =	stream.linear.gather [hbm4b:s3+s19], $0x2780, $0x38;
	[tilespmem:$0x7680] =	vst v63  }
0x15: {  	_ =	swait.ge [sflag:s12], $0x2780  }
0x16: {  	[sflag:s12] =	ssyncset.done $0x0  }
0x17: {  	[sflag:s12] =	ssyncadd.s32 $0xFFFFD880  }
0x18: {  	[tilespmem:s13], [sflag:$0x1] =	stream.linear.gather [hbm4b:s4+s19], $0x2780, $0x38;
	[tilespmem:$0x7680] =	vst v63  }
0x19: {  	_ =	swait.ge [sflag:s12], $0x2780  }
0x1a: {  	[sflag:s12] =	ssyncset.done $0x0  }
0x1b: {  	s20 =	simm.s32 $0x0;
	s19 =	simm.s32 $0x40;
	[sflag:s12] =	ssyncadd.s32 $0xFFFFD880  }
.LBB2_4:
0x1c: {  	p0 =	sne.s32 s19, $0x9DC0;
	v1 =	vld [tilespmem:s20+$0x2780];
	_ =	sdelay $0x2  }
0x1d: {  	v2 =	vld [tilespmem:s20+$0x4F00]  }
.Ltmp1:
0x1e: {  	(pc) =	sbr.rel @p0 .LBB2_4-.Ltmp1, $2  }
0x1f: {  	_ =	sdelay $0x2  }
0x20: {  	s20 =	sshra.s32 s19, $0x2;
	s19 =	sadd.s32 $0x40, s19;
	[tilespmem:v1+s2+$0x0] =	vst.idx.add.f32.msk $0xffff, v2  }
0x21: {  	v1 =	vld [tilespmem:s20+$0x2780];
	_ =	sdelay $0x2  }
0x22: {  	v2 =	vld [tilespmem:s20+$0x4F00];
	_ =	sdelay $0x4  }
0x23: {  	[tilespmem:v1+s2+$0x0] =	vst.idx.add.f32.msk $0xffff, v2  }
0x24: {  	[hbm4b:s5+s2] =	stream.linear.scatter [tilespmem:s2], [sflag:$0x1], $0x7D0, $0x38;
	[tilespmem:$0x7680] =	vst v63  }
0x25: {  	_ =	swait.ge [sflag:s12], $0x7D0  }
0x26: {  	[sflag:s12] =	ssyncset.done $0x0  }
0x27: {  	[sflag:s12] =	ssyncadd.s32 $0xFFFFF830  }
0x28: {  	[hbm4b:s6+s2] =	stream.linear.scatter [tilespmem:s14], [sflag:$0x1], $0x7D0, $0x38;
	[tilespmem:$0x7680] =	vst v63  }
0x29: {  	_ =	swait.ge [sflag:s12], $0x7D0  }
0x2a: {  	[sflag:s12] =	ssyncset.done $0x0  }
0x2b: {  	[sflag:s12] =	ssyncadd.s32 $0xFFFFF830  }
0x2c: {  	[hbm4b:s7+s2] =	stream.linear.scatter [tilespmem:s15], [sflag:$0x1], $0x7D0, $0x38;
	[tilespmem:$0x7680] =	vst v63  }
0x2d: {  	_ =	swait.ge [sflag:s12], $0x7D0  }
0x2e: {  	[sflag:s12] =	ssyncset.done $0x0  }
0x2f: {  	[sflag:s12] =	ssyncadd.s32 $0xFFFFF830  }
0x30: {  	[hbm4b:s8+s2] =	stream.linear.scatter [tilespmem:s16], [sflag:$0x1], $0x7D0, $0x38;
	[tilespmem:$0x7680] =	vst v63  }
0x31: {  	s18 =	sadd.s32 $0x1, s18;
	_ =	swait.ge [sflag:s12], $0x7D0  }
0x32: {  	p0 =	sne.s32 s18, s10;
	[sflag:s12] =	ssyncset.done $0x0  }
.Ltmp2:
0x33: {  	[sflag:s12] =	ssyncadd.s32 $0xFFFFF830;
	(pc) =	sbr.rel @p0 .LBB2_1-.Ltmp2, $4  }
0x34: {  	[hbm4b:s9+s2] =	stream.linear.scatter [tilespmem:s17], [sflag:$0x1], $0x7D0, $0x38;
	[tilespmem:$0x7680] =	vst v63  }
0x35: {  	_ =	swait.ge [sflag:s12], $0x7D0  }
0x36: {  	[sflag:s12] =	ssyncset.done $0x0  }
0x37: {  	[sflag:s12] =	ssyncadd.s32 $0xFFFFF830  }
0x38: {  	_ =	sfence.sel $0x180000  }
0x39: {  	[bflag:$0x0] =	sbarrier.arrive $0xFFFF  }
0x3a: {  	p0 =	sne.s32 s1, $0x0;
	_ =	strace $0x9000004A  }
0x3b: {  	s0 =	sadd.s32 @!p0 $0x100000, s0;
	[bflag:$0x2] =	sbarrier.arrive $0xFFFF  }
0x3c: {  	[sflag:s0] =	ssyncadd.tile.s32 @!p0 $0x1;
	_ =	shalt  }
.Lfunc_end2:
_tile_overlayer_lowered:
.L_overlay_start_2:
0x3d: {  	(tag) =	ssettag $0x2  }
0x3e: {  	s0 =	rddreg [dreg:$0x0];
	s2 =	stileid.u32  }
0x3f: {  	s1 =	rddreg [dreg:$0x1];
	p0 =	sne.s32 s2, $0x0  }
0x40: {  	s3 =	rddreg [dreg:$0x2];
	[bflag:$0x3] =	sbarrier.arrive $0xFFFF;
	s2 =	simm.s32 @!p0 $0x1C01  }
0x41: {  	[timem:s3], [sflag:s2] =	dma.local @!p0 [hbm:s0], s1  }
0x42: {  	s0 =	simm.s32 @!p0 $0x1  }
0x43: {  	_ =	swait.ge @!p0 [sflag:s0], s1  }
0x44: {  	s1 =	ssub.s32 @!p0 $0x0, s1;
	[sflag:s0] =	ssyncset.done @!p0 $0x0  }
0x45: {  	[sflag:s0] =	ssyncadd.s32 @!p0 s1  }
0x46: {  	[bflag:$0x3] =	sbarrier.arrive $0xFFFF  }
0x47: {  	_ =	shalt  }

// kernel: kernel.16.cloned.1.call-start
scs
__scs_entry_jumppad:
0x0: {  	(pc) =	sbr.rel $0x88, $3  }
0x1: {  	(tag) =	ssettag $0x0;
	lr =	simm.s32 $0x1  }
0x2: {  	[smem:$0x3F8E] =	sst lr;
	_ =	strace $0xD0000000  }
0x3: {  	_ = 	snop  }
0x4: {  	_ = 	snop  }
0x5: {  	_ = 	snop  }
0x6: {  	_ = 	snop  }
0x7: {  	_ = 	snop  }
__scs_overlays_trampoline_lowered:
0x8: {  	[smem:$0x3F9D] =	sst s0  }
0x9: {  	[smem:$0x3F9E] =	sst s1  }
0xa: {  	[smem:$0x3F9F] =	sst s2  }
0xb: {  	[smem:$0x3FA0] =	sst s3  }
0xc: {  	[smem:$0x3FA1] =	sst s4  }
0xd: {  	[smem:$0x3FA2] =	sst s5  }
0xe: {  	[smem:$0x3FA3] =	sst s6  }
0xf: {  	[smem:$0x3FA4] =	sst s7  }
0x10: {  	[smem:$0x3FA5] =	sst s8  }
0x11: {  	[smem:$0x3FA6] =	sst s9;
	s0 =	simm.s32 @!p0 $0x0  }
0x12: {  	s1 =	sld [smem:$0x3F8C];
	s0 =	simm.s32 @p0 $0x1  }
0x13: {  	[smem:$0x3FA7] =	sst s0;
	s0 =	simm.s32 @!p1 $0x0  }
0x14: {  	s2 =	sld [smem:$0x3F8B];
	s0 =	simm.s32 @p1 $0x1  }
0x15: {  	[smem:$0x3FA8] =	sst s0;
	s0 =	simm.s32 @!p2 $0x0  }
0x16: {  	s3 =	sld [smem:$0x3FDB];
	s0 =	simm.s32 @p2 $0x1  }
0x17: {  	s4 =	simm.s32 $0x1BF5;
	[smem:$0x3FAA] =	sst s0  }
0x18: {  	s0 =	sld [smem:$0x3F8D];
	_ =	swait.ge [sflag:s4], $0x0  }
0x19: {  	s7 =	sld [smem:$0x3F8E]  }
0x1a: {  	s8 =	sadd.s32 $0xFFFFE003, lr  }
0x1b: {  	s9 =	sadd.s32 $0xFFFFFEF7, lr;
	s5 =	simm.s32 $0xFFFFFFFF;
	p2 =	slt.u32 s8, $0xFFFFF086  }
0x1c: {  	p1 =	slt.u32 s9, $0xF7A;
	s5 =	simm.s32 @!p2 $0x0  }
0x1d: {  	s5 =	simm.s32 @p1 $0x1;
	p0 =	seq.s32 s7, s2  }
0x1e: {  	s7 =	smul.u32 @!p0 $0xF7A, s2;
	p2 =	seq.s32 @!p0 s5, $0x0  }
0x1f: {  	s9 =	smul.u32 $0xF7A, s1;
	s8 =	simm.s32 @!p0 $0x1BF5;
	p2 =	por !p2, p0  }
0x20: {  	[sflag:s8] =	ssyncset.s32 @!p0 $0xFFFFF086;
	s6 =	sadd.s32 @!p0 s3, s7;
	s7 =	simm.s32 @!p0 $0x108  }
0x21: {  	s3 =	sadd.s32 s3, s9;
	s6 =	sadd.s32 @!p0 $0x88, s6;
	s7 =	simm.s32 @p2 $0x1082  }
0x22: {  	[simem:s7], [sflag:s8] =	dma.local @!p0 [hbm:s6], $0xF7A  }
0x23: {  	s9 =	sor.u32 $0xD0000000, s2;
	s6 =	simm.s32 $0x108;
	_ =	swait.ge @!p0 [sflag:s8], $0x0  }
0x24: {  	s3 =	sadd.s32 $0x88, s3;
	s6 =	simm.s32 @!p1 $0x1082;
	[sflag:s4] =	ssyncset.s32 $0xFFFFF086  }
0x25: {  	[simem:s6], [sflag:s4] =	dma.local [hbm:s3], $0xF7A  }
0x26: {  	[smem:$0x3F8E] =	sst s1;
	(tag) =	ssettag s2;
	_ =	strace s9  }
0x27: {  	s1 =	sld [smem:$0x3F9E]  }
0x28: {  	s2 =	sld [smem:$0x3F9F]  }
0x29: {  	s4 =	sld [smem:$0x3FA1]  }
0x2a: {  	p0 =	seq.s32 s5, $0x0;
	s5 =	sld [smem:$0x3FA2]  }
0x2b: {  	s6 =	sld [smem:$0x3FA3]  }
0x2c: {  	s7 =	sld [smem:$0x3FA4]  }
0x2d: {  	s3 =	simm.s32 $0x108;
	s8 =	sld [smem:$0x3FA5]  }
0x2e: {  	s3 =	simm.s32 @!p0 $0x1082;
	s9 =	sld [smem:$0x3FA6]  }
0x2f: {  	lr =	sadd.s32 s0, s3;
	s0 =	sld [smem:$0x3F9D]  }
0x30: {  	s3 =	sld [smem:$0x3FA0]  }
0x31: {  	[smem:$0x3FA9] =	sst s10  }
0x32: {  	s10 =	sld [smem:$0x3FA7];
	_ =	sdelay $0x3  }
0x33: {  	p0 =	seq.s32 s10, $0x1;
	s10 =	sld [smem:$0x3FA9];
	_ =	sdelay $0x3  }
0x34: {  	[smem:$0x3FA9] =	sst s10  }
0x35: {  	s10 =	sld [smem:$0x3FA8];
	_ =	sdelay $0x3  }
0x36: {  	p1 =	seq.s32 s10, $0x1;
	s10 =	sld [smem:$0x3FA9];
	_ =	sdelay $0x3  }
0x37: {  	[smem:$0x3FA9] =	sst s10  }
0x38: {  	s10 =	sld [smem:$0x3FAA]  }
0x39: {  	_ = 	snop;
	(pc) =	sbr.ind lr, $3  }
0x3a: {  	_ = 	snop  }
0x3b: {  	_ = 	snop  }
0x3c: {  	p2 =	seq.s32 s10, $0x1;
	s10 =	sld [smem:$0x3FA9]  }
0x3d: {  	_ =	shalt  }
0x3e: {  	_ =	shalt  }
0x3f: {  	_ =	shalt  }
0x40: {  	_ =	shalt  }
0x41: {  	_ =	shalt  }
0x42: {  	_ =	shalt  }
0x43: {  	_ =	shalt  }
0x44: {  	_ =	shalt  }
0x45: {  	_ =	shalt  }
0x46: {  	_ =	shalt  }
0x47: {  	_ =	shalt  }
0x48: {  	_ =	shalt  }
0x49: {  	_ =	shalt  }
0x4a: {  	_ =	shalt  }
0x4b: {  	_ =	shalt  }
0x4c: {  	_ =	shalt  }
0x4d: {  	_ =	shalt  }
0x4e: {  	_ =	shalt  }
0x4f: {  	_ =	shalt  }
0x50: {  	_ =	shalt  }
0x51: {  	_ =	shalt  }
0x52: {  	_ =	shalt  }
0x53: {  	_ =	shalt  }
0x54: {  	_ =	shalt  }
0x55: {  	_ =	shalt  }
0x56: {  	_ =	shalt  }
0x57: {  	_ =	shalt  }
0x58: {  	_ =	shalt  }
0x59: {  	_ =	shalt  }
0x5a: {  	_ =	shalt  }
0x5b: {  	_ =	shalt  }
0x5c: {  	_ =	shalt  }
0x5d: {  	_ =	shalt  }
0x5e: {  	_ =	shalt  }
0x5f: {  	_ =	shalt  }
0x60: {  	_ =	shalt  }
0x61: {  	_ =	shalt  }
0x62: {  	_ =	shalt  }
0x63: {  	_ =	shalt  }
0x64: {  	_ =	shalt  }
0x65: {  	_ =	shalt  }
0x66: {  	_ =	shalt  }
0x67: {  	_ =	shalt  }
0x68: {  	_ =	shalt  }
0x69: {  	_ =	shalt  }
0x6a: {  	_ =	shalt  }
0x6b: {  	_ =	shalt  }
0x6c: {  	_ =	shalt  }
0x6d: {  	_ =	shalt  }
0x6e: {  	_ =	shalt  }
0x6f: {  	_ =	shalt  }
0x70: {  	_ =	shalt  }
0x71: {  	_ =	shalt  }
0x72: {  	_ =	shalt  }
0x73: {  	_ =	shalt  }
0x74: {  	_ =	shalt  }
0x75: {  	_ =	shalt  }
0x76: {  	_ =	shalt  }
0x77: {  	_ =	shalt  }
0x78: {  	_ =	shalt  }
0x79: {  	_ =	shalt  }
0x7a: {  	_ =	shalt  }
0x7b: {  	_ =	shalt  }
0x7c: {  	_ =	shalt  }
0x7d: {  	_ =	shalt  }
0x7e: {  	_ =	shalt  }
0x7f: {  	_ =	shalt  }
0x80: {  	_ =	shalt  }
0x81: {  	_ =	shalt  }
0x82: {  	_ =	shalt  }
0x83: {  	_ =	shalt  }
0x84: {  	_ =	shalt  }
0x85: {  	_ =	shalt  }
0x86: {  	_ =	shalt  }
0x87: {  	_ =	shalt  }
.Lfunc_end0:
.L_simem_size_0:
called_computation.2_lowered:
.L_overlay_start_0:
0x88: {  	s2 =	sld [smem:$0x3FD9]  }
0x89: {  	s3 =	sld [smem:$0x3FFE];
	_ =	sdelay $0x1  }
0x8a: {  	s1 =	srdreg.scid  }
0x8b: {  	s0 =	sand.u32 $0x1, s1  }
0x8c: {  	s17 =	sshll.u32 s0, $0xA;
	s2 =	sadd.s32 s3, s2  }
0x8d: {  	s2 =	sadd.s32 s2, s17  }
0x8e: {  	[smem:$0x3FB5] =	sst s2  }
0x8f: {  	_ = 	snop  }
0x90: {  	s18 =	sld [smem:$0x3FD0];
	(tm) =	ssettm $0x1  }
0x91: {  	s19 =	sld [smem:$0x3FFB];
	_ =	sdelay $0x3  }
0x92: {  	_ =	strace s19  }
0x93: {  	s2 =	sld [smem:$0x3FFC];
	_ =	sdelay $0x3  }
0x94: {  	_ =	strace s2  }
0x95: {  	s2 =	sld [smem:$0x3FFD];
	_ =	sdelay $0x3  }
0x96: {  	_ =	strace s2  }
0x97: {  	_ =	strace $0x8FFFFFFF  }
0x98: {  	s20 =	sld [smem:$0x3FDB];
	_ =	sdelay $0x1  }
0x99: {  	s4 =	simm.s32 $_scs_section_size  }
0x9a: {  	s5 =	simm.s32 $_size__tile_overlayer_lowered;
	s6 =	simm.s32 $_tile_overlayer_lowered  }
0x9b: {  	s7 =	simm.s32 $0x1BFF;
	s21 =	sshll.u32 s6, $0x1;
	s4 =	sadd.s32 s4, s20  }
0x9c: {  	s22 =	simm.s32 $0x0;
	s5 =	sshll.u32 s5, $0x1;
	s6 =	sadd.s32 s21, s4  }
0x9d: {  	[timem:s22], [sflag:s7] =	dma.local [hbm:s6], s5  }
0x9e: {  	_ =	swait.ge [sflag:s7], s5  }
0x9f: {  	s5 =	ssub.s32 $0x0, s5;
	[sflag:s7] =	ssyncset.done $0x0  }
0xa0: {  	[sflag:s7] =	ssyncadd.s32 s5;
	_ =	sdelay $0x1  }
0xa1: {  	s23 =	simm.s32 $0x1B8B  }
0xa2: {  	_ =	swait.ge [sflag:s23], $0x1  }
0xa3: {  	[sflag:s23] =	ssyncset.done $0x0  }
0xa4: {  	[sflag:s23] =	ssyncadd.s32 $0xFFFFFFFF  }
0xa5: {  	s5 =	sld [smem:$0x0]  }
0xa6: {  	s6 =	sand.u32 $0xFFFFFFFE, s1  }
0xa7: {  	p0 =	sne.s32 s1, s6  }
0xa8: {  	s6 =	sshll.u32 @p0 s6, $0xE  }
0xa9: {  	s6 =	sadd.s32 @p0 $0x11B8D, s6;
	s7 =	sshll.u32 @p0 s5, $0x11  }
0xaa: {  	s6 =	sor.u32 @p0 s7, s6  }
0xab: {  	[sflag:s6] =	ssyncadd.remote.s32 @p0 $0x1;
	_ =	sdelay $0x1  }
0xac: {  	s6 =	simm.s32 @p0 $0x1B8D  }
0xad: {  	_ =	swait.eq @p0 [sflag:s6], $0x1  }
0xae: {  	[sflag:s6] =	ssyncadd.s32 @p0 $0xFFFFFFFF  }
0xaf: {  	s7 =	sshll.u32 @!p0 s1, $0xE  }
0xb0: {  	s7 =	sor.u32 @!p0 $0x4000, s7;
	s6 =	simm.s32 @!p0 $0x1B8D  }
0xb1: {  	s5 =	sshll.u32 @!p0 s5, $0x11;
	s7 =	sadd.s32 @!p0 $0x11B8D, s7;
	_ =	swait.eq @!p0 [sflag:s6], $0x1  }
0xb2: {  	s5 =	sor.u32 @!p0 s5, s7;
	[sflag:s6] =	ssyncadd.s32 @!p0 $0xFFFFFFFF  }
0xb3: {  	s25 =	simm.s32 $0x1B8E;
	s24 =	sld [smem:$0x3FFE];
	[sflag:s5] =	ssyncadd.remote.s32 @!p0 $0x1  }
0xb4: {  	s26 =	simm.s32 $execute0_lowered;
	[smem:$0x3FD2] =	sst s25  }
0xb5: {  	s6 =	sshll.u32 s26, $0x1;
	_ =	strace $0x8000004C;
	[dreg:$0x1] =	wrdreg $0xFFFFFFFF  }
0xb6: {  	s28 =	simm.s32 $_size_execute0_lowered;
	s4 =	sadd.s32 s4, s6;
	[dreg:$0x0] =	wrdreg $0x0  }
0xb7: {  	s6 =	sshll.u32 s28, $0x1;
	[dreg:$0x2] =	wrdreg s4  }
0xb8: {  	[dreg:$0x3] =	wrdreg s6  }
0xb9: {  	[dreg:$0x4] =	wrdreg $0xC0  }
0xba: {  	_ =	task [dreg:s22], $0x5FFFF  }
0xbb: {  	[dreg:$0x1] =	wrdreg $0xFFFFFFFF  }
0xbc: {  	[dreg:$0x0] =	wrdreg $0x60  }
0xbd: {  	[dreg:$0x2] =	wrdreg s18  }
0xbe: {  	[dreg:$0x3] =	wrdreg s24  }
0xbf: {  	[dreg:$0x4] =	wrdreg $0x0  }
0xc0: {  	[dreg:$0x5] =	wrdreg $0xA  }
0xc1: {  	_ =	task.clear_ibuf [dreg:s22], $0x6FFFF;
	_ =	strace $0x9000004C  }
0xc2: {  	s29 =	simm.s32 $0xA;
	_ =	strace $0x8000004E  }
0xc3: {  	_ =	swait.ge [sflag:s29], $0x1  }
0xc4: {  	[sflag:s29] =	ssyncadd.s32 $0xFFFFFFFF  }
0xc5: {  	_ =	strace $0x9000004E  }
0xc6: {  	_ =	sfence  }
0xc7: {  	s30 =	sld [smem:$0x0];
	_ =	sdelay $0x2  }
0xc8: {  	s31 =	sshll.u32 s1, $0xD;
	s1 =	sshrl.u32 s1, $0x2  }
0xc9: {  	s4 =	sand.u32 $0x4000, s31;
	s1 =	sadd.s32 s1, s30  }
0xca: {  	s0 =	sor.u32 s4, s0;
	s1 =	sshll.u32 s1, $0x11  }
0xcb: {  	s0 =	sor.u32 s1, s0  }
0xcc: {  	s0 =	sadd.s32 $0x8F2B, s0  }
0xcd: {  	[sflag:s0] =	ssyncadd.remote.s32 $0x1  }
0xce: {  	_ =	sfence.sel $0xFFFF  }
0xcf: {  	[dreg:$0x0] =	wrdreg $0xFFFFFFFF;
	(pc) =	sbr.abs _section_cstart, $3  }
0xd0: {  	[dreg:$0x1] =	wrdreg $0xFFFFFFFF  }
0xd1: {  	_ =	task.clear_ibuf [dreg:s22], $0x2FFFF;
	_ =	strace $0x9FFFFFFF  }
0xd2: {  	(tm) =	ssettm $0x7FFFFFFF  }
0xd3: {  	_ =	shalt  }
tec
execute0_lowered:
.L_overlay_start_1:
0x0: {  	(tag) =	ssettag $0x1  }
0x1: {  	s2 =	rddreg [dreg:$0x0]  }
0x2: {  	s0 =	srdreg.scid;
	s6 =	rddreg [dreg:$0x1]  }
0x3: {  	s3 =	rddreg [dreg:$0x2];
	s4 =	simm.s32 $0x0;
	s15 =	simm.s32 $0x13C00  }
0x4: {  	s16 =	simm.s32 $0x2;
	s5 =	sand.u32 $0x1, s0;
	s0 =	stileid.u32  }
0x5: {  	s17 =	simm.s32 $0x17C00;
	s18 =	simm.s32 $0x1A400;
	s9 =	smul.u32 $0x2780, s0  }
0x6: {  	s19 =	simm.s32 $0x1CC00;
	s1 =	sshll.u32 s5, $0x4;
	s10 =	smul.u32 $0x4F000, s0  }
0x7: {  	s20 =	simm.s32 $0x80;
	s28 =	smul.u32 $0x27800, s5;
	s1 =	sor.u32 s0, s1  }
0x8: {  	s21 =	simm.s32 $0x1;
	s29 =	ssub.s32 $0x2, s5;
	s7 =	smul.u32 $0x500, s1  }
0x9: {  	[smem:$0x7FF] =	sst s4;
	s31 =	sshrl.u32 s29, $0x1;
	s8 =	smul.u32 $0x4F0, s1  }
0xa: {  	s1 =	rddreg [dreg:$0x3];
	s30 =	sshrl.u32 s10, $0x2;
	s14 =	ssub.s32 s29, s31  }
0xb: {  	_ =	strace $0x8000004D;
	s5 =	sadd.s32 s30, s3;
	s14 =	smax.u32 s14, $0x1  }
0xc: {  	s11 =	sadd.s32 s7, s6;
	s12 =	sadd.s32 s8, s6;
	s7 =	sadd.s32 s9, s28  }
0xd: {  	s8 =	sadd.s32 $0xC000, s5;
	s9 =	sadd.s32 $0x10000, s5;
	s13 =	sadd.s32 s7, s6  }
0xe: {  	s6 =	sadd.s32 $0x4000, s5;
	s7 =	sadd.s32 $0x8000, s5;
	s10 =	sadd.s32 $0x52C00, s11  }
0xf: {  	v0 =	vimm.f32 $0.0e+00;
	s11 =	sadd.s32 $0x48C00, s11;
	s12 =	sadd.s32 $0x17600, s12;
	s13 =	sadd.s32 $0x83E00, s13  }
.LBB2_1:
0x10: {  	s22 =	simm.s32 $0x0;
	s23 =	simm.s32 $0x200  }
.LBB2_2:
0x11: {  	p0 =	sne.s32 s23, $0xFE00;
	[tilespmem:s22+$0x13C70] =	vst v0  }
0x12: {  	[tilespmem:s22+$0x13C00] =	vst v0  }
0x13: {  	[tilespmem:s22+$0x13C10] =	vst v0  }
.Ltmp0:
0x14: {  	[tilespmem:s22+$0x13C20] =	vst v0;
	(pc) =	sbr.rel @p0 .LBB2_2-.Ltmp0, $4  }
0x15: {  	[tilespmem:s22+$0x13C30] =	vst v0  }
0x16: {  	[tilespmem:s22+$0x13C40] =	vst v0  }
0x17: {  	[tilespmem:s22+$0x13C50] =	vst v0  }
0x18: {  	[tilespmem:s22+$0x13C60] =	vst v0;
	s22 =	sshra.s32 s23, $0x2;
	s23 =	sadd.s32 $0x200, s23  }
0x19: {  	[tilespmem:s22+$0x13C70] =	vst v0  }
0x1a: {  	[tilespmem:s22+$0x13C00] =	vst v0  }
0x1b: {  	[tilespmem:s22+$0x13C10] =	vst v0  }
0x1c: {  	[tilespmem:s22+$0x13C20] =	vst v0  }
0x1d: {  	[tilespmem:s22+$0x13C30] =	vst v0  }
0x1e: {  	[tilespmem:s22+$0x13C40] =	vst v0  }
0x1f: {  	[tilespmem:s22+$0x13C50] =	vst v0  }
0x20: {  	[tilespmem:s22+$0x13C60] =	vst v0  }
0x21: {  	[spmem:s5] =	stream.linear.scatter [tilespmem:s15], [sflag:$0x2], $0x4000, $0x38;
	[tilespmem:$0x1F380] =	vst v63  }
0x22: {  	_ =	swait.ge [sflag:s16], $0x4000  }
0x23: {  	[sflag:s16] =	ssyncset.done $0x0  }
0x24: {  	[sflag:s16] =	ssyncadd.s32 $0xFFFFC000  }
0x25: {  	[spmem:s6] =	stream.linear.scatter [tilespmem:s15], [sflag:$0x2], $0x4000, $0x38;
	[tilespmem:$0x1F380] =	vst v63  }
0x26: {  	_ =	swait.ge [sflag:s16], $0x4000  }
0x27: {  	[sflag:s16] =	ssyncset.done $0x0  }
0x28: {  	[sflag:s16] =	ssyncadd.s32 $0xFFFFC000  }
0x29: {  	[spmem:s7] =	stream.linear.scatter [tilespmem:s15], [sflag:$0x2], $0x4000, $0x38;
	[tilespmem:$0x1F380] =	vst v63  }
0x2a: {  	_ =	swait.ge [sflag:s16], $0x4000  }
0x2b: {  	[sflag:s16] =	ssyncset.done $0x0  }
0x2c: {  	[sflag:s16] =	ssyncadd.s32 $0xFFFFC000  }
0x2d: {  	[spmem:s8] =	stream.linear.scatter [tilespmem:s15], [sflag:$0x2], $0x4000, $0x38;
	[tilespmem:$0x1F380] =	vst v63  }
0x2e: {  	_ =	swait.ge [sflag:s16], $0x4000  }
0x2f: {  	[sflag:s16] =	ssyncset.done $0x0  }
0x30: {  	[sflag:s16] =	ssyncadd.s32 $0xFFFFC000  }
0x31: {  	[spmem:s9] =	stream.linear.scatter [tilespmem:s15], [sflag:$0x2], $0x3C00, $0x38;
	[tilespmem:$0x1F380] =	vst v63  }
0x32: {  	_ =	swait.ge [sflag:s16], $0x3C00  }
0x33: {  	[sflag:s16] =	ssyncset.done $0x0  }
0x34: {  	[sflag:s16] =	ssyncadd.s32 $0xFFFFC400  }
0x35: {  	s22 =	simm.s32 $0x0;
	[bflag:$0x0] =	sbarrier.arrive $0xFFFF  }
0x36: {  	[tilespmem:s17], [sflag:$0x2] =	stream.linear.gather [hbm4b:s10+s22], $0x2780, $0x38;
	[tilespmem:$0x1F380] =	vst v63  }
0x37: {  	_ =	swait.ge [sflag:s16], $0x2780  }
0x38: {  	[sflag:s16] =	ssyncset.done $0x0  }
0x39: {  	[sflag:s16] =	ssyncadd.s32 $0xFFFFD880  }
0x3a: {  	[tilespmem:s18], [sflag:$0x2] =	stream.linear.gather [hbm4b:s11+s22], $0x2780, $0x38;
	[tilespmem:$0x1F380] =	vst v63  }
0x3b: {  	_ =	swait.ge [sflag:s16], $0x2780  }
0x3c: {  	[sflag:s16] =	ssyncset.done $0x0  }
0x3d: {  	[sflag:s16] =	ssyncadd.s32 $0xFFFFD880  }
0x3e: {  	[tilespmem:s19], [sflag:$0x2] =	stream.linear.gather [hbm4b:s12+s22], $0x2780, $0x38;
	[tilespmem:$0x1F380] =	vst v63  }
0x3f: {  	_ =	swait.ge [sflag:s16], $0x2780  }
0x40: {  	[sflag:s16] =	ssyncset.done $0x0  }
0x41: {  	s23 =	simm.s32 $0x0;
	[sflag:s16] =	ssyncadd.s32 $0xFFFFD880  }
.LBB2_4:
0x42: {  	s24 =	sshll.u32 s23, $0x7  }
0x43: {  	s25 =	sadd.s32 $0x17C00, s24  }
0x44: {  	[tilespmem:s15], [sflag:$0x1] =	stream.indirect.gather [hbm4b:s2+s20], $0x80, s25, s20, $0xb8;
	[tilespmem:$0x1F380] =	vst v63  }
0x45: {  	s31 =	sadd.s32 $0x0, s22;
	_ =	swait.ge [sflag:s21], $0x4000  }
0x46: {  	v1 =	vmov s31;
	[sflag:s21] =	ssyncset.done $0x0  }
0x47: {  	s25 =	simm.s32 $0x13C40;
	[sflag:s21] =	ssyncadd.s32 $0xFFFFC000  }
0x48: {  	v5 =	vld [tilespmem:s25+$0x30]  }
0x49: {  	v8 =	vld [tilespmem:s25+$0x10]  }
0x4a: {  	v6 =	vld [tilespmem:s25+$0xFFFFFFC0]  }
0x4b: {  	v2 =	vld.idx.msk [tilespmem:v1+s19+$0x0], $0xffff  }
0x4c: {  	v10 =	vld [tilespmem:s25+$0xFFFFFFE0]  }
0x4d: {  	v1 =	vld [tilespmem:s25+$0xFFFFFFF0]  }
0x4e: {  	v3 =	vld [tilespmem:s25+$0x20]  }
0x4f: {  	v4 =	vld [tilespmem:s25+$0xFFFFFFD0]  }
0x50: {  	v9 =	vmul.f32 v5, v2;
	v5 =	vld [tilespmem:s25+$0x0]  }
0x51: {  	v7 =	vmul.f32 v6, v2  }
0x52: {  	s26 =	simm.s32 $0x1;
	s28 =	simm.s32 $0x13C40;
	v6 =	vmul.f32 v10, v2;
	v8 =	vmul.f32 v8, v2  }
.LBB2_5:
0x53: {  	p0 =	sne.s32 s26, $0x7F  }
0x54: {  	v4 =	vmul.f32 v4, v2;
	v3 =	vmul.f32 v3, v2;
	[tilespmem:s25+$0x30] =	vst v9;
	s28 =	sadd.s32 $0x80, s28;
	s29 =	smov.u32 s26;
	s26 =	sadd.s32 $0x1, s26  }
0x55: {  	[tilespmem:s25+$0xFFFFFFC0] =	vst v7;
	v7 =	vmul.f32 v1, v2;
	v2 =	vmul.f32 v5, v2  }
0x56: {  	s29 =	sadd.s32 s29, s22;
	[tilespmem:s25+$0x10] =	vst v8  }
0x57: {  	v5 =	vmov s29;
	[tilespmem:s25+$0xFFFFFFE0] =	vst v6  }
0x58: {  	v1 =	vld [tilespmem:s28+$0xFFFFFFF0];
	[tilespmem:s25+$0xFFFFFFF0] =	vst v7  }
0x59: {  	v6 =	vld [tilespmem:s28+$0x30];
	[tilespmem:s25+$0x0] =	vst v2  }
0x5a: {  	v8 =	vld [tilespmem:s28+$0x10];
	[tilespmem:s25+$0x20] =	vst v3  }
0x5b: {  	v7 =	vld [tilespmem:s28+$0xFFFFFFC0];
	[tilespmem:s25+$0xFFFFFFD0] =	vst v4;
	s25 =	smov.u32 s28  }
0x5c: {  	v2 =	vld.idx.msk [tilespmem:v5+s19+$0x0], $0xffff  }
0x5d: {  	v10 =	vld [tilespmem:s28+$0xFFFFFFE0]  }
0x5e: {  	v3 =	vld [tilespmem:s28+$0x20]  }
.Ltmp1:
0x5f: {  	v4 =	vld [tilespmem:s28+$0xFFFFFFD0];
	(pc) =	sbr.rel @p0 .LBB2_5-.Ltmp1, $3  }
0x60: {  	v5 =	vld [tilespmem:s28+$0x0];
	_ =	sdelay $0x1  }
0x61: {  	v7 =	vmul.f32 v7, v2;
	v9 =	vmul.f32 v6, v2  }
0x62: {  	v8 =	vmul.f32 v8, v2;
	v6 =	vmul.f32 v10, v2  }
0x63: {  	[tilespmem:s25+$0x30] =	vst v9  }
0x64: {  	[tilespmem:s25+$0xFFFFFFC0] =	vst v7  }
0x65: {  	v1 =	vmul.f32 v1, v2;
	[tilespmem:s25+$0x10] =	vst v8  }
0x66: {  	v3 =	vmul.f32 v3, v2;
	[tilespmem:s25+$0xFFFFFFE0] =	vst v6  }
0x67: {  	v5 =	vmul.f32 v5, v2;
	[tilespmem:s25+$0xFFFFFFF0] =	vst v1  }
0x68: {  	s23 =	sadd.s32 $0x1, s23;
	v1 =	vmul.f32 v4, v2;
	[tilespmem:s25+$0x20] =	vst v3  }
0x69: {  	p0 =	sne.s32 s23, $0x4F;
	[tilespmem:s25+$0x0] =	vst v5  }
.Ltmp2:
0x6a: {  	s24 =	sadd.s32 $0x1A400, s24;
	[tilespmem:s25+$0xFFFFFFD0] =	vst v1;
	(pc) =	sbr.rel @p0 .LBB2_4-.Ltmp2, $4  }
0x6b: {  	[spmem:s3] =	stream.indirect.scatter.add.f32 [tilespmem:s15], [sflag:$0x2], $0x80, s24, s20, $0xb8;
	[tilespmem:$0x1F380] =	vst v63  }
0x6c: {  	_ =	swait.ge [sflag:s16], $0x4000  }
0x6d: {  	[sflag:s16] =	ssyncset.done $0x0  }
0x6e: {  	s22 =	sadd.s32 $0x80, s22;
	[sflag:s16] =	ssyncadd.s32 $0xFFFFC000  }
0x6f: {  	s4 =	sadd.s32 $0x1, s4  }
0x70: {  	s22 =	sshll.u32 s0, $0x6;
	[bflag:$0x0] =	sbarrier.arrive $0xFFFF;
	p0 =	sne.s32 s4, s14  }
.Ltmp3:
0x71: {  	s23 =	sshrl.u32 s5, $0x3;
	s22 =	sor.u32 $0x1C02, s22;
	(pc) =	sbr.rel @p0 .LBB2_1-.Ltmp3, $4  }
0x72: {  	[hbm:s13], [sflag:s22] =	dma.local [spmem:s23], $0x2780  }
0x73: {  	_ =	swait.ge [sflag:s16], $0x2780  }
0x74: {  	[sflag:s16] =	ssyncset.done $0x0  }
0x75: {  	[sflag:s16] =	ssyncadd.s32 $0xFFFFD880  }
0x76: {  	_ =	sfence.sel $0x180000  }
0x77: {  	[bflag:$0x0] =	sbarrier.arrive $0xFFFF  }
0x78: {  	p0 =	sne.s32 s0, $0x0;
	_ =	strace $0x9000004D  }
0x79: {  	s0 =	sadd.s32 @!p0 $0x100000, s1;
	[bflag:$0x2] =	sbarrier.arrive $0xFFFF  }
0x7a: {  	[sflag:s0] =	ssyncadd.tile.s32 @!p0 $0x1;
	_ =	shalt  }
.Lfunc_end2:
_tile_overlayer_lowered:
.L_overlay_start_2:
0x7b: {  	(tag) =	ssettag $0x2  }
0x7c: {  	s0 =	rddreg [dreg:$0x0];
	s2 =	stileid.u32  }
0x7d: {  	s1 =	rddreg [dreg:$0x1];
	p0 =	sne.s32 s2, $0x0  }
0x7e: {  	s3 =	rddreg [dreg:$0x2];
	[bflag:$0x3] =	sbarrier.arrive $0xFFFF;
	s2 =	simm.s32 @!p0 $0x1C02  }
0x7f: {  	[timem:s3], [sflag:s2] =	dma.local @!p0 [hbm:s0], s1  }
0x80: {  	s0 =	simm.s32 @!p0 $0x2  }
0x81: {  	_ =	swait.ge @!p0 [sflag:s0], s1  }
0x82: {  	s1 =	ssub.s32 @!p0 $0x0, s1;
	[sflag:s0] =	ssyncset.done @!p0 $0x0  }
0x83: {  	[sflag:s0] =	ssyncadd.s32 @!p0 s1  }
0x84: {  	[bflag:$0x3] =	sbarrier.arrive $0xFFFF  }
0x85: {  	_ =	shalt  }

// kernel: kernel.19.cloned.1.call-start
scs
__scs_entry_jumppad:
0x0: {  	(pc) =	sbr.rel $0x88, $3  }
0x1: {  	(tag) =	ssettag $0x0;
	lr =	simm.s32 $0x1  }
0x2: {  	[smem:$0x3F8E] =	sst lr;
	_ =	strace $0xD0000000  }
0x3: {  	_ = 	snop  }
0x4: {  	_ = 	snop  }
0x5: {  	_ = 	snop  }
0x6: {  	_ = 	snop  }
0x7: {  	_ = 	snop  }
__scs_overlays_trampoline_lowered:
0x8: {  	[smem:$0x3F9D] =	sst s0  }
0x9: {  	[smem:$0x3F9E] =	sst s1  }
0xa: {  	[smem:$0x3F9F] =	sst s2  }
0xb: {  	[smem:$0x3FA0] =	sst s3  }
0xc: {  	[smem:$0x3FA1] =	sst s4  }
0xd: {  	[smem:$0x3FA2] =	sst s5  }
0xe: {  	[smem:$0x3FA3] =	sst s6  }
0xf: {  	[smem:$0x3FA4] =	sst s7  }
0x10: {  	[smem:$0x3FA5] =	sst s8  }
0x11: {  	[smem:$0x3FA6] =	sst s9;
	s0 =	simm.s32 @!p0 $0x0  }
0x12: {  	s1 =	sld [smem:$0x3F8C];
	s0 =	simm.s32 @p0 $0x1  }
0x13: {  	[smem:$0x3FA7] =	sst s0;
	s0 =	simm.s32 @!p1 $0x0  }
0x14: {  	s2 =	sld [smem:$0x3F8B];
	s0 =	simm.s32 @p1 $0x1  }
0x15: {  	[smem:$0x3FA8] =	sst s0;
	s0 =	simm.s32 @!p2 $0x0  }
0x16: {  	s3 =	sld [smem:$0x3FDB];
	s0 =	simm.s32 @p2 $0x1  }
0x17: {  	s4 =	simm.s32 $0x1BF5;
	[smem:$0x3FAA] =	sst s0  }
0x18: {  	s0 =	sld [smem:$0x3F8D];
	_ =	swait.ge [sflag:s4], $0x0  }
0x19: {  	s7 =	sld [smem:$0x3F8E]  }
0x1a: {  	s8 =	sadd.s32 $0xFFFFE003, lr  }
0x1b: {  	s9 =	sadd.s32 $0xFFFFFEF7, lr;
	s5 =	simm.s32 $0xFFFFFFFF;
	p2 =	slt.u32 s8, $0xFFFFF086  }
0x1c: {  	p1 =	slt.u32 s9, $0xF7A;
	s5 =	simm.s32 @!p2 $0x0  }
0x1d: {  	s5 =	simm.s32 @p1 $0x1;
	p0 =	seq.s32 s7, s2  }
0x1e: {  	s7 =	smul.u32 @!p0 $0xF7A, s2;
	p2 =	seq.s32 @!p0 s5, $0x0  }
0x1f: {  	s9 =	smul.u32 $0xF7A, s1;
	s8 =	simm.s32 @!p0 $0x1BF5;
	p2 =	por !p2, p0  }
0x20: {  	[sflag:s8] =	ssyncset.s32 @!p0 $0xFFFFF086;
	s6 =	sadd.s32 @!p0 s3, s7;
	s7 =	simm.s32 @!p0 $0x108  }
0x21: {  	s3 =	sadd.s32 s3, s9;
	s6 =	sadd.s32 @!p0 $0x88, s6;
	s7 =	simm.s32 @p2 $0x1082  }
0x22: {  	[simem:s7], [sflag:s8] =	dma.local @!p0 [hbm:s6], $0xF7A  }
0x23: {  	s9 =	sor.u32 $0xD0000000, s2;
	s6 =	simm.s32 $0x108;
	_ =	swait.ge @!p0 [sflag:s8], $0x0  }
0x24: {  	s3 =	sadd.s32 $0x88, s3;
	s6 =	simm.s32 @!p1 $0x1082;
	[sflag:s4] =	ssyncset.s32 $0xFFFFF086  }
0x25: {  	[simem:s6], [sflag:s4] =	dma.local [hbm:s3], $0xF7A  }
0x26: {  	[smem:$0x3F8E] =	sst s1;
	(tag) =	ssettag s2;
	_ =	strace s9  }
0x27: {  	s1 =	sld [smem:$0x3F9E]  }
0x28: {  	s2 =	sld [smem:$0x3F9F]  }
0x29: {  	s4 =	sld [smem:$0x3FA1]  }
0x2a: {  	p0 =	seq.s32 s5, $0x0;
	s5 =	sld [smem:$0x3FA2]  }
0x2b: {  	s6 =	sld [smem:$0x3FA3]  }
0x2c: {  	s7 =	sld [smem:$0x3FA4]  }
0x2d: {  	s3 =	simm.s32 $0x108;
	s8 =	sld [smem:$0x3FA5]  }
0x2e: {  	s3 =	simm.s32 @!p0 $0x1082;
	s9 =	sld [smem:$0x3FA6]  }
0x2f: {  	lr =	sadd.s32 s0, s3;
	s0 =	sld [smem:$0x3F9D]  }
0x30: {  	s3 =	sld [smem:$0x3FA0]  }
0x31: {  	[smem:$0x3FA9] =	sst s10  }
0x32: {  	s10 =	sld [smem:$0x3FA7];
	_ =	sdelay $0x3  }
0x33: {  	p0 =	seq.s32 s10, $0x1;
	s10 =	sld [smem:$0x3FA9];
	_ =	sdelay $0x3  }
0x34: {  	[smem:$0x3FA9] =	sst s10  }
0x35: {  	s10 =	sld [smem:$0x3FA8];
	_ =	sdelay $0x3  }
0x36: {  	p1 =	seq.s32 s10, $0x1;
	s10 =	sld [smem:$0x3FA9];
	_ =	sdelay $0x3  }
0x37: {  	[smem:$0x3FA9] =	sst s10  }
0x38: {  	s10 =	sld [smem:$0x3FAA]  }
0x39: {  	_ = 	snop;
	(pc) =	sbr.ind lr, $3  }
0x3a: {  	_ = 	snop  }
0x3b: {  	_ = 	snop  }
0x3c: {  	p2 =	seq.s32 s10, $0x1;
	s10 =	sld [smem:$0x3FA9]  }
0x3d: {  	_ =	shalt  }
0x3e: {  	_ =	shalt  }
0x3f: {  	_ =	shalt  }
0x40: {  	_ =	shalt  }
0x41: {  	_ =	shalt  }
0x42: {  	_ =	shalt  }
0x43: {  	_ =	shalt  }
0x44: {  	_ =	shalt  }
0x45: {  	_ =	shalt  }
0x46: {  	_ =	shalt  }
0x47: {  	_ =	shalt  }
0x48: {  	_ =	shalt  }
0x49: {  	_ =	shalt  }
0x4a: {  	_ =	shalt  }
0x4b: {  	_ =	shalt  }
0x4c: {  	_ =	shalt  }
0x4d: {  	_ =	shalt  }
0x4e: {  	_ =	shalt  }
0x4f: {  	_ =	shalt  }
0x50: {  	_ =	shalt  }
0x51: {  	_ =	shalt  }
0x52: {  	_ =	shalt  }
0x53: {  	_ =	shalt  }
0x54: {  	_ =	shalt  }
0x55: {  	_ =	shalt  }
0x56: {  	_ =	shalt  }
0x57: {  	_ =	shalt  }
0x58: {  	_ =	shalt  }
0x59: {  	_ =	shalt  }
0x5a: {  	_ =	shalt  }
0x5b: {  	_ =	shalt  }
0x5c: {  	_ =	shalt  }
0x5d: {  	_ =	shalt  }
0x5e: {  	_ =	shalt  }
0x5f: {  	_ =	shalt  }
0x60: {  	_ =	shalt  }
0x61: {  	_ =	shalt  }
0x62: {  	_ =	shalt  }
0x63: {  	_ =	shalt  }
0x64: {  	_ =	shalt  }
0x65: {  	_ =	shalt  }
0x66: {  	_ =	shalt  }
0x67: {  	_ =	shalt  }
0x68: {  	_ =	shalt  }
0x69: {  	_ =	shalt  }
0x6a: {  	_ =	shalt  }
0x6b: {  	_ =	shalt  }
0x6c: {  	_ =	shalt  }
0x6d: {  	_ =	shalt  }
0x6e: {  	_ =	shalt  }
0x6f: {  	_ =	shalt  }
0x70: {  	_ =	shalt  }
0x71: {  	_ =	shalt  }
0x72: {  	_ =	shalt  }
0x73: {  	_ =	shalt  }
0x74: {  	_ =	shalt  }
0x75: {  	_ =	shalt  }
0x76: {  	_ =	shalt  }
0x77: {  	_ =	shalt  }
0x78: {  	_ =	shalt  }
0x79: {  	_ =	shalt  }
0x7a: {  	_ =	shalt  }
0x7b: {  	_ =	shalt  }
0x7c: {  	_ =	shalt  }
0x7d: {  	_ =	shalt  }
0x7e: {  	_ =	shalt  }
0x7f: {  	_ =	shalt  }
0x80: {  	_ =	shalt  }
0x81: {  	_ =	shalt  }
0x82: {  	_ =	shalt  }
0x83: {  	_ =	shalt  }
0x84: {  	_ =	shalt  }
0x85: {  	_ =	shalt  }
0x86: {  	_ =	shalt  }
0x87: {  	_ =	shalt  }
.Lfunc_end0:
.L_simem_size_0:
called_computation.3_lowered:
.L_overlay_start_0:
0x88: {  	s2 =	sld [smem:$0x3FD9]  }
0x89: {  	s3 =	sld [smem:$0x3FFE];
	_ =	sdelay $0x1  }
0x8a: {  	s1 =	srdreg.scid  }
0x8b: {  	s0 =	sand.u32 $0x1, s1  }
0x8c: {  	s17 =	sshll.u32 s0, $0xA;
	s2 =	sadd.s32 s3, s2  }
0x8d: {  	s2 =	sadd.s32 s2, s17  }
0x8e: {  	[smem:$0x3FB5] =	sst s2  }
0x8f: {  	_ = 	snop  }
0x90: {  	s2 =	sld [smem:$0x3FD0];
	(tm) =	ssettm $0x1  }
0x91: {  	s18 =	sld [smem:$0x3FFB];
	_ =	sdelay $0x3  }
0x92: {  	_ =	strace s18  }
0x93: {  	s3 =	sld [smem:$0x3FFC];
	_ =	sdelay $0x3  }
0x94: {  	_ =	strace s3  }
0x95: {  	s3 =	sld [smem:$0x3FFD];
	_ =	sdelay $0x3  }
0x96: {  	_ =	strace s3  }
0x97: {  	_ =	strace $0x8FFFFFFF  }
0x98: {  	s19 =	sld [smem:$0x3FDB];
	_ =	sdelay $0x1  }
0x99: {  	s4 =	simm.s32 $_scs_section_size  }
0x9a: {  	s5 =	simm.s32 $_size__tile_overlayer_lowered;
	s6 =	simm.s32 $_tile_overlayer_lowered  }
0x9b: {  	s22 =	simm.s32 $0x1BFF;
	s21 =	sshll.u32 s6, $0x1;
	s3 =	sadd.s32 s4, s19  }
0x9c: {  	s7 =	simm.s32 $0x0;
	s20 =	sshll.u32 s5, $0x1;
	s5 =	sadd.s32 s21, s3  }
0x9d: {  	[timem:s7], [sflag:s22] =	dma.local [hbm:s5], s20  }
0x9e: {  	_ =	swait.ge [sflag:s22], s20  }
0x9f: {  	s4 =	ssub.s32 $0x0, s20;
	[sflag:s22] =	ssyncset.done $0x0  }
0xa0: {  	[sflag:s22] =	ssyncadd.s32 s4;
	_ =	sdelay $0x1  }
0xa1: {  	s23 =	simm.s32 $0x1B8B  }
0xa2: {  	_ =	swait.ge [sflag:s23], $0x1  }
0xa3: {  	[sflag:s23] =	ssyncset.done $0x0  }
0xa4: {  	s25 =	simm.s32 $0x1B8E;
	s24 =	sld [smem:$0x3FFE];
	[sflag:s23] =	ssyncadd.s32 $0xFFFFFFFF  }
0xa5: {  	s26 =	simm.s32 $execute0_lowered;
	[smem:$0x3FD2] =	sst s25  }
0xa6: {  	s5 =	sshll.u32 s26, $0x1;
	_ =	strace $0x8000004F;
	[dreg:$0x1] =	wrdreg $0xFFFFFFFF  }
0xa7: {  	s28 =	simm.s32 $_size_execute0_lowered;
	s3 =	sadd.s32 s3, s5;
	[dreg:$0x0] =	wrdreg $0x0  }
0xa8: {  	s5 =	sshll.u32 s28, $0x1;
	[dreg:$0x2] =	wrdreg s3  }
0xa9: {  	[dreg:$0x3] =	wrdreg s5  }
0xaa: {  	[dreg:$0x4] =	wrdreg $0xC0  }
0xab: {  	_ =	task [dreg:s7], $0x5FFFF  }
0xac: {  	[dreg:$0x1] =	wrdreg $0xFFFFFFFF  }
0xad: {  	[dreg:$0x0] =	wrdreg $0x60  }
0xae: {  	[dreg:$0x2] =	wrdreg s2  }
0xaf: {  	[dreg:$0x3] =	wrdreg s24  }
0xb0: {  	[dreg:$0x4] =	wrdreg $0x0  }
0xb1: {  	[dreg:$0x5] =	wrdreg $0x9  }
0xb2: {  	_ =	task.clear_ibuf [dreg:s7], $0x6FFFF;
	_ =	strace $0x9000004F  }
0xb3: {  	s29 =	simm.s32 $0x9;
	_ =	strace $0x80000051  }
0xb4: {  	_ =	swait.ge [sflag:s29], $0x1  }
0xb5: {  	[sflag:s29] =	ssyncadd.s32 $0xFFFFFFFF  }
0xb6: {  	_ =	strace $0x90000051  }
0xb7: {  	_ =	sfence  }
0xb8: {  	s30 =	sld [smem:$0x0];
	_ =	sdelay $0x2  }
0xb9: {  	s31 =	sshll.u32 s1, $0xD;
	s1 =	sshrl.u32 s1, $0x2  }
0xba: {  	s3 =	sand.u32 $0x4000, s31;
	s1 =	sadd.s32 s1, s30  }
0xbb: {  	s0 =	sor.u32 s3, s0;
	s1 =	sshll.u32 s1, $0x11  }
0xbc: {  	s0 =	sor.u32 s1, s0  }
0xbd: {  	s0 =	sadd.s32 $0x8F2B, s0  }
0xbe: {  	[sflag:s0] =	ssyncadd.remote.s32 $0x1  }
0xbf: {  	_ =	sfence.sel $0xFFFF  }
0xc0: {  	[dreg:$0x0] =	wrdreg $0xFFFFFFFF;
	(pc) =	sbr.abs _section_cstart, $3  }
0xc1: {  	[dreg:$0x1] =	wrdreg $0xFFFFFFFF  }
0xc2: {  	_ =	task.clear_ibuf [dreg:s7], $0x2FFFF;
	_ =	strace $0x9FFFFFFF  }
0xc3: {  	(tm) =	ssettm $0x7FFFFFFF  }
tec
execute0_lowered:
.L_overlay_start_1:
0x0: {  	(tag) =	ssettag $0x1  }
0x1: {  	s2 =	rddreg [dreg:$0x0]  }
0x2: {  	s0 =	srdreg.scid;
	s6 =	rddreg [dreg:$0x1]  }
0x3: {  	s3 =	rddreg [dreg:$0x2];
	s4 =	simm.s32 $0x0;
	s15 =	simm.s32 $0x13C00  }
0x4: {  	s16 =	simm.s32 $0x2;
	s5 =	sand.u32 $0x1, s0;
	s0 =	stileid.u32  }
0x5: {  	s17 =	simm.s32 $0x17C00;
	s18 =	simm.s32 $0x1A400;
	s9 =	smul.u32 $0x2780, s0  }
0x6: {  	s19 =	simm.s32 $0x1CC00;
	s1 =	sshll.u32 s5, $0x4;
	s10 =	smul.u32 $0x4F000, s0  }
0x7: {  	s20 =	simm.s32 $0x80;
	s28 =	smul.u32 $0x27800, s5;
	s1 =	sor.u32 s0, s1  }
0x8: {  	s21 =	simm.s32 $0x1;
	s29 =	ssub.s32 $0x2, s5;
	s7 =	smul.u32 $0x500, s1  }
0x9: {  	[smem:$0x7FF] =	sst s4;
	s31 =	sshrl.u32 s29, $0x1;
	s8 =	smul.u32 $0x4F0, s1  }
0xa: {  	s1 =	rddreg [dreg:$0x3];
	s30 =	sshrl.u32 s10, $0x2;
	s14 =	ssub.s32 s29, s31  }
0xb: {  	_ =	strace $0x80000050;
	s5 =	sadd.s32 s30, s3;
	s14 =	smax.u32 s14, $0x1  }
0xc: {  	s11 =	sadd.s32 s7, s6;
	s12 =	sadd.s32 s8, s6;
	s7 =	sadd.s32 s9, s28  }
0xd: {  	s8 =	sadd.s32 $0xC000, s5;
	s9 =	sadd.s32 $0x10000, s5;
	s13 =	sadd.s32 s7, s6  }
0xe: {  	s6 =	sadd.s32 $0x4000, s5;
	s7 =	sadd.s32 $0x8000, s5;
	s10 =	sadd.s32 $0x3A00, s11  }
0xf: {  	v0 =	vimm.f32 $0.0e+00;
	s11 =	sadd.s32 $0xD2E00, s11;
	s12 =	sadd.s32 $0x35000, s12;
	s13 =	sadd.s32 $0x3EE00, s13  }
.LBB2_1:
0x10: {  	s22 =	simm.s32 $0x0;
	s23 =	simm.s32 $0x200  }
.LBB2_2:
0x11: {  	p0 =	sne.s32 s23, $0xFE00;
	[tilespmem:s22+$0x13C70] =	vst v0  }
0x12: {  	[tilespmem:s22+$0x13C00] =	vst v0  }
0x13: {  	[tilespmem:s22+$0x13C10] =	vst v0  }
.Ltmp0:
0x14: {  	[tilespmem:s22+$0x13C20] =	vst v0;
	(pc) =	sbr.rel @p0 .LBB2_2-.Ltmp0, $4  }
0x15: {  	[tilespmem:s22+$0x13C30] =	vst v0  }
0x16: {  	[tilespmem:s22+$0x13C40] =	vst v0  }
0x17: {  	[tilespmem:s22+$0x13C50] =	vst v0  }
0x18: {  	[tilespmem:s22+$0x13C60] =	vst v0;
	s22 =	sshra.s32 s23, $0x2;
	s23 =	sadd.s32 $0x200, s23  }
0x19: {  	[tilespmem:s22+$0x13C70] =	vst v0  }
0x1a: {  	[tilespmem:s22+$0x13C00] =	vst v0  }
0x1b: {  	[tilespmem:s22+$0x13C10] =	vst v0  }
0x1c: {  	[tilespmem:s22+$0x13C20] =	vst v0  }
0x1d: {  	[tilespmem:s22+$0x13C30] =	vst v0  }
0x1e: {  	[tilespmem:s22+$0x13C40] =	vst v0  }
0x1f: {  	[tilespmem:s22+$0x13C50] =	vst v0  }
0x20: {  	[tilespmem:s22+$0x13C60] =	vst v0  }
0x21: {  	[spmem:s5] =	stream.linear.scatter [tilespmem:s15], [sflag:$0x2], $0x4000, $0x38;
	[tilespmem:$0x1F380] =	vst v63  }
0x22: {  	_ =	swait.ge [sflag:s16], $0x4000  }
0x23: {  	[sflag:s16] =	ssyncset.done $0x0  }
0x24: {  	[sflag:s16] =	ssyncadd.s32 $0xFFFFC000  }
0x25: {  	[spmem:s6] =	stream.linear.scatter [tilespmem:s15], [sflag:$0x2], $0x4000, $0x38;
	[tilespmem:$0x1F380] =	vst v63  }
0x26: {  	_ =	swait.ge [sflag:s16], $0x4000  }
0x27: {  	[sflag:s16] =	ssyncset.done $0x0  }
0x28: {  	[sflag:s16] =	ssyncadd.s32 $0xFFFFC000  }
0x29: {  	[spmem:s7] =	stream.linear.scatter [tilespmem:s15], [sflag:$0x2], $0x4000, $0x38;
	[tilespmem:$0x1F380] =	vst v63  }
0x2a: {  	_ =	swait.ge [sflag:s16], $0x4000  }
0x2b: {  	[sflag:s16] =	ssyncset.done $0x0  }
0x2c: {  	[sflag:s16] =	ssyncadd.s32 $0xFFFFC000  }
0x2d: {  	[spmem:s8] =	stream.linear.scatter [tilespmem:s15], [sflag:$0x2], $0x4000, $0x38;
	[tilespmem:$0x1F380] =	vst v63  }
0x2e: {  	_ =	swait.ge [sflag:s16], $0x4000  }
0x2f: {  	[sflag:s16] =	ssyncset.done $0x0  }
0x30: {  	[sflag:s16] =	ssyncadd.s32 $0xFFFFC000  }
0x31: {  	[spmem:s9] =	stream.linear.scatter [tilespmem:s15], [sflag:$0x2], $0x3C00, $0x38;
	[tilespmem:$0x1F380] =	vst v63  }
0x32: {  	_ =	swait.ge [sflag:s16], $0x3C00  }
0x33: {  	[sflag:s16] =	ssyncset.done $0x0  }
0x34: {  	[sflag:s16] =	ssyncadd.s32 $0xFFFFC400  }
0x35: {  	s22 =	simm.s32 $0x0;
	[bflag:$0x0] =	sbarrier.arrive $0xFFFF  }
0x36: {  	[tilespmem:s17], [sflag:$0x2] =	stream.linear.gather [hbm4b:s10+s22], $0x2780, $0x38;
	[tilespmem:$0x1F380] =	vst v63  }
0x37: {  	_ =	swait.ge [sflag:s16], $0x2780  }
0x38: {  	[sflag:s16] =	ssyncset.done $0x0  }
0x39: {  	[sflag:s16] =	ssyncadd.s32 $0xFFFFD880  }
0x3a: {  	[tilespmem:s18], [sflag:$0x2] =	stream.linear.gather [hbm4b:s11+s22], $0x2780, $0x38;
	[tilespmem:$0x1F380] =	vst v63  }
0x3b: {  	_ =	swait.ge [sflag:s16], $0x2780  }
0x3c: {  	[sflag:s16] =	ssyncset.done $0x0  }
0x3d: {  	[sflag:s16] =	ssyncadd.s32 $0xFFFFD880  }
0x3e: {  	[tilespmem:s19], [sflag:$0x2] =	stream.linear.gather [hbm4b:s12+s22], $0x2780, $0x38;
	[tilespmem:$0x1F380] =	vst v63  }
0x3f: {  	_ =	swait.ge [sflag:s16], $0x2780  }
0x40: {  	[sflag:s16] =	ssyncset.done $0x0  }
0x41: {  	s23 =	simm.s32 $0x0;
	[sflag:s16] =	ssyncadd.s32 $0xFFFFD880  }
.LBB2_4:
0x42: {  	s24 =	sshll.u32 s23, $0x7  }
0x43: {  	s25 =	sadd.s32 $0x17C00, s24  }
0x44: {  	[tilespmem:s15], [sflag:$0x1] =	stream.indirect.gather [hbm4b:s2+s20], $0x80, s25, s20, $0xb8;
	[tilespmem:$0x1F380] =	vst v63  }
0x45: {  	s31 =	sadd.s32 $0x0, s22;
	_ =	swait.ge [sflag:s21], $0x4000  }
0x46: {  	v1 =	vmov s31;
	[sflag:s21] =	ssyncset.done $0x0  }
0x47: {  	s25 =	simm.s32 $0x13C40;
	[sflag:s21] =	ssyncadd.s32 $0xFFFFC000  }
0x48: {  	v5 =	vld [tilespmem:s25+$0x30]  }
0x49: {  	v8 =	vld [tilespmem:s25+$0x10]  }
0x4a: {  	v6 =	vld [tilespmem:s25+$0xFFFFFFC0]  }
0x4b: {  	v2 =	vld.idx.msk [tilespmem:v1+s19+$0x0], $0xffff  }
0x4c: {  	v10 =	vld [tilespmem:s25+$0xFFFFFFE0]  }
0x4d: {  	v1 =	vld [tilespmem:s25+$0xFFFFFFF0]  }
0x4e: {  	v3 =	vld [tilespmem:s25+$0x20]  }
0x4f: {  	v4 =	vld [tilespmem:s25+$0xFFFFFFD0]  }
0x50: {  	v9 =	vmul.f32 v5, v2;
	v5 =	vld [tilespmem:s25+$0x0]  }
0x51: {  	v7 =	vmul.f32 v6, v2  }
0x52: {  	s26 =	simm.s32 $0x1;
	s28 =	simm.s32 $0x13C40;
	v6 =	vmul.f32 v10, v2;
	v8 =	vmul.f32 v8, v2  }
.LBB2_5:
0x53: {  	p0 =	sne.s32 s26, $0x7F  }
0x54: {  	v4 =	vmul.f32 v4, v2;
	v3 =	vmul.f32 v3, v2;
	[tilespmem:s25+$0x30] =	vst v9;
	s28 =	sadd.s32 $0x80, s28;
	s29 =	smov.u32 s26;
	s26 =	sadd.s32 $0x1, s26  }
0x55: {  	[tilespmem:s25+$0xFFFFFFC0] =	vst v7;
	v7 =	vmul.f32 v1, v2;
	v2 =	vmul.f32 v5, v2  }
0x56: {  	s29 =	sadd.s32 s29, s22;
	[tilespmem:s25+$0x10] =	vst v8  }
0x57: {  	v5 =	vmov s29;
	[tilespmem:s25+$0xFFFFFFE0] =	vst v6  }
0x58: {  	v1 =	vld [tilespmem:s28+$0xFFFFFFF0];
	[tilespmem:s25+$0xFFFFFFF0] =	vst v7  }
0x59: {  	v6 =	vld [tilespmem:s28+$0x30];
	[tilespmem:s25+$0x0] =	vst v2  }
0x5a: {  	v8 =	vld [tilespmem:s28+$0x10];
	[tilespmem:s25+$0x20] =	vst v3  }
0x5b: {  	v7 =	vld [tilespmem:s28+$0xFFFFFFC0];
	[tilespmem:s25+$0xFFFFFFD0] =	vst v4;
	s25 =	smov.u32 s28  }
0x5c: {  	v2 =	vld.idx.msk [tilespmem:v5+s19+$0x0], $0xffff  }
0x5d: {  	v10 =	vld [tilespmem:s28+$0xFFFFFFE0]  }
0x5e: {  	v3 =	vld [tilespmem:s28+$0x20]  }
.Ltmp1:
0x5f: {  	v4 =	vld [tilespmem:s28+$0xFFFFFFD0];
	(pc) =	sbr.rel @p0 .LBB2_5-.Ltmp1, $3  }
0x60: {  	v5 =	vld [tilespmem:s28+$0x0];
	_ =	sdelay $0x1  }
0x61: {  	v7 =	vmul.f32 v7, v2;
	v9 =	vmul.f32 v6, v2  }
0x62: {  	v8 =	vmul.f32 v8, v2;
	v6 =	vmul.f32 v10, v2  }
0x63: {  	[tilespmem:s25+$0x30] =	vst v9  }
0x64: {  	[tilespmem:s25+$0xFFFFFFC0] =	vst v7  }
0x65: {  	v1 =	vmul.f32 v1, v2;
	[tilespmem:s25+$0x10] =	vst v8  }
0x66: {  	v3 =	vmul.f32 v3, v2;
	[tilespmem:s25+$0xFFFFFFE0] =	vst v6  }
0x67: {  	v5 =	vmul.f32 v5, v2;
	[tilespmem:s25+$0xFFFFFFF0] =	vst v1  }
0x68: {  	s23 =	sadd.s32 $0x1, s23;
	v1 =	vmul.f32 v4, v2;
	[tilespmem:s25+$0x20] =	vst v3  }
0x69: {  	p0 =	sne.s32 s23, $0x4F;
	[tilespmem:s25+$0x0] =	vst v5  }
.Ltmp2:
0x6a: {  	s24 =	sadd.s32 $0x1A400, s24;
	[tilespmem:s25+$0xFFFFFFD0] =	vst v1;
	(pc) =	sbr.rel @p0 .LBB2_4-.Ltmp2, $4  }
0x6b: {  	[spmem:s3] =	stream.indirect.scatter.add.f32 [tilespmem:s15], [sflag:$0x2], $0x80, s24, s20, $0xb8;
	[tilespmem:$0x1F380] =	vst v63  }
0x6c: {  	_ =	swait.ge [sflag:s16], $0x4000  }
0x6d: {  	[sflag:s16] =	ssyncset.done $0x0  }
0x6e: {  	s22 =	sadd.s32 $0x80, s22;
	[sflag:s16] =	ssyncadd.s32 $0xFFFFC000  }
0x6f: {  	s4 =	sadd.s32 $0x1, s4  }
0x70: {  	s22 =	sshll.u32 s0, $0x6;
	[bflag:$0x0] =	sbarrier.arrive $0xFFFF;
	p0 =	sne.s32 s4, s14  }
.Ltmp3:
0x71: {  	s23 =	sshrl.u32 s5, $0x3;
	s22 =	sor.u32 $0x1C02, s22;
	(pc) =	sbr.rel @p0 .LBB2_1-.Ltmp3, $4  }
0x72: {  	[hbm:s13], [sflag:s22] =	dma.local [spmem:s23], $0x2780  }
0x73: {  	_ =	swait.ge [sflag:s16], $0x2780  }
0x74: {  	[sflag:s16] =	ssyncset.done $0x0  }
0x75: {  	[sflag:s16] =	ssyncadd.s32 $0xFFFFD880  }
0x76: {  	_ =	sfence.sel $0x180000  }
0x77: {  	[bflag:$0x0] =	sbarrier.arrive $0xFFFF  }
0x78: {  	p0 =	sne.s32 s0, $0x0;
	_ =	strace $0x90000050  }
0x79: {  	s0 =	sadd.s32 @!p0 $0x100000, s1;
	[bflag:$0x2] =	sbarrier.arrive $0xFFFF  }
0x7a: {  	[sflag:s0] =	ssyncadd.tile.s32 @!p0 $0x1;
	_ =	shalt  }
.Lfunc_end2:
_tile_overlayer_lowered:
.L_overlay_start_2:
0x7b: {  	(tag) =	ssettag $0x2  }
0x7c: {  	s0 =	rddreg [dreg:$0x0];
	s2 =	stileid.u32  }
0x7d: {  	s1 =	rddreg [dreg:$0x1];
	p0 =	sne.s32 s2, $0x0  }
0x7e: {  	s3 =	rddreg [dreg:$0x2];
	[bflag:$0x3] =	sbarrier.arrive $0xFFFF;
	s2 =	simm.s32 @!p0 $0x1C02  }
0x7f: {  	[timem:s3], [sflag:s2] =	dma.local @!p0 [hbm:s0], s1  }
0x80: {  	s0 =	simm.s32 @!p0 $0x2  }
0x81: {  	_ =	swait.ge @!p0 [sflag:s0], s1  }
0x82: {  	s1 =	ssub.s32 @!p0 $0x0, s1;
	[sflag:s0] =	ssyncset.done @!p0 $0x0  }
0x83: {  	[sflag:s0] =	ssyncadd.s32 @!p0 s1  }
0x84: {  	[bflag:$0x3] =	sbarrier.arrive $0xFFFF  }
0x85: {  	_ =	shalt  }

</sc_bundles>
